<compile_context>
chip_gen: v7x
topology: tpu7x:2x2x1
jax: 0.10.2.dev20260603
libtpu: 0.0.44.dev20260713+nightly
codegen_flags: <defaults>
</compile_context>

<pallas_src>
import functools

import jax
import jax.numpy as jnp
from jax import lax
from jax.experimental import pallas as pl
from jax.experimental.pallas import tpu as pltpu, tpu_sc as plsc

N = 32768
D = 256
K = 8192
RB = 512
NRB = N // RB
CW = 512
LW = 128

NC = 2
NS = 16
NW = NC * NS
BPW = N // NW
CH = 128
NCHUNK = BPW // CH


def _argmin_body(x_ref, v_ref, aux_ref, idx_ref, loss_ref, acc_ref):
    i = pl.program_id(0)
    x = x_ref[...]
    x2 = jnp.sum(x * x, axis=1, keepdims=True)
    xs = x * -2.0

    amin = jnp.full((RB, LW), jnp.float32(jnp.inf))
    aarg = jnp.full((RB, LW), jnp.float32(K))
    for c in range(K // CW):
        sl = slice(c * CW, (c + 1) * CW)
        xvc = jnp.dot(xs, v_ref[:, sl], preferred_element_type=jnp.float32)
        sc = (x2 + xvc) + aux_ref[0:1, sl]
        for l in range(CW // LW):
            s_l = sc[:, l * LW:(l + 1) * LW]
            col_l = jnp.broadcast_to(
                aux_ref[1:2, c * CW + l * LW: c * CW + (l + 1) * LW], (RB, LW)
            )
            aarg = jnp.where(s_l < amin, col_l, aarg)
            amin = jnp.minimum(s_l, amin)
    rowmin = jnp.min(amin, axis=1, keepdims=True)
    masked = jnp.where(amin == rowmin, aarg, jnp.float32(K))
    idx_ref[...] = jnp.min(masked, axis=1, keepdims=True).astype(jnp.int32)

    part = jnp.sum(rowmin, axis=0, keepdims=True)

    @pl.when(i == 0)
    def _():
        acc_ref[...] = part

    @pl.when(i > 0)
    def _():
        acc_ref[...] = acc_ref[...] + part

    @pl.when(i == NRB - 1)
    def _():
        loss_ref[...] = acc_ref[...]


_argmin_call = pl.pallas_call(
    _argmin_body,
    grid=(NRB,),
    in_specs=[
        pl.BlockSpec((RB, D), lambda i: (i, 0)),
        pl.BlockSpec((D, K), lambda i: (0, 0)),
        pl.BlockSpec((2, K), lambda i: (0, 0)),
    ],
    out_specs=[
        pl.BlockSpec((RB, 1), lambda i: (i, 0)),
        pl.BlockSpec((1, 1), lambda i: (0, 0)),
    ],
    out_shape=[
        jax.ShapeDtypeStruct((N, 1), jnp.int32),
        jax.ShapeDtypeStruct((1, 1), jnp.float32),
    ],
    scratch_shapes=[
        pltpu.VMEM((1, 1), jnp.float32),
    ],
    compiler_params=pltpu.CompilerParams(
        dimension_semantics=("arbitrary",),
    ),
)


@functools.cache
def _make_gather():
    @functools.partial(
        pl.kernel,
        mesh=plsc.VectorSubcoreMesh(
            core_axis_name="c", subcore_axis_name="s", num_cores=NC
        ),
        out_type=jax.ShapeDtypeStruct((N, D), jnp.float32),
        scratch_types=[
            pltpu.VMEM((2, CH), jnp.int32),
            pltpu.VMEM((CH, D), jnp.float32),
            pltpu.VMEM((CH, D), jnp.float32),
            pltpu.SemaphoreType.DMA,
            pltpu.SemaphoreType.DMA,
            pltpu.SemaphoreType.DMA,
            pltpu.SemaphoreType.DMA,
        ],
    )
    def _gather(table_hbm, idx_hbm, out_hbm, idx_v, rows_v0, rows_v1,
                sem_g0, sem_g1, sem_w0, sem_w1):
        wid = lax.axis_index("s") * NC + lax.axis_index("c")
        base = wid * BPW
        rows = (rows_v0, rows_v1)
        sem_g = (sem_g0, sem_g1)
        sem_w = (sem_w0, sem_w1)

        pltpu.sync_copy(idx_hbm.at[pl.ds(base, CH)], idx_v.at[0])
        g = pltpu.async_copy(table_hbm.at[idx_v.at[0]], rows_v0, sem_g0)
        for c in range(1, NCHUNK):
            b = c % 2
            pltpu.sync_copy(
                idx_hbm.at[pl.ds(base + c * CH, CH)], idx_v.at[b]
            )
            if c >= 2:
                pltpu.make_async_copy(
                    rows[b], out_hbm.at[pl.ds(base + (c - 2) * CH, CH)],
                    sem_w[b],
                ).wait()
            g_next = pltpu.async_copy(
                table_hbm.at[idx_v.at[b]], rows[b], sem_g[b]
            )
            g.wait()
            pltpu.async_copy(
                rows[1 - b], out_hbm.at[pl.ds(base + (c - 1) * CH, CH)],
                sem_w[1 - b],
            )
            g = g_next
        last = NCHUNK - 1
        b = last % 2
        g.wait()
        pltpu.async_copy(
            rows[b], out_hbm.at[pl.ds(base + last * CH, CH)], sem_w[b]
        ).wait()
        if NCHUNK >= 2:
            pltpu.make_async_copy(
                rows[1 - b], out_hbm.at[pl.ds(base + (last - 1) * CH, CH)],
                sem_w[1 - b],
            ).wait()

    return _gather


def kernel(x, vectors):
    aux = jnp.concatenate(
        [
            jnp.sum(vectors * vectors, axis=0, keepdims=True),
            jnp.arange(K, dtype=jnp.float32)[None, :],
        ],
        axis=0,
    )
    idx2d, loss_sum = _argmin_call(x, vectors, aux)
    quantized = _make_gather()(vectors.T, idx2d.reshape(-1))
    l = loss_sum[0, 0] / (N * D)
    return quantized, l, l, idx2d

# --- scband reference (transcript-rebuilt; emitter-appended) ---
"""Pipeline reference for scband-vector-quantizer-62216896250294 (READ-ONLY COPY).

The authoritative reference and input builder live on the scoring server;
editing this copy changes nothing except your own understanding.
"""

import jax, jax.numpy as jnp
import numpy as np

EMBEDDING_DIM = 256
NUM_EMBEDDINGS = 8192
LIMIT = 0.01


def setup_inputs(seed: int = 0) -> dict:
    key = jax.random.key(seed)
    k1, k2 = jax.random.split(key)
    x = jax.random.normal(k1, (32768, EMBEDDING_DIM), dtype=jnp.float32)
    # codebook stored as (embedding_dim, num_embeddings), uniform in [-limit, limit]
    vectors = jax.random.uniform(k2, (EMBEDDING_DIM, NUM_EMBEDDINGS), minval=-LIMIT, maxval=LIMIT, dtype=jnp.float32)
    return {"x": x, "vectors": vectors}


def reference(x, vectors):
    flat_x = x.reshape(-1, EMBEDDING_DIM)
    distances = (flat_x ** 2).sum(axis=1, keepdims=True) - 2.0 * (flat_x @ vectors) + (vectors ** 2).sum(axis=0, keepdims=True)
    encoding_indices = jnp.argmin(distances, axis=1)
    quantized_x = jnp.take(vectors.T, encoding_indices, axis=0)
    dictionary_loss = jnp.mean((jax.lax.stop_gradient(x) - quantized_x) ** 2)
    commitment_loss = jnp.mean((x - jax.lax.stop_gradient(quantized_x)) ** 2)
    quantized_x = x + jax.lax.stop_gradient(quantized_x - x)
    return (quantized_x, dictionary_loss, commitment_loss, encoding_indices.reshape(x.shape[0], -1))

if __name__ == "__main__":
    import jax
    _d = setup_inputs()
    print(jax.jit(kernel)(*tuple(_d.values())))

</pallas_src>

<mosaic_0001>
#map = affine_map<(d0, d1) -> (0, 0)>
#map1 = affine_map<(d0, d1) -> (0)>
module attributes {stable_mosaic.version = 14 : i64} {
  func.func @_gather(%arg0: i32, %arg1: i32, %arg2: memref<8192x256xf32, #tpu.memory_space<hbm>>, %arg3: memref<32768xi32, #tpu.memory_space<hbm>>, %arg4: memref<32768x256xf32, #tpu.memory_space<hbm>>, %arg5: memref<2x128xi32, #tpu.memory_space<vmem>>, %arg6: memref<128x256xf32, #tpu.memory_space<vmem>>, %arg7: memref<128x256xf32, #tpu.memory_space<vmem>>, %arg8: memref<!tpu.dma_semaphore, #tpu.memory_space<semaphore_mem>>, %arg9: memref<!tpu.dma_semaphore, #tpu.memory_space<semaphore_mem>>, %arg10: memref<!tpu.dma_semaphore, #tpu.memory_space<semaphore_mem>>, %arg11: memref<!tpu.dma_semaphore, #tpu.memory_space<semaphore_mem>>) attributes {dimension_semantics = [#tpu.dimension_semantics<core_parallel>, #tpu.dimension_semantics<subcore_parallel>], iteration_bounds = array<i64: 2, 16>, scalar_prefetch = 0 : i64, scratch_operands = 7 : i64, tpu.core_type = #tpu.core_type<sc_vector_subcore>, window_params = [{transform_indices = #map}, {transform_indices = #map1}, {transform_indices = #map}]} {
    %mul3A = arith.constant 2 : i32
    %mul3A_0 = arith.muli %arg1, %mul3A : i32
    %add3A = arith.addi %mul3A_0, %arg0 : i32
    %mul3A_1 = arith.constant 1024 : i32
    %mul3A_2 = arith.muli %add3A, %mul3A_1 : i32
    %run_scoped3A = arith.constant 0 : i32
    "tpu.region"() ({
      %run_scoped3A_228 = tpu.sem_alloc : memref<!tpu.dma_semaphore, #tpu.memory_space<semaphore_mem>>
      %dma_start3A_229 = arith.constant 0 : i32
      %dma_start3A_230 = tpu.memref_slice %arg5[%run_scoped3A, %dma_start3A_229] : memref<2x128xi32, #tpu.memory_space<vmem>> -> memref<1x128xi32, #tpu.memory_space<vmem>>
      %dma_start3A_231 = tpu.memref_squeeze %dma_start3A_230 : memref<1x128xi32, #tpu.memory_space<vmem>> -> memref<128xi32, #tpu.memory_space<vmem>>
      %dma_start3A_232 = tpu.memref_slice %arg3[%mul3A_2] : memref<32768xi32, #tpu.memory_space<hbm>> -> memref<128xi32, #tpu.memory_space<hbm>>
      %dma_start3A_233 = arith.constant 0 : i32
      %dma_start3A_234 = tpu.memref_slice %arg5[%run_scoped3A, %dma_start3A_233] : memref<2x128xi32, #tpu.memory_space<vmem>> -> memref<1x128xi32, #tpu.memory_space<vmem>>
      %dma_start3A_235 = tpu.memref_squeeze %dma_start3A_234 : memref<1x128xi32, #tpu.memory_space<vmem>> -> memref<128xi32, #tpu.memory_space<vmem>>
      %dma_start3A_236 = tpu.memref_slice %arg3[%mul3A_2] : memref<32768xi32, #tpu.memory_space<hbm>> -> memref<128xi32, #tpu.memory_space<hbm>>
      tpu.enqueue_dma source(%dma_start3A_236 : memref<128xi32, #tpu.memory_space<hbm>>) target(%dma_start3A_235 : memref<128xi32, #tpu.memory_space<vmem>>) target_semaphore(%run_scoped3A_228 : memref<!tpu.dma_semaphore, #tpu.memory_space<semaphore_mem>>)
      %dma_wait3A_237 = arith.constant 0 : i32
      %dma_wait3A_238 = tpu.memref_slice %arg5[%run_scoped3A, %dma_wait3A_237] : memref<2x128xi32, #tpu.memory_space<vmem>> -> memref<1x128xi32, #tpu.memory_space<vmem>>
      %dma_wait3A_239 = tpu.memref_squeeze %dma_wait3A_238 : memref<1x128xi32, #tpu.memory_space<vmem>> -> memref<128xi32, #tpu.memory_space<vmem>>
      %dma_wait3A_240 = tpu.memref_slice %arg3[%mul3A_2] : memref<32768xi32, #tpu.memory_space<hbm>> -> memref<128xi32, #tpu.memory_space<hbm>>
      %dma_wait3A_241 = arith.constant 0 : i32
      %dma_wait3A_242 = tpu.memref_slice %arg5[%run_scoped3A, %dma_wait3A_241] : memref<2x128xi32, #tpu.memory_space<vmem>> -> memref<1x128xi32, #tpu.memory_space<vmem>>
      %dma_wait3A_243 = tpu.memref_squeeze %dma_wait3A_242 : memref<1x128xi32, #tpu.memory_space<vmem>> -> memref<128xi32, #tpu.memory_space<vmem>>
      %dma_wait3A_244 = tpu.memref_slice %arg3[%mul3A_2] : memref<32768xi32, #tpu.memory_space<hbm>> -> memref<128xi32, #tpu.memory_space<hbm>>
      tpu.wait_dma2 semaphore(%run_scoped3A_228 : memref<!tpu.dma_semaphore, #tpu.memory_space<semaphore_mem>>) src(%dma_wait3A_244 : memref<128xi32, #tpu.memory_space<hbm>>) dst(%dma_wait3A_243 : memref<128xi32, #tpu.memory_space<vmem>>)
      tpu.yield
    }) : () -> ()
    %dma_start3A = arith.constant 0 : i32
    %dma_start3A_3 = arith.constant 0 : i32
    %dma_start3A_4 = tpu.memref_slice %arg5[%dma_start3A, %dma_start3A_3] : memref<2x128xi32, #tpu.memory_space<vmem>> -> memref<1x128xi32, #tpu.memory_space<vmem>>
    %dma_start3A_5 = tpu.memref_squeeze %dma_start3A_4 : memref<1x128xi32, #tpu.memory_space<vmem>> -> memref<128xi32, #tpu.memory_space<vmem>>
    %dma_start3A_6 = arith.constant 0 : i32
    %dma_start3A_7 = arith.constant 0 : i32
    %dma_start3A_8 = tpu.memref_slice %arg2[%dma_start3A_6, %dma_start3A_7] : memref<8192x256xf32, #tpu.memory_space<hbm>> -> memref<8192x256xf32, #tpu.memory_space<hbm>>
    tpu.enqueue_indirect_dma source(%dma_start3A_8 : memref<8192x256xf32, #tpu.memory_space<hbm>>) target(%arg6 : memref<128x256xf32, #tpu.memory_space<vmem>>) offsets(%dma_start3A_5 : memref<128xi32, #tpu.memory_space<vmem>>) semaphore(%arg8 : memref<!tpu.dma_semaphore, #tpu.memory_space<semaphore_mem>>)
    %add3A_9 = arith.constant 128 : i32
    %add3A_10 = arith.addi %mul3A_2, %add3A_9 : i32
    %run_scoped3A_11 = arith.constant 1 : i32
    "tpu.region"() ({
      %run_scoped3A_228 = tpu.sem_alloc : memref<!tpu.dma_semaphore, #tpu.memory_space<semaphore_mem>>
      %dma_start3A_229 = arith.constant 0 : i32
      %dma_start3A_230 = tpu.memref_slice %arg5[%run_scoped3A_11, %dma_start3A_229] : memref<2x128xi32, #tpu.memory_space<vmem>> -> memref<1x128xi32, #tpu.memory_space<vmem>>
      %dma_start3A_231 = tpu.memref_squeeze %dma_start3A_230 : memref<1x128xi32, #tpu.memory_space<vmem>> -> memref<128xi32, #tpu.memory_space<vmem>>
      %dma_start3A_232 = tpu.memref_slice %arg3[%add3A_10] : memref<32768xi32, #tpu.memory_space<hbm>> -> memref<128xi32, #tpu.memory_space<hbm>>
      %dma_start3A_233 = arith.constant 0 : i32
      %dma_start3A_234 = tpu.memref_slice %arg5[%run_scoped3A_11, %dma_start3A_233] : memref<2x128xi32, #tpu.memory_space<vmem>> -> memref<1x128xi32, #tpu.memory_space<vmem>>
      %dma_start3A_235 = tpu.memref_squeeze %dma_start3A_234 : memref<1x128xi32, #tpu.memory_space<vmem>> -> memref<128xi32, #tpu.memory_space<vmem>>
      %dma_start3A_236 = tpu.memref_slice %arg3[%add3A_10] : memref<32768xi32, #tpu.memory_space<hbm>> -> memref<128xi32, #tpu.memory_space<hbm>>
      tpu.enqueue_dma source(%dma_start3A_236 : memref<128xi32, #tpu.memory_space<hbm>>) target(%dma_start3A_235 : memref<128xi32, #tpu.memory_space<vmem>>) target_semaphore(%run_scoped3A_228 : memref<!tpu.dma_semaphore, #tpu.memory_space<semaphore_mem>>)
      %dma_wait3A_237 = arith.constant 0 : i32
      %dma_wait3A_238 = tpu.memref_slice %arg5[%run_scoped3A_11, %dma_wait3A_237] : memref<2x128xi32, #tpu.memory_space<vmem>> -> memref<1x128xi32, #tpu.memory_space<vmem>>
      %dma_wait3A_239 = tpu.memref_squeeze %dma_wait3A_238 : memref<1x128xi32, #tpu.memory_space<vmem>> -> memref<128xi32, #tpu.memory_space<vmem>>
      %dma_wait3A_240 = tpu.memref_slice %arg3[%add3A_10] : memref<32768xi32, #tpu.memory_space<hbm>> -> memref<128xi32, #tpu.memory_space<hbm>>
      %dma_wait3A_241 = arith.constant 0 : i32
      %dma_wait3A_242 = tpu.memref_slice %arg5[%run_scoped3A_11, %dma_wait3A_241] : memref<2x128xi32, #tpu.memory_space<vmem>> -> memref<1x128xi32, #tpu.memory_space<vmem>>
      %dma_wait3A_243 = tpu.memref_squeeze %dma_wait3A_242 : memref<1x128xi32, #tpu.memory_space<vmem>> -> memref<128xi32, #tpu.memory_space<vmem>>
      %dma_wait3A_244 = tpu.memref_slice %arg3[%add3A_10] : memref<32768xi32, #tpu.memory_space<hbm>> -> memref<128xi32, #tpu.memory_space<hbm>>
      tpu.wait_dma2 semaphore(%run_scoped3A_228 : memref<!tpu.dma_semaphore, #tpu.memory_space<semaphore_mem>>) src(%dma_wait3A_244 : memref<128xi32, #tpu.memory_space<hbm>>) dst(%dma_wait3A_243 : memref<128xi32, #tpu.memory_space<vmem>>)
      tpu.yield
    }) : () -> ()
    %dma_start3A_12 = arith.constant 1 : i32
    %dma_start3A_13 = arith.constant 0 : i32
    %dma_start3A_14 = tpu.memref_slice %arg5[%dma_start3A_12, %dma_start3A_13] : memref<2x128xi32, #tpu.memory_space<vmem>> -> memref<1x128xi32, #tpu.memory_space<vmem>>
    %dma_start3A_15 = tpu.memref_squeeze %dma_start3A_14 : memref<1x128xi32, #tpu.memory_space<vmem>> -> memref<128xi32, #tpu.memory_space<vmem>>
    %dma_start3A_16 = arith.constant 0 : i32
    %dma_start3A_17 = arith.constant 0 : i32
    %dma_start3A_18 = tpu.memref_slice %arg2[%dma_start3A_16, %dma_start3A_17] : memref<8192x256xf32, #tpu.memory_space<hbm>> -> memref<8192x256xf32, #tpu.memory_space<hbm>>
    tpu.enqueue_indirect_dma source(%dma_start3A_18 : memref<8192x256xf32, #tpu.memory_space<hbm>>) target(%arg7 : memref<128x256xf32, #tpu.memory_space<vmem>>) offsets(%dma_start3A_15 : memref<128xi32, #tpu.memory_space<vmem>>) semaphore(%arg9 : memref<!tpu.dma_semaphore, #tpu.memory_space<semaphore_mem>>)
    %dma_wait3A = arith.constant 0 : i32
    %dma_wait3A_19 = arith.constant 0 : i32
    %dma_wait3A_20 = tpu.memref_slice %arg5[%dma_wait3A, %dma_wait3A_19] : memref<2x128xi32, #tpu.memory_space<vmem>> -> memref<1x128xi32, #tpu.memory_space<vmem>>
    %dma_wait3A_21 = tpu.memref_squeeze %dma_wait3A_20 : memref<1x128xi32, #tpu.memory_space<vmem>> -> memref<128xi32, #tpu.memory_space<vmem>>
    %dma_wait3A_22 = arith.constant 0 : i32
    %dma_wait3A_23 = arith.constant 0 : i32
    %dma_wait3A_24 = tpu.memref_slice %arg2[%dma_wait3A_22, %dma_wait3A_23] : memref<8192x256xf32, #tpu.memory_space<hbm>> -> memref<8192x256xf32, #tpu.memory_space<hbm>>
    tpu.wait_indirect_dma semaphore(%arg8 : memref<!tpu.dma_semaphore, #tpu.memory_space<semaphore_mem>>) src(%dma_wait3A_24 : memref<8192x256xf32, #tpu.memory_space<hbm>>) dst(%arg6 : memref<128x256xf32, #tpu.memory_space<vmem>>)
    %add3A_25 = arith.constant 0 : i32
    %add3A_26 = arith.addi %mul3A_2, %add3A_25 : i32
    %dma_start3A_27 = arith.constant 0 : i32
    %dma_start3A_28 = tpu.memref_slice %arg4[%add3A_26, %dma_start3A_27] : memref<32768x256xf32, #tpu.memory_space<hbm>> -> memref<128x256xf32, #tpu.memory_space<hbm>>
    %dma_start3A_29 = arith.constant 0 : i32
    %dma_start3A_30 = tpu.memref_slice %arg4[%add3A_26, %dma_start3A_29] : memref<32768x256xf32, #tpu.memory_space<hbm>> -> memref<128x256xf32, #tpu.memory_space<hbm>>
    tpu.enqueue_dma source(%arg6 : memref<128x256xf32, #tpu.memory_space<vmem>>) target(%dma_start3A_30 : memref<128x256xf32, #tpu.memory_space<hbm>>) target_semaphore(%arg10 : memref<!tpu.dma_semaphore, #tpu.memory_space<semaphore_mem>>)
    %add3A_31 = arith.constant 256 : i32
    %add3A_32 = arith.addi %mul3A_2, %add3A_31 : i32
    %run_scoped3A_33 = arith.constant 0 : i32
    "tpu.region"() ({
      %run_scoped3A_228 = tpu.sem_alloc : memref<!tpu.dma_semaphore, #tpu.memory_space<semaphore_mem>>
      %dma_start3A_229 = arith.constant 0 : i32
      %dma_start3A_230 = tpu.memref_slice %arg5[%run_scoped3A_33, %dma_start3A_229] : memref<2x128xi32, #tpu.memory_space<vmem>> -> memref<1x128xi32, #tpu.memory_space<vmem>>
      %dma_start3A_231 = tpu.memref_squeeze %dma_start3A_230 : memref<1x128xi32, #tpu.memory_space<vmem>> -> memref<128xi32, #tpu.memory_space<vmem>>
      %dma_start3A_232 = tpu.memref_slice %arg3[%add3A_32] : memref<32768xi32, #tpu.memory_space<hbm>> -> memref<128xi32, #tpu.memory_space<hbm>>
      %dma_start3A_233 = arith.constant 0 : i32
      %dma_start3A_234 = tpu.memref_slice %arg5[%run_scoped3A_33, %dma_start3A_233] : memref<2x128xi32, #tpu.memory_space<vmem>> -> memref<1x128xi32, #tpu.memory_space<vmem>>
      %dma_start3A_235 = tpu.memref_squeeze %dma_start3A_234 : memref<1x128xi32, #tpu.memory_space<vmem>> -> memref<128xi32, #tpu.memory_space<vmem>>
      %dma_start3A_236 = tpu.memref_slice %arg3[%add3A_32] : memref<32768xi32, #tpu.memory_space<hbm>> -> memref<128xi32, #tpu.memory_space<hbm>>
      tpu.enqueue_dma source(%dma_start3A_236 : memref<128xi32, #tpu.memory_space<hbm>>) target(%dma_start3A_235 : memref<128xi32, #tpu.memory_space<vmem>>) target_semaphore(%run_scoped3A_228 : memref<!tpu.dma_semaphore, #tpu.memory_space<semaphore_mem>>)
      %dma_wait3A_237 = arith.constant 0 : i32
      %dma_wait3A_238 = tpu.memref_slice %arg5[%run_scoped3A_33, %dma_wait3A_237] : memref<2x128xi32, #tpu.memory_space<vmem>> -> memref<1x128xi32, #tpu.memory_space<vmem>>
      %dma_wait3A_239 = tpu.memref_squeeze %dma_wait3A_238 : memref<1x128xi32, #tpu.memory_space<vmem>> -> memref<128xi32, #tpu.memory_space<vmem>>
      %dma_wait3A_240 = tpu.memref_slice %arg3[%add3A_32] : memref<32768xi32, #tpu.memory_space<hbm>> -> memref<128xi32, #tpu.memory_space<hbm>>
      %dma_wait3A_241 = arith.constant 0 : i32
      %dma_wait3A_242 = tpu.memref_slice %arg5[%run_scoped3A_33, %dma_wait3A_241] : memref<2x128xi32, #tpu.memory_space<vmem>> -> memref<1x128xi32, #tpu.memory_space<vmem>>
      %dma_wait3A_243 = tpu.memref_squeeze %dma_wait3A_242 : memref<1x128xi32, #tpu.memory_space<vmem>> -> memref<128xi32, #tpu.memory_space<vmem>>
      %dma_wait3A_244 = tpu.memref_slice %arg3[%add3A_32] : memref<32768xi32, #tpu.memory_space<hbm>> -> memref<128xi32, #tpu.memory_space<hbm>>
      tpu.wait_dma2 semaphore(%run_scoped3A_228 : memref<!tpu.dma_semaphore, #tpu.memory_space<semaphore_mem>>) src(%dma_wait3A_244 : memref<128xi32, #tpu.memory_space<hbm>>) dst(%dma_wait3A_243 : memref<128xi32, #tpu.memory_space<vmem>>)
      tpu.yield
    }) : () -> ()
    %add3A_34 = arith.constant 0 : i32
    %add3A_35 = arith.addi %mul3A_2, %add3A_34 : i32
    %dma_wait3A_36 = arith.constant 0 : i32
    %dma_wait3A_37 = tpu.memref_slice %arg4[%add3A_35, %dma_wait3A_36] : memref<32768x256xf32, #tpu.memory_space<hbm>> -> memref<128x256xf32, #tpu.memory_space<hbm>>
    %dma_wait3A_38 = arith.constant 0 : i32
    %dma_wait3A_39 = tpu.memref_slice %arg4[%add3A_35, %dma_wait3A_38] : memref<32768x256xf32, #tpu.memory_space<hbm>> -> memref<128x256xf32, #tpu.memory_space<hbm>>
    tpu.wait_dma2 semaphore(%arg10 : memref<!tpu.dma_semaphore, #tpu.memory_space<semaphore_mem>>) src(%arg6 : memref<128x256xf32, #tpu.memory_space<vmem>>) dst(%dma_wait3A_39 : memref<128x256xf32, #tpu.memory_space<hbm>>)
    %dma_start3A_40 = arith.constant 0 : i32
    %dma_start3A_41 = arith.constant 0 : i32
    %dma_start3A_42 = tpu.memref_slice %arg5[%dma_start3A_40, %dma_start3A_41] : memref<2x128xi32, #tpu.memory_space<vmem>> -> memref<1x128xi32, #tpu.memory_space<vmem>>
    %dma_start3A_43 = tpu.memref_squeeze %dma_start3A_42 : memref<1x128xi32, #tpu.memory_space<vmem>> -> memref<128xi32, #tpu.memory_space<vmem>>
    %dma_start3A_44 = arith.constant 0 : i32
    %dma_start3A_45 = arith.constant 0 : i32
    %dma_start3A_46 = tpu.memref_slice %arg2[%dma_start3A_44, %dma_start3A_45] : memref<8192x256xf32, #tpu.memory_space<hbm>> -> memref<8192x256xf32, #tpu.memory_space<hbm>>
    tpu.enqueue_indirect_dma source(%dma_start3A_46 : memref<8192x256xf32, #tpu.memory_space<hbm>>) target(%arg6 : memref<128x256xf32, #tpu.memory_space<vmem>>) offsets(%dma_start3A_43 : memref<128xi32, #tpu.memory_space<vmem>>) semaphore(%arg8 : memref<!tpu.dma_semaphore, #tpu.memory_space<semaphore_mem>>)
    %dma_wait3A_47 = arith.constant 1 : i32
    %dma_wait3A_48 = arith.constant 0 : i32
    %dma_wait3A_49 = tpu.memref_slice %arg5[%dma_wait3A_47, %dma_wait3A_48] : memref<2x128xi32, #tpu.memory_space<vmem>> -> memref<1x128xi32, #tpu.memory_space<vmem>>
    %dma_wait3A_50 = tpu.memref_squeeze %dma_wait3A_49 : memref<1x128xi32, #tpu.memory_space<vmem>> -> memref<128xi32, #tpu.memory_space<vmem>>
    %dma_wait3A_51 = arith.constant 0 : i32
    %dma_wait3A_52 = arith.constant 0 : i32
    %dma_wait3A_53 = tpu.memref_slice %arg2[%dma_wait3A_51, %dma_wait3A_52] : memref<8192x256xf32, #tpu.memory_space<hbm>> -> memref<8192x256xf32, #tpu.memory_space<hbm>>
    tpu.wait_indirect_dma semaphore(%arg9 : memref<!tpu.dma_semaphore, #tpu.memory_space<semaphore_mem>>) src(%dma_wait3A_53 : memref<8192x256xf32, #tpu.memory_space<hbm>>) dst(%arg7 : memref<128x256xf32, #tpu.memory_space<vmem>>)
    %add3A_54 = arith.constant 128 : i32
    %add3A_55 = arith.addi %mul3A_2, %add3A_54 : i32
    %dma_start3A_56 = arith.constant 0 : i32
    %dma_start3A_57 = tpu.memref_slice %arg4[%add3A_55, %dma_start3A_56] : memref<32768x256xf32, #tpu.memory_space<hbm>> -> memref<128x256xf32, #tpu.memory_space<hbm>>
    %dma_start3A_58 = arith.constant 0 : i32
    %dma_start3A_59 = tpu.memref_slice %arg4[%add3A_55, %dma_start3A_58] : memref<32768x256xf32, #tpu.memory_space<hbm>> -> memref<128x256xf32, #tpu.memory_space<hbm>>
    tpu.enqueue_dma source(%arg7 : memref<128x256xf32, #tpu.memory_space<vmem>>) target(%dma_start3A_59 : memref<128x256xf32, #tpu.memory_space<hbm>>) target_semaphore(%arg11 : memref<!tpu.dma_semaphore, #tpu.memory_space<semaphore_mem>>)
    %add3A_60 = arith.constant 384 : i32
    %add3A_61 = arith.addi %mul3A_2, %add3A_60 : i32
    %run_scoped3A_62 = arith.constant 1 : i32
    "tpu.region"() ({
      %run_scoped3A_228 = tpu.sem_alloc : memref<!tpu.dma_semaphore, #tpu.memory_space<semaphore_mem>>
      %dma_start3A_229 = arith.constant 0 : i32
      %dma_start3A_230 = tpu.memref_slice %arg5[%run_scoped3A_62, %dma_start3A_229] : memref<2x128xi32, #tpu.memory_space<vmem>> -> memref<1x128xi32, #tpu.memory_space<vmem>>
      %dma_start3A_231 = tpu.memref_squeeze %dma_start3A_230 : memref<1x128xi32, #tpu.memory_space<vmem>> -> memref<128xi32, #tpu.memory_space<vmem>>
      %dma_start3A_232 = tpu.memref_slice %arg3[%add3A_61] : memref<32768xi32, #tpu.memory_space<hbm>> -> memref<128xi32, #tpu.memory_space<hbm>>
      %dma_start3A_233 = arith.constant 0 : i32
      %dma_start3A_234 = tpu.memref_slice %arg5[%run_scoped3A_62, %dma_start3A_233] : memref<2x128xi32, #tpu.memory_space<vmem>> -> memref<1x128xi32, #tpu.memory_space<vmem>>
      %dma_start3A_235 = tpu.memref_squeeze %dma_start3A_234 : memref<1x128xi32, #tpu.memory_space<vmem>> -> memref<128xi32, #tpu.memory_space<vmem>>
      %dma_start3A_236 = tpu.memref_slice %arg3[%add3A_61] : memref<32768xi32, #tpu.memory_space<hbm>> -> memref<128xi32, #tpu.memory_space<hbm>>
      tpu.enqueue_dma source(%dma_start3A_236 : memref<128xi32, #tpu.memory_space<hbm>>) target(%dma_start3A_235 : memref<128xi32, #tpu.memory_space<vmem>>) target_semaphore(%run_scoped3A_228 : memref<!tpu.dma_semaphore, #tpu.memory_space<semaphore_mem>>)
      %dma_wait3A_237 = arith.constant 0 : i32
      %dma_wait3A_238 = tpu.memref_slice %arg5[%run_scoped3A_62, %dma_wait3A_237] : memref<2x128xi32, #tpu.memory_space<vmem>> -> memref<1x128xi32, #tpu.memory_space<vmem>>
      %dma_wait3A_239 = tpu.memref_squeeze %dma_wait3A_238 : memref<1x128xi32, #tpu.memory_space<vmem>> -> memref<128xi32, #tpu.memory_space<vmem>>
      %dma_wait3A_240 = tpu.memref_slice %arg3[%add3A_61] : memref<32768xi32, #tpu.memory_space<hbm>> -> memref<128xi32, #tpu.memory_space<hbm>>
      %dma_wait3A_241 = arith.constant 0 : i32
      %dma_wait3A_242 = tpu.memref_slice %arg5[%run_scoped3A_62, %dma_wait3A_241] : memref<2x128xi32, #tpu.memory_space<vmem>> -> memref<1x128xi32, #tpu.memory_space<vmem>>
      %dma_wait3A_243 = tpu.memref_squeeze %dma_wait3A_242 : memref<1x128xi32, #tpu.memory_space<vmem>> -> memref<128xi32, #tpu.memory_space<vmem>>
      %dma_wait3A_244 = tpu.memref_slice %arg3[%add3A_61] : memref<32768xi32, #tpu.memory_space<hbm>> -> memref<128xi32, #tpu.memory_space<hbm>>
      tpu.wait_dma2 semaphore(%run_scoped3A_228 : memref<!tpu.dma_semaphore, #tpu.memory_space<semaphore_mem>>) src(%dma_wait3A_244 : memref<128xi32, #tpu.memory_space<hbm>>) dst(%dma_wait3A_243 : memref<128xi32, #tpu.memory_space<vmem>>)
      tpu.yield
    }) : () -> ()
    %add3A_63 = arith.constant 128 : i32
    %add3A_64 = arith.addi %mul3A_2, %add3A_63 : i32
    %dma_wait3A_65 = arith.constant 0 : i32
    %dma_wait3A_66 = tpu.memref_slice %arg4[%add3A_64, %dma_wait3A_65] : memref<32768x256xf32, #tpu.memory_space<hbm>> -> memref<128x256xf32, #tpu.memory_space<hbm>>
    %dma_wait3A_67 = arith.constant 0 : i32
    %dma_wait3A_68 = tpu.memref_slice %arg4[%add3A_64, %dma_wait3A_67] : memref<32768x256xf32, #tpu.memory_space<hbm>> -> memref<128x256xf32, #tpu.memory_space<hbm>>
    tpu.wait_dma2 semaphore(%arg11 : memref<!tpu.dma_semaphore, #tpu.memory_space<semaphore_mem>>) src(%arg7 : memref<128x256xf32, #tpu.memory_space<vmem>>) dst(%dma_wait3A_68 : memref<128x256xf32, #tpu.memory_space<hbm>>)
    %dma_start3A_69 = arith.constant 1 : i32
    %dma_start3A_70 = arith.constant 0 : i32
    %dma_start3A_71 = tpu.memref_slice %arg5[%dma_start3A_69, %dma_start3A_70] : memref<2x128xi32, #tpu.memory_space<vmem>> -> memref<1x128xi32, #tpu.memory_space<vmem>>
    %dma_start3A_72 = tpu.memref_squeeze %dma_start3A_71 : memref<1x128xi32, #tpu.memory_space<vmem>> -> memref<128xi32, #tpu.memory_space<vmem>>
    %dma_start3A_73 = arith.constant 0 : i32
    %dma_start3A_74 = arith.constant 0 : i32
    %dma_start3A_75 = tpu.memref_slice %arg2[%dma_start3A_73, %dma_start3A_74] : memref<8192x256xf32, #tpu.memory_space<hbm>> -> memref<8192x256xf32, #tpu.memory_space<hbm>>
    tpu.enqueue_indirect_dma source(%dma_start3A_75 : memref<8192x256xf32, #tpu.memory_space<hbm>>) target(%arg7 : memref<128x256xf32, #tpu.memory_space<vmem>>) offsets(%dma_start3A_72 : memref<128xi32, #tpu.memory_space<vmem>>) semaphore(%arg9 : memref<!tpu.dma_semaphore, #tpu.memory_space<semaphore_mem>>)
    %dma_wait3A_76 = arith.constant 0 : i32
    %dma_wait3A_77 = arith.constant 0 : i32
    %dma_wait3A_78 = tpu.memref_slice %arg5[%dma_wait3A_76, %dma_wait3A_77] : memref<2x128xi32, #tpu.memory_space<vmem>> -> memref<1x128xi32, #tpu.memory_space<vmem>>
    %dma_wait3A_79 = tpu.memref_squeeze %dma_wait3A_78 : memref<1x128xi32, #tpu.memory_space<vmem>> -> memref<128xi32, #tpu.memory_space<vmem>>
    %dma_wait3A_80 = arith.constant 0 : i32
    %dma_wait3A_81 = arith.constant 0 : i32
    %dma_wait3A_82 = tpu.memref_slice %arg2[%dma_wait3A_80, %dma_wait3A_81] : memref<8192x256xf32, #tpu.memory_space<hbm>> -> memref<8192x256xf32, #tpu.memory_space<hbm>>
    tpu.wait_indirect_dma semaphore(%arg8 : memref<!tpu.dma_semaphore, #tpu.memory_space<semaphore_mem>>) src(%dma_wait3A_82 : memref<8192x256xf32, #tpu.memory_space<hbm>>) dst(%arg6 : memref<128x256xf32, #tpu.memory_space<vmem>>)
    %add3A_83 = arith.constant 256 : i32
    %add3A_84 = arith.addi %mul3A_2, %add3A_83 : i32
    %dma_start3A_85 = arith.constant 0 : i32
    %dma_start3A_86 = tpu.memref_slice %arg4[%add3A_84, %dma_start3A_85] : memref<32768x256xf32, #tpu.memory_space<hbm>> -> memref<128x256xf32, #tpu.memory_space<hbm>>
    %dma_start3A_87 = arith.constant 0 : i32
    %dma_start3A_88 = tpu.memref_slice %arg4[%add3A_84, %dma_start3A_87] : memref<32768x256xf32, #tpu.memory_space<hbm>> -> memref<128x256xf32, #tpu.memory_space<hbm>>
    tpu.enqueue_dma source(%arg6 : memref<128x256xf32, #tpu.memory_space<vmem>>) target(%dma_start3A_88 : memref<128x256xf32, #tpu.memory_space<hbm>>) target_semaphore(%arg10 : memref<!tpu.dma_semaphore, #tpu.memory_space<semaphore_mem>>)
    %add3A_89 = arith.constant 512 : i32
    %add3A_90 = arith.addi %mul3A_2, %add3A_89 : i32
    %run_scoped3A_91 = arith.constant 0 : i32
    "tpu.region"() ({
      %run_scoped3A_228 = tpu.sem_alloc : memref<!tpu.dma_semaphore, #tpu.memory_space<semaphore_mem>>
      %dma_start3A_229 = arith.constant 0 : i32
      %dma_start3A_230 = tpu.memref_slice %arg5[%run_scoped3A_91, %dma_start3A_229] : memref<2x128xi32, #tpu.memory_space<vmem>> -> memref<1x128xi32, #tpu.memory_space<vmem>>
      %dma_start3A_231 = tpu.memref_squeeze %dma_start3A_230 : memref<1x128xi32, #tpu.memory_space<vmem>> -> memref<128xi32, #tpu.memory_space<vmem>>
      %dma_start3A_232 = tpu.memref_slice %arg3[%add3A_90] : memref<32768xi32, #tpu.memory_space<hbm>> -> memref<128xi32, #tpu.memory_space<hbm>>
      %dma_start3A_233 = arith.constant 0 : i32
      %dma_start3A_234 = tpu.memref_slice %arg5[%run_scoped3A_91, %dma_start3A_233] : memref<2x128xi32, #tpu.memory_space<vmem>> -> memref<1x128xi32, #tpu.memory_space<vmem>>
      %dma_start3A_235 = tpu.memref_squeeze %dma_start3A_234 : memref<1x128xi32, #tpu.memory_space<vmem>> -> memref<128xi32, #tpu.memory_space<vmem>>
      %dma_start3A_236 = tpu.memref_slice %arg3[%add3A_90] : memref<32768xi32, #tpu.memory_space<hbm>> -> memref<128xi32, #tpu.memory_space<hbm>>
      tpu.enqueue_dma source(%dma_start3A_236 : memref<128xi32, #tpu.memory_space<hbm>>) target(%dma_start3A_235 : memref<128xi32, #tpu.memory_space<vmem>>) target_semaphore(%run_scoped3A_228 : memref<!tpu.dma_semaphore, #tpu.memory_space<semaphore_mem>>)
      %dma_wait3A_237 = arith.constant 0 : i32
      %dma_wait3A_238 = tpu.memref_slice %arg5[%run_scoped3A_91, %dma_wait3A_237] : memref<2x128xi32, #tpu.memory_space<vmem>> -> memref<1x128xi32, #tpu.memory_space<vmem>>
      %dma_wait3A_239 = tpu.memref_squeeze %dma_wait3A_238 : memref<1x128xi32, #tpu.memory_space<vmem>> -> memref<128xi32, #tpu.memory_space<vmem>>
      %dma_wait3A_240 = tpu.memref_slice %arg3[%add3A_90] : memref<32768xi32, #tpu.memory_space<hbm>> -> memref<128xi32, #tpu.memory_space<hbm>>
      %dma_wait3A_241 = arith.constant 0 : i32
      %dma_wait3A_242 = tpu.memref_slice %arg5[%run_scoped3A_91, %dma_wait3A_241] : memref<2x128xi32, #tpu.memory_space<vmem>> -> memref<1x128xi32, #tpu.memory_space<vmem>>
      %dma_wait3A_243 = tpu.memref_squeeze %dma_wait3A_242 : memref<1x128xi32, #tpu.memory_space<vmem>> -> memref<128xi32, #tpu.memory_space<vmem>>
      %dma_wait3A_244 = tpu.memref_slice %arg3[%add3A_90] : memref<32768xi32, #tpu.memory_space<hbm>> -> memref<128xi32, #tpu.memory_space<hbm>>
      tpu.wait_dma2 semaphore(%run_scoped3A_228 : memref<!tpu.dma_semaphore, #tpu.memory_space<semaphore_mem>>) src(%dma_wait3A_244 : memref<128xi32, #tpu.memory_space<hbm>>) dst(%dma_wait3A_243 : memref<128xi32, #tpu.memory_space<vmem>>)
      tpu.yield
    }) : () -> ()
    %add3A_92 = arith.constant 256 : i32
    %add3A_93 = arith.addi %mul3A_2, %add3A_92 : i32
    %dma_wait3A_94 = arith.constant 0 : i32
    %dma_wait3A_95 = tpu.memref_slice %arg4[%add3A_93, %dma_wait3A_94] : memref<32768x256xf32, #tpu.memory_space<hbm>> -> memref<128x256xf32, #tpu.memory_space<hbm>>
    %dma_wait3A_96 = arith.constant 0 : i32
    %dma_wait3A_97 = tpu.memref_slice %arg4[%add3A_93, %dma_wait3A_96] : memref<32768x256xf32, #tpu.memory_space<hbm>> -> memref<128x256xf32, #tpu.memory_space<hbm>>
    tpu.wait_dma2 semaphore(%arg10 : memref<!tpu.dma_semaphore, #tpu.memory_space<semaphore_mem>>) src(%arg6 : memref<128x256xf32, #tpu.memory_space<vmem>>) dst(%dma_wait3A_97 : memref<128x256xf32, #tpu.memory_space<hbm>>)
    %dma_start3A_98 = arith.constant 0 : i32
    %dma_start3A_99 = arith.constant 0 : i32
    %dma_start3A_100 = tpu.memref_slice %arg5[%dma_start3A_98, %dma_start3A_99] : memref<2x128xi32, #tpu.memory_space<vmem>> -> memref<1x128xi32, #tpu.memory_space<vmem>>
    %dma_start3A_101 = tpu.memref_squeeze %dma_start3A_100 : memref<1x128xi32, #tpu.memory_space<vmem>> -> memref<128xi32, #tpu.memory_space<vmem>>
    %dma_start3A_102 = arith.constant 0 : i32
    %dma_start3A_103 = arith.constant 0 : i32
    %dma_start3A_104 = tpu.memref_slice %arg2[%dma_start3A_102, %dma_start3A_103] : memref<8192x256xf32, #tpu.memory_space<hbm>> -> memref<8192x256xf32, #tpu.memory_space<hbm>>
    tpu.enqueue_indirect_dma source(%dma_start3A_104 : memref<8192x256xf32, #tpu.memory_space<hbm>>) target(%arg6 : memref<128x256xf32, #tpu.memory_space<vmem>>) offsets(%dma_start3A_101 : memref<128xi32, #tpu.memory_space<vmem>>) semaphore(%arg8 : memref<!tpu.dma_semaphore, #tpu.memory_space<semaphore_mem>>)
    %dma_wait3A_105 = arith.constant 1 : i32
    %dma_wait3A_106 = arith.constant 0 : i32
    %dma_wait3A_107 = tpu.memref_slice %arg5[%dma_wait3A_105, %dma_wait3A_106] : memref<2x128xi32, #tpu.memory_space<vmem>> -> memref<1x128xi32, #tpu.memory_space<vmem>>
    %dma_wait3A_108 = tpu.memref_squeeze %dma_wait3A_107 : memref<1x128xi32, #tpu.memory_space<vmem>> -> memref<128xi32, #tpu.memory_space<vmem>>
    %dma_wait3A_109 = arith.constant 0 : i32
    %dma_wait3A_110 = arith.constant 0 : i32
    %dma_wait3A_111 = tpu.memref_slice %arg2[%dma_wait3A_109, %dma_wait3A_110] : memref<8192x256xf32, #tpu.memory_space<hbm>> -> memref<8192x256xf32, #tpu.memory_space<hbm>>
    tpu.wait_indirect_dma semaphore(%arg9 : memref<!tpu.dma_semaphore, #tpu.memory_space<semaphore_mem>>) src(%dma_wait3A_111 : memref<8192x256xf32, #tpu.memory_space<hbm>>) dst(%arg7 : memref<128x256xf32, #tpu.memory_space<vmem>>)
    %add3A_112 = arith.constant 384 : i32
    %add3A_113 = arith.addi %mul3A_2, %add3A_112 : i32
    %dma_start3A_114 = arith.constant 0 : i32
    %dma_start3A_115 = tpu.memref_slice %arg4[%add3A_113, %dma_start3A_114] : memref<32768x256xf32, #tpu.memory_space<hbm>> -> memref<128x256xf32, #tpu.memory_space<hbm>>
    %dma_start3A_116 = arith.constant 0 : i32
    %dma_start3A_117 = tpu.memref_slice %arg4[%add3A_113, %dma_start3A_116] : memref<32768x256xf32, #tpu.memory_space<hbm>> -> memref<128x256xf32, #tpu.memory_space<hbm>>
    tpu.enqueue_dma source(%arg7 : memref<128x256xf32, #tpu.memory_space<vmem>>) target(%dma_start3A_117 : memref<128x256xf32, #tpu.memory_space<hbm>>) target_semaphore(%arg11 : memref<!tpu.dma_semaphore, #tpu.memory_space<semaphore_mem>>)
    %add3A_118 = arith.constant 640 : i32
    %add3A_119 = arith.addi %mul3A_2, %add3A_118 : i32
    %run_scoped3A_120 = arith.constant 1 : i32
    "tpu.region"() ({
      %run_scoped3A_228 = tpu.sem_alloc : memref<!tpu.dma_semaphore, #tpu.memory_space<semaphore_mem>>
      %dma_start3A_229 = arith.constant 0 : i32
      %dma_start3A_230 = tpu.memref_slice %arg5[%run_scoped3A_120, %dma_start3A_229] : memref<2x128xi32, #tpu.memory_space<vmem>> -> memref<1x128xi32, #tpu.memory_space<vmem>>
      %dma_start3A_231 = tpu.memref_squeeze %dma_start3A_230 : memref<1x128xi32, #tpu.memory_space<vmem>> -> memref<128xi32, #tpu.memory_space<vmem>>
      %dma_start3A_232 = tpu.memref_slice %arg3[%add3A_119] : memref<32768xi32, #tpu.memory_space<hbm>> -> memref<128xi32, #tpu.memory_space<hbm>>
      %dma_start3A_233 = arith.constant 0 : i32
      %dma_start3A_234 = tpu.memref_slice %arg5[%run_scoped3A_120, %dma_start3A_233] : memref<2x128xi32, #tpu.memory_space<vmem>> -> memref<1x128xi32, #tpu.memory_space<vmem>>
      %dma_start3A_235 = tpu.memref_squeeze %dma_start3A_234 : memref<1x128xi32, #tpu.memory_space<vmem>> -> memref<128xi32, #tpu.memory_space<vmem>>
      %dma_start3A_236 = tpu.memref_slice %arg3[%add3A_119] : memref<32768xi32, #tpu.memory_space<hbm>> -> memref<128xi32, #tpu.memory_space<hbm>>
      tpu.enqueue_dma source(%dma_start3A_236 : memref<128xi32, #tpu.memory_space<hbm>>) target(%dma_start3A_235 : memref<128xi32, #tpu.memory_space<vmem>>) target_semaphore(%run_scoped3A_228 : memref<!tpu.dma_semaphore, #tpu.memory_space<semaphore_mem>>)
      %dma_wait3A_237 = arith.constant 0 : i32
      %dma_wait3A_238 = tpu.memref_slice %arg5[%run_scoped3A_120, %dma_wait3A_237] : memref<2x128xi32, #tpu.memory_space<vmem>> -> memref<1x128xi32, #tpu.memory_space<vmem>>
      %dma_wait3A_239 = tpu.memref_squeeze %dma_wait3A_238 : memref<1x128xi32, #tpu.memory_space<vmem>> -> memref<128xi32, #tpu.memory_space<vmem>>
      %dma_wait3A_240 = tpu.memref_slice %arg3[%add3A_119] : memref<32768xi32, #tpu.memory_space<hbm>> -> memref<128xi32, #tpu.memory_space<hbm>>
      %dma_wait3A_241 = arith.constant 0 : i32
      %dma_wait3A_242 = tpu.memref_slice %arg5[%run_scoped3A_120, %dma_wait3A_241] : memref<2x128xi32, #tpu.memory_space<vmem>> -> memref<1x128xi32, #tpu.memory_space<vmem>>
      %dma_wait3A_243 = tpu.memref_squeeze %dma_wait3A_242 : memref<1x128xi32, #tpu.memory_space<vmem>> -> memref<128xi32, #tpu.memory_space<vmem>>
      %dma_wait3A_244 = tpu.memref_slice %arg3[%add3A_119] : memref<32768xi32, #tpu.memory_space<hbm>> -> memref<128xi32, #tpu.memory_space<hbm>>
      tpu.wait_dma2 semaphore(%run_scoped3A_228 : memref<!tpu.dma_semaphore, #tpu.memory_space<semaphore_mem>>) src(%dma_wait3A_244 : memref<128xi32, #tpu.memory_space<hbm>>) dst(%dma_wait3A_243 : memref<128xi32, #tpu.memory_space<vmem>>)
      tpu.yield
    }) : () -> ()
    %add3A_121 = arith.constant 384 : i32
    %add3A_122 = arith.addi %mul3A_2, %add3A_121 : i32
    %dma_wait3A_123 = arith.constant 0 : i32
    %dma_wait3A_124 = tpu.memref_slice %arg4[%add3A_122, %dma_wait3A_123] : memref<32768x256xf32, #tpu.memory_space<hbm>> -> memref<128x256xf32, #tpu.memory_space<hbm>>
    %dma_wait3A_125 = arith.constant 0 : i32
    %dma_wait3A_126 = tpu.memref_slice %arg4[%add3A_122, %dma_wait3A_125] : memref<32768x256xf32, #tpu.memory_space<hbm>> -> memref<128x256xf32, #tpu.memory_space<hbm>>
    tpu.wait_dma2 semaphore(%arg11 : memref<!tpu.dma_semaphore, #tpu.memory_space<semaphore_mem>>) src(%arg7 : memref<128x256xf32, #tpu.memory_space<vmem>>) dst(%dma_wait3A_126 : memref<128x256xf32, #tpu.memory_space<hbm>>)
    %dma_start3A_127 = arith.constant 1 : i32
    %dma_start3A_128 = arith.constant 0 : i32
    %dma_start3A_129 = tpu.memref_slice %arg5[%dma_start3A_127, %dma_start3A_128] : memref<2x128xi32, #tpu.memory_space<vmem>> -> memref<1x128xi32, #tpu.memory_space<vmem>>
    %dma_start3A_130 = tpu.memref_squeeze %dma_start3A_129 : memref<1x128xi32, #tpu.memory_space<vmem>> -> memref<128xi32, #tpu.memory_space<vmem>>
    %dma_start3A_131 = arith.constant 0 : i32
    %dma_start3A_132 = arith.constant 0 : i32
    %dma_start3A_133 = tpu.memref_slice %arg2[%dma_start3A_131, %dma_start3A_132] : memref<8192x256xf32, #tpu.memory_space<hbm>> -> memref<8192x256xf32, #tpu.memory_space<hbm>>
    tpu.enqueue_indirect_dma source(%dma_start3A_133 : memref<8192x256xf32, #tpu.memory_space<hbm>>) target(%arg7 : memref<128x256xf32, #tpu.memory_space<vmem>>) offsets(%dma_start3A_130 : memref<128xi32, #tpu.memory_space<vmem>>) semaphore(%arg9 : memref<!tpu.dma_semaphore, #tpu.memory_space<semaphore_mem>>)
    %dma_wait3A_134 = arith.constant 0 : i32
    %dma_wait3A_135 = arith.constant 0 : i32
    %dma_wait3A_136 = tpu.memref_slice %arg5[%dma_wait3A_134, %dma_wait3A_135] : memref<2x128xi32, #tpu.memory_space<vmem>> -> memref<1x128xi32, #tpu.memory_space<vmem>>
    %dma_wait3A_137 = tpu.memref_squeeze %dma_wait3A_136 : memref<1x128xi32, #tpu.memory_space<vmem>> -> memref<128xi32, #tpu.memory_space<vmem>>
    %dma_wait3A_138 = arith.constant 0 : i32
    %dma_wait3A_139 = arith.constant 0 : i32
    %dma_wait3A_140 = tpu.memref_slice %arg2[%dma_wait3A_138, %dma_wait3A_139] : memref<8192x256xf32, #tpu.memory_space<hbm>> -> memref<8192x256xf32, #tpu.memory_space<hbm>>
    tpu.wait_indirect_dma semaphore(%arg8 : memref<!tpu.dma_semaphore, #tpu.memory_space<semaphore_mem>>) src(%dma_wait3A_140 : memref<8192x256xf32, #tpu.memory_space<hbm>>) dst(%arg6 : memref<128x256xf32, #tpu.memory_space<vmem>>)
    %add3A_141 = arith.constant 512 : i32
    %add3A_142 = arith.addi %mul3A_2, %add3A_141 : i32
    %dma_start3A_143 = arith.constant 0 : i32
    %dma_start3A_144 = tpu.memref_slice %arg4[%add3A_142, %dma_start3A_143] : memref<32768x256xf32, #tpu.memory_space<hbm>> -> memref<128x256xf32, #tpu.memory_space<hbm>>
    %dma_start3A_145 = arith.constant 0 : i32
    %dma_start3A_146 = tpu.memref_slice %arg4[%add3A_142, %dma_start3A_145] : memref<32768x256xf32, #tpu.memory_space<hbm>> -> memref<128x256xf32, #tpu.memory_space<hbm>>
    tpu.enqueue_dma source(%arg6 : memref<128x256xf32, #tpu.memory_space<vmem>>) target(%dma_start3A_146 : memref<128x256xf32, #tpu.memory_space<hbm>>) target_semaphore(%arg10 : memref<!tpu.dma_semaphore, #tpu.memory_space<semaphore_mem>>)
    %add3A_147 = arith.constant 768 : i32
    %add3A_148 = arith.addi %mul3A_2, %add3A_147 : i32
    %run_scoped3A_149 = arith.constant 0 : i32
    "tpu.region"() ({
      %run_scoped3A_228 = tpu.sem_alloc : memref<!tpu.dma_semaphore, #tpu.memory_space<semaphore_mem>>
      %dma_start3A_229 = arith.constant 0 : i32
      %dma_start3A_230 = tpu.memref_slice %arg5[%run_scoped3A_149, %dma_start3A_229] : memref<2x128xi32, #tpu.memory_space<vmem>> -> memref<1x128xi32, #tpu.memory_space<vmem>>
      %dma_start3A_231 = tpu.memref_squeeze %dma_start3A_230 : memref<1x128xi32, #tpu.memory_space<vmem>> -> memref<128xi32, #tpu.memory_space<vmem>>
      %dma_start3A_232 = tpu.memref_slice %arg3[%add3A_148] : memref<32768xi32, #tpu.memory_space<hbm>> -> memref<128xi32, #tpu.memory_space<hbm>>
      %dma_start3A_233 = arith.constant 0 : i32
      %dma_start3A_234 = tpu.memref_slice %arg5[%run_scoped3A_149, %dma_start3A_233] : memref<2x128xi32, #tpu.memory_space<vmem>> -> memref<1x128xi32, #tpu.memory_space<vmem>>
      %dma_start3A_235 = tpu.memref_squeeze %dma_start3A_234 : memref<1x128xi32, #tpu.memory_space<vmem>> -> memref<128xi32, #tpu.memory_space<vmem>>
      %dma_start3A_236 = tpu.memref_slice %arg3[%add3A_148] : memref<32768xi32, #tpu.memory_space<hbm>> -> memref<128xi32, #tpu.memory_space<hbm>>
      tpu.enqueue_dma source(%dma_start3A_236 : memref<128xi32, #tpu.memory_space<hbm>>) target(%dma_start3A_235 : memref<128xi32, #tpu.memory_space<vmem>>) target_semaphore(%run_scoped3A_228 : memref<!tpu.dma_semaphore, #tpu.memory_space<semaphore_mem>>)
      %dma_wait3A_237 = arith.constant 0 : i32
      %dma_wait3A_238 = tpu.memref_slice %arg5[%run_scoped3A_149, %dma_wait3A_237] : memref<2x128xi32, #tpu.memory_space<vmem>> -> memref<1x128xi32, #tpu.memory_space<vmem>>
      %dma_wait3A_239 = tpu.memref_squeeze %dma_wait3A_238 : memref<1x128xi32, #tpu.memory_space<vmem>> -> memref<128xi32, #tpu.memory_space<vmem>>
      %dma_wait3A_240 = tpu.memref_slice %arg3[%add3A_148] : memref<32768xi32, #tpu.memory_space<hbm>> -> memref<128xi32, #tpu.memory_space<hbm>>
      %dma_wait3A_241 = arith.constant 0 : i32
      %dma_wait3A_242 = tpu.memref_slice %arg5[%run_scoped3A_149, %dma_wait3A_241] : memref<2x128xi32, #tpu.memory_space<vmem>> -> memref<1x128xi32, #tpu.memory_space<vmem>>
      %dma_wait3A_243 = tpu.memref_squeeze %dma_wait3A_242 : memref<1x128xi32, #tpu.memory_space<vmem>> -> memref<128xi32, #tpu.memory_space<vmem>>
      %dma_wait3A_244 = tpu.memref_slice %arg3[%add3A_148] : memref<32768xi32, #tpu.memory_space<hbm>> -> memref<128xi32, #tpu.memory_space<hbm>>
      tpu.wait_dma2 semaphore(%run_scoped3A_228 : memref<!tpu.dma_semaphore, #tpu.memory_space<semaphore_mem>>) src(%dma_wait3A_244 : memref<128xi32, #tpu.memory_space<hbm>>) dst(%dma_wait3A_243 : memref<128xi32, #tpu.memory_space<vmem>>)
      tpu.yield
    }) : () -> ()
    %add3A_150 = arith.constant 512 : i32
    %add3A_151 = arith.addi %mul3A_2, %add3A_150 : i32
    %dma_wait3A_152 = arith.constant 0 : i32
    %dma_wait3A_153 = tpu.memref_slice %arg4[%add3A_151, %dma_wait3A_152] : memref<32768x256xf32, #tpu.memory_space<hbm>> -> memref<128x256xf32, #tpu.memory_space<hbm>>
    %dma_wait3A_154 = arith.constant 0 : i32
    %dma_wait3A_155 = tpu.memref_slice %arg4[%add3A_151, %dma_wait3A_154] : memref<32768x256xf32, #tpu.memory_space<hbm>> -> memref<128x256xf32, #tpu.memory_space<hbm>>
    tpu.wait_dma2 semaphore(%arg10 : memref<!tpu.dma_semaphore, #tpu.memory_space<semaphore_mem>>) src(%arg6 : memref<128x256xf32, #tpu.memory_space<vmem>>) dst(%dma_wait3A_155 : memref<128x256xf32, #tpu.memory_space<hbm>>)
    %dma_start3A_156 = arith.constant 0 : i32
    %dma_start3A_157 = arith.constant 0 : i32
    %dma_start3A_158 = tpu.memref_slice %arg5[%dma_start3A_156, %dma_start3A_157] : memref<2x128xi32, #tpu.memory_space<vmem>> -> memref<1x128xi32, #tpu.memory_space<vmem>>
    %dma_start3A_159 = tpu.memref_squeeze %dma_start3A_158 : memref<1x128xi32, #tpu.memory_space<vmem>> -> memref<128xi32, #tpu.memory_space<vmem>>
    %dma_start3A_160 = arith.constant 0 : i32
    %dma_start3A_161 = arith.constant 0 : i32
    %dma_start3A_162 = tpu.memref_slice %arg2[%dma_start3A_160, %dma_start3A_161] : memref<8192x256xf32, #tpu.memory_space<hbm>> -> memref<8192x256xf32, #tpu.memory_space<hbm>>
    tpu.enqueue_indirect_dma source(%dma_start3A_162 : memref<8192x256xf32, #tpu.memory_space<hbm>>) target(%arg6 : memref<128x256xf32, #tpu.memory_space<vmem>>) offsets(%dma_start3A_159 : memref<128xi32, #tpu.memory_space<vmem>>) semaphore(%arg8 : memref<!tpu.dma_semaphore, #tpu.memory_space<semaphore_mem>>)
    %dma_wait3A_163 = arith.constant 1 : i32
    %dma_wait3A_164 = arith.constant 0 : i32
    %dma_wait3A_165 = tpu.memref_slice %arg5[%dma_wait3A_163, %dma_wait3A_164] : memref<2x128xi32, #tpu.memory_space<vmem>> -> memref<1x128xi32, #tpu.memory_space<vmem>>
    %dma_wait3A_166 = tpu.memref_squeeze %dma_wait3A_165 : memref<1x128xi32, #tpu.memory_space<vmem>> -> memref<128xi32, #tpu.memory_space<vmem>>
    %dma_wait3A_167 = arith.constant 0 : i32
    %dma_wait3A_168 = arith.constant 0 : i32
    %dma_wait3A_169 = tpu.memref_slice %arg2[%dma_wait3A_167, %dma_wait3A_168] : memref<8192x256xf32, #tpu.memory_space<hbm>> -> memref<8192x256xf32, #tpu.memory_space<hbm>>
    tpu.wait_indirect_dma semaphore(%arg9 : memref<!tpu.dma_semaphore, #tpu.memory_space<semaphore_mem>>) src(%dma_wait3A_169 : memref<8192x256xf32, #tpu.memory_space<hbm>>) dst(%arg7 : memref<128x256xf32, #tpu.memory_space<vmem>>)
    %add3A_170 = arith.constant 640 : i32
    %add3A_171 = arith.addi %mul3A_2, %add3A_170 : i32
    %dma_start3A_172 = arith.constant 0 : i32
    %dma_start3A_173 = tpu.memref_slice %arg4[%add3A_171, %dma_start3A_172] : memref<32768x256xf32, #tpu.memory_space<hbm>> -> memref<128x256xf32, #tpu.memory_space<hbm>>
    %dma_start3A_174 = arith.constant 0 : i32
    %dma_start3A_175 = tpu.memref_slice %arg4[%add3A_171, %dma_start3A_174] : memref<32768x256xf32, #tpu.memory_space<hbm>> -> memref<128x256xf32, #tpu.memory_space<hbm>>
    tpu.enqueue_dma source(%arg7 : memref<128x256xf32, #tpu.memory_space<vmem>>) target(%dma_start3A_175 : memref<128x256xf32, #tpu.memory_space<hbm>>) target_semaphore(%arg11 : memref<!tpu.dma_semaphore, #tpu.memory_space<semaphore_mem>>)
    %add3A_176 = arith.constant 896 : i32
    %add3A_177 = arith.addi %mul3A_2, %add3A_176 : i32
    %run_scoped3A_178 = arith.constant 1 : i32
    "tpu.region"() ({
      %run_scoped3A_228 = tpu.sem_alloc : memref<!tpu.dma_semaphore, #tpu.memory_space<semaphore_mem>>
      %dma_start3A_229 = arith.constant 0 : i32
      %dma_start3A_230 = tpu.memref_slice %arg5[%run_scoped3A_178, %dma_start3A_229] : memref<2x128xi32, #tpu.memory_space<vmem>> -> memref<1x128xi32, #tpu.memory_space<vmem>>
      %dma_start3A_231 = tpu.memref_squeeze %dma_start3A_230 : memref<1x128xi32, #tpu.memory_space<vmem>> -> memref<128xi32, #tpu.memory_space<vmem>>
      %dma_start3A_232 = tpu.memref_slice %arg3[%add3A_177] : memref<32768xi32, #tpu.memory_space<hbm>> -> memref<128xi32, #tpu.memory_space<hbm>>
      %dma_start3A_233 = arith.constant 0 : i32
      %dma_start3A_234 = tpu.memref_slice %arg5[%run_scoped3A_178, %dma_start3A_233] : memref<2x128xi32, #tpu.memory_space<vmem>> -> memref<1x128xi32, #tpu.memory_space<vmem>>
      %dma_start3A_235 = tpu.memref_squeeze %dma_start3A_234 : memref<1x128xi32, #tpu.memory_space<vmem>> -> memref<128xi32, #tpu.memory_space<vmem>>
      %dma_start3A_236 = tpu.memref_slice %arg3[%add3A_177] : memref<32768xi32, #tpu.memory_space<hbm>> -> memref<128xi32, #tpu.memory_space<hbm>>
      tpu.enqueue_dma source(%dma_start3A_236 : memref<128xi32, #tpu.memory_space<hbm>>) target(%dma_start3A_235 : memref<128xi32, #tpu.memory_space<vmem>>) target_semaphore(%run_scoped3A_228 : memref<!tpu.dma_semaphore, #tpu.memory_space<semaphore_mem>>)
      %dma_wait3A_237 = arith.constant 0 : i32
      %dma_wait3A_238 = tpu.memref_slice %arg5[%run_scoped3A_178, %dma_wait3A_237] : memref<2x128xi32, #tpu.memory_space<vmem>> -> memref<1x128xi32, #tpu.memory_space<vmem>>
      %dma_wait3A_239 = tpu.memref_squeeze %dma_wait3A_238 : memref<1x128xi32, #tpu.memory_space<vmem>> -> memref<128xi32, #tpu.memory_space<vmem>>
      %dma_wait3A_240 = tpu.memref_slice %arg3[%add3A_177] : memref<32768xi32, #tpu.memory_space<hbm>> -> memref<128xi32, #tpu.memory_space<hbm>>
      %dma_wait3A_241 = arith.constant 0 : i32
      %dma_wait3A_242 = tpu.memref_slice %arg5[%run_scoped3A_178, %dma_wait3A_241] : memref<2x128xi32, #tpu.memory_space<vmem>> -> memref<1x128xi32, #tpu.memory_space<vmem>>
      %dma_wait3A_243 = tpu.memref_squeeze %dma_wait3A_242 : memref<1x128xi32, #tpu.memory_space<vmem>> -> memref<128xi32, #tpu.memory_space<vmem>>
      %dma_wait3A_244 = tpu.memref_slice %arg3[%add3A_177] : memref<32768xi32, #tpu.memory_space<hbm>> -> memref<128xi32, #tpu.memory_space<hbm>>
      tpu.wait_dma2 semaphore(%run_scoped3A_228 : memref<!tpu.dma_semaphore, #tpu.memory_space<semaphore_mem>>) src(%dma_wait3A_244 : memref<128xi32, #tpu.memory_space<hbm>>) dst(%dma_wait3A_243 : memref<128xi32, #tpu.memory_space<vmem>>)
      tpu.yield
    }) : () -> ()
    %add3A_179 = arith.constant 640 : i32
    %add3A_180 = arith.addi %mul3A_2, %add3A_179 : i32
    %dma_wait3A_181 = arith.constant 0 : i32
    %dma_wait3A_182 = tpu.memref_slice %arg4[%add3A_180, %dma_wait3A_181] : memref<32768x256xf32, #tpu.memory_space<hbm>> -> memref<128x256xf32, #tpu.memory_space<hbm>>
    %dma_wait3A_183 = arith.constant 0 : i32
    %dma_wait3A_184 = tpu.memref_slice %arg4[%add3A_180, %dma_wait3A_183] : memref<32768x256xf32, #tpu.memory_space<hbm>> -> memref<128x256xf32, #tpu.memory_space<hbm>>
    tpu.wait_dma2 semaphore(%arg11 : memref<!tpu.dma_semaphore, #tpu.memory_space<semaphore_mem>>) src(%arg7 : memref<128x256xf32, #tpu.memory_space<vmem>>) dst(%dma_wait3A_184 : memref<128x256xf32, #tpu.memory_space<hbm>>)
    %dma_start3A_185 = arith.constant 1 : i32
    %dma_start3A_186 = arith.constant 0 : i32
    %dma_start3A_187 = tpu.memref_slice %arg5[%dma_start3A_185, %dma_start3A_186] : memref<2x128xi32, #tpu.memory_space<vmem>> -> memref<1x128xi32, #tpu.memory_space<vmem>>
    %dma_start3A_188 = tpu.memref_squeeze %dma_start3A_187 : memref<1x128xi32, #tpu.memory_space<vmem>> -> memref<128xi32, #tpu.memory_space<vmem>>
    %dma_start3A_189 = arith.constant 0 : i32
    %dma_start3A_190 = arith.constant 0 : i32
    %dma_start3A_191 = tpu.memref_slice %arg2[%dma_start3A_189, %dma_start3A_190] : memref<8192x256xf32, #tpu.memory_space<hbm>> -> memref<8192x256xf32, #tpu.memory_space<hbm>>
    tpu.enqueue_indirect_dma source(%dma_start3A_191 : memref<8192x256xf32, #tpu.memory_space<hbm>>) target(%arg7 : memref<128x256xf32, #tpu.memory_space<vmem>>) offsets(%dma_start3A_188 : memref<128xi32, #tpu.memory_space<vmem>>) semaphore(%arg9 : memref<!tpu.dma_semaphore, #tpu.memory_space<semaphore_mem>>)
    %dma_wait3A_192 = arith.constant 0 : i32
    %dma_wait3A_193 = arith.constant 0 : i32
    %dma_wait3A_194 = tpu.memref_slice %arg5[%dma_wait3A_192, %dma_wait3A_193] : memref<2x128xi32, #tpu.memory_space<vmem>> -> memref<1x128xi32, #tpu.memory_space<vmem>>
    %dma_wait3A_195 = tpu.memref_squeeze %dma_wait3A_194 : memref<1x128xi32, #tpu.memory_space<vmem>> -> memref<128xi32, #tpu.memory_space<vmem>>
    %dma_wait3A_196 = arith.constant 0 : i32
    %dma_wait3A_197 = arith.constant 0 : i32
    %dma_wait3A_198 = tpu.memref_slice %arg2[%dma_wait3A_196, %dma_wait3A_197] : memref<8192x256xf32, #tpu.memory_space<hbm>> -> memref<8192x256xf32, #tpu.memory_space<hbm>>
    tpu.wait_indirect_dma semaphore(%arg8 : memref<!tpu.dma_semaphore, #tpu.memory_space<semaphore_mem>>) src(%dma_wait3A_198 : memref<8192x256xf32, #tpu.memory_space<hbm>>) dst(%arg6 : memref<128x256xf32, #tpu.memory_space<vmem>>)
    %add3A_199 = arith.constant 768 : i32
    %add3A_200 = arith.addi %mul3A_2, %add3A_199 : i32
    %dma_start3A_201 = arith.constant 0 : i32
    %dma_start3A_202 = tpu.memref_slice %arg4[%add3A_200, %dma_start3A_201] : memref<32768x256xf32, #tpu.memory_space<hbm>> -> memref<128x256xf32, #tpu.memory_space<hbm>>
    %dma_start3A_203 = arith.constant 0 : i32
    %dma_start3A_204 = tpu.memref_slice %arg4[%add3A_200, %dma_start3A_203] : memref<32768x256xf32, #tpu.memory_space<hbm>> -> memref<128x256xf32, #tpu.memory_space<hbm>>
    tpu.enqueue_dma source(%arg6 : memref<128x256xf32, #tpu.memory_space<vmem>>) target(%dma_start3A_204 : memref<128x256xf32, #tpu.memory_space<hbm>>) target_semaphore(%arg10 : memref<!tpu.dma_semaphore, #tpu.memory_space<semaphore_mem>>)
    %dma_wait3A_205 = arith.constant 1 : i32
    %dma_wait3A_206 = arith.constant 0 : i32
    %dma_wait3A_207 = tpu.memref_slice %arg5[%dma_wait3A_205, %dma_wait3A_206] : memref<2x128xi32, #tpu.memory_space<vmem>> -> memref<1x128xi32, #tpu.memory_space<vmem>>
    %dma_wait3A_208 = tpu.memref_squeeze %dma_wait3A_207 : memref<1x128xi32, #tpu.memory_space<vmem>> -> memref<128xi32, #tpu.memory_space<vmem>>
    %dma_wait3A_209 = arith.constant 0 : i32
    %dma_wait3A_210 = arith.constant 0 : i32
    %dma_wait3A_211 = tpu.memref_slice %arg2[%dma_wait3A_209, %dma_wait3A_210] : memref<8192x256xf32, #tpu.memory_space<hbm>> -> memref<8192x256xf32, #tpu.memory_space<hbm>>
    tpu.wait_indirect_dma semaphore(%arg9 : memref<!tpu.dma_semaphore, #tpu.memory_space<semaphore_mem>>) src(%dma_wait3A_211 : memref<8192x256xf32, #tpu.memory_space<hbm>>) dst(%arg7 : memref<128x256xf32, #tpu.memory_space<vmem>>)
    %add3A_212 = arith.constant 896 : i32
    %add3A_213 = arith.addi %mul3A_2, %add3A_212 : i32
    %dma_start3A_214 = arith.constant 0 : i32
    %dma_start3A_215 = tpu.memref_slice %arg4[%add3A_213, %dma_start3A_214] : memref<32768x256xf32, #tpu.memory_space<hbm>> -> memref<128x256xf32, #tpu.memory_space<hbm>>
    %dma_start3A_216 = arith.constant 0 : i32
    %dma_start3A_217 = tpu.memref_slice %arg4[%add3A_213, %dma_start3A_216] : memref<32768x256xf32, #tpu.memory_space<hbm>> -> memref<128x256xf32, #tpu.memory_space<hbm>>
    tpu.enqueue_dma source(%arg7 : memref<128x256xf32, #tpu.memory_space<vmem>>) target(%dma_start3A_217 : memref<128x256xf32, #tpu.memory_space<hbm>>) target_semaphore(%arg11 : memref<!tpu.dma_semaphore, #tpu.memory_space<semaphore_mem>>)
    %dma_wait3A_218 = arith.constant 0 : i32
    %dma_wait3A_219 = tpu.memref_slice %arg4[%add3A_213, %dma_wait3A_218] : memref<32768x256xf32, #tpu.memory_space<hbm>> -> memref<128x256xf32, #tpu.memory_space<hbm>>
    %dma_wait3A_220 = arith.constant 0 : i32
    %dma_wait3A_221 = tpu.memref_slice %arg4[%add3A_213, %dma_wait3A_220] : memref<32768x256xf32, #tpu.memory_space<hbm>> -> memref<128x256xf32, #tpu.memory_space<hbm>>
    tpu.wait_dma2 semaphore(%arg11 : memref<!tpu.dma_semaphore, #tpu.memory_space<semaphore_mem>>) src(%arg7 : memref<128x256xf32, #tpu.memory_space<vmem>>) dst(%dma_wait3A_221 : memref<128x256xf32, #tpu.memory_space<hbm>>)
    %add3A_222 = arith.constant 768 : i32
    %add3A_223 = arith.addi %mul3A_2, %add3A_222 : i32
    %dma_wait3A_224 = arith.constant 0 : i32
    %dma_wait3A_225 = tpu.memref_slice %arg4[%add3A_223, %dma_wait3A_224] : memref<32768x256xf32, #tpu.memory_space<hbm>> -> memref<128x256xf32, #tpu.memory_space<hbm>>
    %dma_wait3A_226 = arith.constant 0 : i32
    %dma_wait3A_227 = tpu.memref_slice %arg4[%add3A_223, %dma_wait3A_226] : memref<32768x256xf32, #tpu.memory_space<hbm>> -> memref<128x256xf32, #tpu.memory_space<hbm>>
    tpu.wait_dma2 semaphore(%arg10 : memref<!tpu.dma_semaphore, #tpu.memory_space<semaphore_mem>>) src(%arg6 : memref<128x256xf32, #tpu.memory_space<vmem>>) dst(%dma_wait3A_227 : memref<128x256xf32, #tpu.memory_space<hbm>>)
    return
  }
}

module attributes {stable_mosaic.version = 14 : i64} {
  func.func @_argmin_body(%arg0: i32, %arg1: memref<512x256xf32, #tpu.memory_space<vmem>>, %arg2: memref<256x8192xf32, #tpu.memory_space<vmem>>, %arg3: memref<2x8192xf32, #tpu.memory_space<vmem>>, %arg4: memref<512x1xi32, #tpu.memory_space<vmem>>, %arg5: memref<1x1xf32, #tpu.memory_space<vmem>>, %arg6: memref<1x1xf32, #tpu.memory_space<vmem>>) attributes {dimension_semantics = [#tpu.dimension_semantics<arbitrary>], iteration_bounds = array<i64: 64>, scalar_prefetch = 0 : i64, scratch_operands = 1 : i64, tpu.core_type = #tpu.core_type<tc>, window_params = [{transform_indices = @transform_0, window_bounds = array<i64: 512, 256>}, {pipeline_mode = #tpu.pipeline_mode<synchronous>, transform_indices = @transform_1, window_bounds = array<i64: 256, 8192>}, {pipeline_mode = #tpu.pipeline_mode<synchronous>, transform_indices = @transform_2, window_bounds = array<i64: 2, 8192>}, {transform_indices = @transform_3, window_bounds = array<i64: 512, 1>}, {pipeline_mode = #tpu.pipeline_mode<synchronous>, transform_indices = @transform_4, window_bounds = array<i64: 1, 1>}]} {
    %get3A = arith.constant 0 : index
    %get3A_0 = arith.constant 0 : index
    %get3A_1 = vector.load %arg1[%get3A, %get3A_0] : memref<512x256xf32, #tpu.memory_space<vmem>>, vector<512x256xf32>
    %mul3A = arith.mulf %get3A_1, %get3A_1 : vector<512x256xf32>
    %reduce_sum3A = arith.constant dense<0.000000e+00> : vector<512xf32>
    %reduce_sum3A_2 = vector.multi_reduction <add>, %mul3A, %reduce_sum3A [1] : vector<512x256xf32> to vector<512xf32>
    %broadcast_in_dim3A = vector.shape_cast %reduce_sum3A_2 : vector<512xf32> to vector<512x1xf32>
    %mul3A_3 = arith.constant -2.000000e+00 : f32
    %mul3A_4 = vector.broadcast %mul3A_3 : f32 to vector<512x256xf32>
    %mul3A_5 = arith.mulf %get3A_1, %mul3A_4 : vector<512x256xf32>
    %broadcast_in_dim3A_6 = arith.constant 0x7F800000 : f32
    %broadcast_in_dim3A_7 = vector.broadcast %broadcast_in_dim3A_6 : f32 to vector<512x128xf32>
    %broadcast_in_dim3A_8 = arith.constant 8.192000e+03 : f32
    %broadcast_in_dim3A_9 = vector.broadcast %broadcast_in_dim3A_8 : f32 to vector<512x128xf32>
    %get3A_10 = arith.constant 0 : index
    %get3A_11 = arith.constant 0 : index
    %get3A_12 = vector.load %arg2[%get3A_10, %get3A_11] : memref<256x8192xf32, #tpu.memory_space<vmem>>, vector<256x512xf32>
    %dot_general3A = arith.constant dense<0.000000e+00> : vector<512x512xf32>
    %dot_general3A_13 = tpu.matmul %mul3A_5, %get3A_12, %dot_general3A {dimension_numbers = #tpu.dot_dimension_numbers<[1], [0], [0], [1], [0, 0, 1, 1], [], []>, transpose_lhs_hint = false} : vector<512x256xf32>, vector<256x512xf32>, vector<512x512xf32> -> vector<512x512xf32>
    %add3A = vector.broadcast %broadcast_in_dim3A : vector<512x1xf32> to vector<512x512xf32>
    %add3A_14 = arith.addf %add3A, %dot_general3A_13 : vector<512x512xf32>
    %get3A_15 = arith.constant 0 : index
    %get3A_16 = arith.constant 0 : index
    %get3A_17 = vector.load %arg3[%get3A_15, %get3A_16] : memref<2x8192xf32, #tpu.memory_space<vmem>>, vector<1x512xf32>
    %add3A_18 = vector.broadcast %get3A_17 : vector<1x512xf32> to vector<512x512xf32>
    %add3A_19 = arith.addf %add3A_14, %add3A_18 : vector<512x512xf32>
    %slice3A = vector.extract_strided_slice %add3A_19 {offsets = [0, 0], sizes = [512, 128], strides = [1, 1]} : vector<512x512xf32> to vector<512x128xf32>
    %get3A_20 = arith.constant 1 : index
    %get3A_21 = arith.constant 0 : index
    %get3A_22 = vector.load %arg3[%get3A_20, %get3A_21] : memref<2x8192xf32, #tpu.memory_space<vmem>>, vector<1x128xf32>
    %broadcast_in_dim3A_23 = vector.shape_cast %get3A_22 : vector<1x128xf32> to vector<1x128xf32>
    %broadcast_in_dim3A_24 = vector.broadcast %broadcast_in_dim3A_23 : vector<1x128xf32> to vector<512x128xf32>
    %lt3A = arith.cmpf olt, %slice3A, %broadcast_in_dim3A_7 : vector<512x128xf32>
    %select_n3A = arith.select %lt3A, %broadcast_in_dim3A_24, %broadcast_in_dim3A_9 : vector<512x128xi1>, vector<512x128xf32>
    %min3A = arith.minimumf %slice3A, %broadcast_in_dim3A_7 : vector<512x128xf32>
    %slice3A_25 = vector.extract_strided_slice %add3A_19 {offsets = [0, 128], sizes = [512, 128], strides = [1, 1]} : vector<512x512xf32> to vector<512x128xf32>
    %get3A_26 = arith.constant 1 : index
    %get3A_27 = arith.constant 128 : index
    %get3A_28 = vector.load %arg3[%get3A_26, %get3A_27] : memref<2x8192xf32, #tpu.memory_space<vmem>>, vector<1x128xf32>
    %broadcast_in_dim3A_29 = vector.shape_cast %get3A_28 : vector<1x128xf32> to vector<1x128xf32>
    %broadcast_in_dim3A_30 = vector.broadcast %broadcast_in_dim3A_29 : vector<1x128xf32> to vector<512x128xf32>
    %lt3A_31 = arith.cmpf olt, %slice3A_25, %min3A : vector<512x128xf32>
    %select_n3A_32 = arith.select %lt3A_31, %broadcast_in_dim3A_30, %select_n3A : vector<512x128xi1>, vector<512x128xf32>
    %min3A_33 = arith.minimumf %slice3A_25, %min3A : vector<512x128xf32>
    %slice3A_34 = vector.extract_strided_slice %add3A_19 {offsets = [0, 256], sizes = [512, 128], strides = [1, 1]} : vector<512x512xf32> to vector<512x128xf32>
    %get3A_35 = arith.constant 1 : index
    %get3A_36 = arith.constant 256 : index
    %get3A_37 = vector.load %arg3[%get3A_35, %get3A_36] : memref<2x8192xf32, #tpu.memory_space<vmem>>, vector<1x128xf32>
    %broadcast_in_dim3A_38 = vector.shape_cast %get3A_37 : vector<1x128xf32> to vector<1x128xf32>
    %broadcast_in_dim3A_39 = vector.broadcast %broadcast_in_dim3A_38 : vector<1x128xf32> to vector<512x128xf32>
    %lt3A_40 = arith.cmpf olt, %slice3A_34, %min3A_33 : vector<512x128xf32>
    %select_n3A_41 = arith.select %lt3A_40, %broadcast_in_dim3A_39, %select_n3A_32 : vector<512x128xi1>, vector<512x128xf32>
    %min3A_42 = arith.minimumf %slice3A_34, %min3A_33 : vector<512x128xf32>
    %slice3A_43 = vector.extract_strided_slice %add3A_19 {offsets = [0, 384], sizes = [512, 128], strides = [1, 1]} : vector<512x512xf32> to vector<512x128xf32>
    %get3A_44 = arith.constant 1 : index
    %get3A_45 = arith.constant 384 : index
    %get3A_46 = vector.load %arg3[%get3A_44, %get3A_45] : memref<2x8192xf32, #tpu.memory_space<vmem>>, vector<1x128xf32>
    %broadcast_in_dim3A_47 = vector.shape_cast %get3A_46 : vector<1x128xf32> to vector<1x128xf32>
    %broadcast_in_dim3A_48 = vector.broadcast %broadcast_in_dim3A_47 : vector<1x128xf32> to vector<512x128xf32>
    %lt3A_49 = arith.cmpf olt, %slice3A_43, %min3A_42 : vector<512x128xf32>
    %select_n3A_50 = arith.select %lt3A_49, %broadcast_in_dim3A_48, %select_n3A_41 : vector<512x128xi1>, vector<512x128xf32>
    %min3A_51 = arith.minimumf %slice3A_43, %min3A_42 : vector<512x128xf32>
    %get3A_52 = arith.constant 0 : index
    %get3A_53 = arith.constant 512 : index
    %get3A_54 = vector.load %arg2[%get3A_52, %get3A_53] : memref<256x8192xf32, #tpu.memory_space<vmem>>, vector<256x512xf32>
    %dot_general3A_55 = arith.constant dense<0.000000e+00> : vector<512x512xf32>
    %dot_general3A_56 = tpu.matmul %mul3A_5, %get3A_54, %dot_general3A_55 {dimension_numbers = #tpu.dot_dimension_numbers<[1], [0], [0], [1], [0, 0, 1, 1], [], []>, transpose_lhs_hint = false} : vector<512x256xf32>, vector<256x512xf32>, vector<512x512xf32> -> vector<512x512xf32>
    %add3A_57 = vector.broadcast %broadcast_in_dim3A : vector<512x1xf32> to vector<512x512xf32>
    %add3A_58 = arith.addf %add3A_57, %dot_general3A_56 : vector<512x512xf32>
    %get3A_59 = arith.constant 0 : index
    %get3A_60 = arith.constant 512 : index
    %get3A_61 = vector.load %arg3[%get3A_59, %get3A_60] : memref<2x8192xf32, #tpu.memory_space<vmem>>, vector<1x512xf32>
    %add3A_62 = vector.broadcast %get3A_61 : vector<1x512xf32> to vector<512x512xf32>
    %add3A_63 = arith.addf %add3A_58, %add3A_62 : vector<512x512xf32>
    %slice3A_64 = vector.extract_strided_slice %add3A_63 {offsets = [0, 0], sizes = [512, 128], strides = [1, 1]} : vector<512x512xf32> to vector<512x128xf32>
    %get3A_65 = arith.constant 1 : index
    %get3A_66 = arith.constant 512 : index
    %get3A_67 = vector.load %arg3[%get3A_65, %get3A_66] : memref<2x8192xf32, #tpu.memory_space<vmem>>, vector<1x128xf32>
    %broadcast_in_dim3A_68 = vector.shape_cast %get3A_67 : vector<1x128xf32> to vector<1x128xf32>
    %broadcast_in_dim3A_69 = vector.broadcast %broadcast_in_dim3A_68 : vector<1x128xf32> to vector<512x128xf32>
    %lt3A_70 = arith.cmpf olt, %slice3A_64, %min3A_51 : vector<512x128xf32>
    %select_n3A_71 = arith.select %lt3A_70, %broadcast_in_dim3A_69, %select_n3A_50 : vector<512x128xi1>, vector<512x128xf32>
    %min3A_72 = arith.minimumf %slice3A_64, %min3A_51 : vector<512x128xf32>
    %slice3A_73 = vector.extract_strided_slice %add3A_63 {offsets = [0, 128], sizes = [512, 128], strides = [1, 1]} : vector<512x512xf32> to vector<512x128xf32>
    %get3A_74 = arith.constant 1 : index
    %get3A_75 = arith.constant 640 : index
    %get3A_76 = vector.load %arg3[%get3A_74, %get3A_75] : memref<2x8192xf32, #tpu.memory_space<vmem>>, vector<1x128xf32>
    %broadcast_in_dim3A_77 = vector.shape_cast %get3A_76 : vector<1x128xf32> to vector<1x128xf32>
    %broadcast_in_dim3A_78 = vector.broadcast %broadcast_in_dim3A_77 : vector<1x128xf32> to vector<512x128xf32>
    %lt3A_79 = arith.cmpf olt, %slice3A_73, %min3A_72 : vector<512x128xf32>
    %select_n3A_80 = arith.select %lt3A_79, %broadcast_in_dim3A_78, %select_n3A_71 : vector<512x128xi1>, vector<512x128xf32>
    %min3A_81 = arith.minimumf %slice3A_73, %min3A_72 : vector<512x128xf32>
    %slice3A_82 = vector.extract_strided_slice %add3A_63 {offsets = [0, 256], sizes = [512, 128], strides = [1, 1]} : vector<512x512xf32> to vector<512x128xf32>
    %get3A_83 = arith.constant 1 : index
    %get3A_84 = arith.constant 768 : index
    %get3A_85 = vector.load %arg3[%get3A_83, %get3A_84] : memref<2x8192xf32, #tpu.memory_space<vmem>>, vector<1x128xf32>
    %broadcast_in_dim3A_86 = vector.shape_cast %get3A_85 : vector<1x128xf32> to vector<1x128xf32>
    %broadcast_in_dim3A_87 = vector.broadcast %broadcast_in_dim3A_86 : vector<1x128xf32> to vector<512x128xf32>
    %lt3A_88 = arith.cmpf olt, %slice3A_82, %min3A_81 : vector<512x128xf32>
    %select_n3A_89 = arith.select %lt3A_88, %broadcast_in_dim3A_87, %select_n3A_80 : vector<512x128xi1>, vector<512x128xf32>
    %min3A_90 = arith.minimumf %slice3A_82, %min3A_81 : vector<512x128xf32>
    %slice3A_91 = vector.extract_strided_slice %add3A_63 {offsets = [0, 384], sizes = [512, 128], strides = [1, 1]} : vector<512x512xf32> to vector<512x128xf32>
    %get3A_92 = arith.constant 1 : index
    %get3A_93 = arith.constant 896 : index
    %get3A_94 = vector.load %arg3[%get3A_92, %get3A_93] : memref<2x8192xf32, #tpu.memory_space<vmem>>, vector<1x128xf32>
    %broadcast_in_dim3A_95 = vector.shape_cast %get3A_94 : vector<1x128xf32> to vector<1x128xf32>
    %broadcast_in_dim3A_96 = vector.broadcast %broadcast_in_dim3A_95 : vector<1x128xf32> to vector<512x128xf32>
    %lt3A_97 = arith.cmpf olt, %slice3A_91, %min3A_90 : vector<512x128xf32>
    %select_n3A_98 = arith.select %lt3A_97, %broadcast_in_dim3A_96, %select_n3A_89 : vector<512x128xi1>, vector<512x128xf32>
    %min3A_99 = arith.minimumf %slice3A_91, %min3A_90 : vector<512x128xf32>
    %get3A_100 = arith.constant 0 : index
    %get3A_101 = arith.constant 1024 : index
    %get3A_102 = vector.load %arg2[%get3A_100, %get3A_101] : memref<256x8192xf32, #tpu.memory_space<vmem>>, vector<256x512xf32>
    %dot_general3A_103 = arith.constant dense<0.000000e+00> : vector<512x512xf32>
    %dot_general3A_104 = tpu.matmul %mul3A_5, %get3A_102, %dot_general3A_103 {dimension_numbers = #tpu.dot_dimension_numbers<[1], [0], [0], [1], [0, 0, 1, 1], [], []>, transpose_lhs_hint = false} : vector<512x256xf32>, vector<256x512xf32>, vector<512x512xf32> -> vector<512x512xf32>
    %add3A_105 = vector.broadcast %broadcast_in_dim3A : vector<512x1xf32> to vector<512x512xf32>
    %add3A_106 = arith.addf %add3A_105, %dot_general3A_104 : vector<512x512xf32>
    %get3A_107 = arith.constant 0 : index
    %get3A_108 = arith.constant 1024 : index
    %get3A_109 = vector.load %arg3[%get3A_107, %get3A_108] : memref<2x8192xf32, #tpu.memory_space<vmem>>, vector<1x512xf32>
    %add3A_110 = vector.broadcast %get3A_109 : vector<1x512xf32> to vector<512x512xf32>
    %add3A_111 = arith.addf %add3A_106, %add3A_110 : vector<512x512xf32>
    %slice3A_112 = vector.extract_strided_slice %add3A_111 {offsets = [0, 0], sizes = [512, 128], strides = [1, 1]} : vector<512x512xf32> to vector<512x128xf32>
    %get3A_113 = arith.constant 1 : index
    %get3A_114 = arith.constant 1024 : index
    %get3A_115 = vector.load %arg3[%get3A_113, %get3A_114] : memref<2x8192xf32, #tpu.memory_space<vmem>>, vector<1x128xf32>
    %broadcast_in_dim3A_116 = vector.shape_cast %get3A_115 : vector<1x128xf32> to vector<1x128xf32>
    %broadcast_in_dim3A_117 = vector.broadcast %broadcast_in_dim3A_116 : vector<1x128xf32> to vector<512x128xf32>
    %lt3A_118 = arith.cmpf olt, %slice3A_112, %min3A_99 : vector<512x128xf32>
    %select_n3A_119 = arith.select %lt3A_118, %broadcast_in_dim3A_117, %select_n3A_98 : vector<512x128xi1>, vector<512x128xf32>
    %min3A_120 = arith.minimumf %slice3A_112, %min3A_99 : vector<512x128xf32>
    %slice3A_121 = vector.extract_strided_slice %add3A_111 {offsets = [0, 128], sizes = [512, 128], strides = [1, 1]} : vector<512x512xf32> to vector<512x128xf32>
    %get3A_122 = arith.constant 1 : index
    %get3A_123 = arith.constant 1152 : index
    %get3A_124 = vector.load %arg3[%get3A_122, %get3A_123] : memref<2x8192xf32, #tpu.memory_space<vmem>>, vector<1x128xf32>
    %broadcast_in_dim3A_125 = vector.shape_cast %get3A_124 : vector<1x128xf32> to vector<1x128xf32>
    %broadcast_in_dim3A_126 = vector.broadcast %broadcast_in_dim3A_125 : vector<1x128xf32> to vector<512x128xf32>
    %lt3A_127 = arith.cmpf olt, %slice3A_121, %min3A_120 : vector<512x128xf32>
    %select_n3A_128 = arith.select %lt3A_127, %broadcast_in_dim3A_126, %select_n3A_119 : vector<512x128xi1>, vector<512x128xf32>
    %min3A_129 = arith.minimumf %slice3A_121, %min3A_120 : vector<512x128xf32>
    %slice3A_130 = vector.extract_strided_slice %add3A_111 {offsets = [0, 256], sizes = [512, 128], strides = [1, 1]} : vector<512x512xf32> to vector<512x128xf32>
    %get3A_131 = arith.constant 1 : index
    %get3A_132 = arith.constant 1280 : index
    %get3A_133 = vector.load %arg3[%get3A_131, %get3A_132] : memref<2x8192xf32, #tpu.memory_space<vmem>>, vector<1x128xf32>
    %broadcast_in_dim3A_134 = vector.shape_cast %get3A_133 : vector<1x128xf32> to vector<1x128xf32>
    %broadcast_in_dim3A_135 = vector.broadcast %broadcast_in_dim3A_134 : vector<1x128xf32> to vector<512x128xf32>
    %lt3A_136 = arith.cmpf olt, %slice3A_130, %min3A_129 : vector<512x128xf32>
    %select_n3A_137 = arith.select %lt3A_136, %broadcast_in_dim3A_135, %select_n3A_128 : vector<512x128xi1>, vector<512x128xf32>
    %min3A_138 = arith.minimumf %slice3A_130, %min3A_129 : vector<512x128xf32>
    %slice3A_139 = vector.extract_strided_slice %add3A_111 {offsets = [0, 384], sizes = [512, 128], strides = [1, 1]} : vector<512x512xf32> to vector<512x128xf32>
    %get3A_140 = arith.constant 1 : index
    %get3A_141 = arith.constant 1408 : index
    %get3A_142 = vector.load %arg3[%get3A_140, %get3A_141] : memref<2x8192xf32, #tpu.memory_space<vmem>>, vector<1x128xf32>
    %broadcast_in_dim3A_143 = vector.shape_cast %get3A_142 : vector<1x128xf32> to vector<1x128xf32>
    %broadcast_in_dim3A_144 = vector.broadcast %broadcast_in_dim3A_143 : vector<1x128xf32> to vector<512x128xf32>
    %lt3A_145 = arith.cmpf olt, %slice3A_139, %min3A_138 : vector<512x128xf32>
    %select_n3A_146 = arith.select %lt3A_145, %broadcast_in_dim3A_144, %select_n3A_137 : vector<512x128xi1>, vector<512x128xf32>
    %min3A_147 = arith.minimumf %slice3A_139, %min3A_138 : vector<512x128xf32>
    %get3A_148 = arith.constant 0 : index
    %get3A_149 = arith.constant 1536 : index
    %get3A_150 = vector.load %arg2[%get3A_148, %get3A_149] : memref<256x8192xf32, #tpu.memory_space<vmem>>, vector<256x512xf32>
    %dot_general3A_151 = arith.constant dense<0.000000e+00> : vector<512x512xf32>
    %dot_general3A_152 = tpu.matmul %mul3A_5, %get3A_150, %dot_general3A_151 {dimension_numbers = #tpu.dot_dimension_numbers<[1], [0], [0], [1], [0, 0, 1, 1], [], []>, transpose_lhs_hint = false} : vector<512x256xf32>, vector<256x512xf32>, vector<512x512xf32> -> vector<512x512xf32>
    %add3A_153 = vector.broadcast %broadcast_in_dim3A : vector<512x1xf32> to vector<512x512xf32>
    %add3A_154 = arith.addf %add3A_153, %dot_general3A_152 : vector<512x512xf32>
    %get3A_155 = arith.constant 0 : index
    %get3A_156 = arith.constant 1536 : index
    %get3A_157 = vector.load %arg3[%get3A_155, %get3A_156] : memref<2x8192xf32, #tpu.memory_space<vmem>>, vector<1x512xf32>
    %add3A_158 = vector.broadcast %get3A_157 : vector<1x512xf32> to vector<512x512xf32>
    %add3A_159 = arith.addf %add3A_154, %add3A_158 : vector<512x512xf32>
    %slice3A_160 = vector.extract_strided_slice %add3A_159 {offsets = [0, 0], sizes = [512, 128], strides = [1, 1]} : vector<512x512xf32> to vector<512x128xf32>
    %get3A_161 = arith.constant 1 : index
    %get3A_162 = arith.constant 1536 : index
    %get3A_163 = vector.load %arg3[%get3A_161, %get3A_162] : memref<2x8192xf32, #tpu.memory_space<vmem>>, vector<1x128xf32>
    %broadcast_in_dim3A_164 = vector.shape_cast %get3A_163 : vector<1x128xf32> to vector<1x128xf32>
    %broadcast_in_dim3A_165 = vector.broadcast %broadcast_in_dim3A_164 : vector<1x128xf32> to vector<512x128xf32>
    %lt3A_166 = arith.cmpf olt, %slice3A_160, %min3A_147 : vector<512x128xf32>
    %select_n3A_167 = arith.select %lt3A_166, %broadcast_in_dim3A_165, %select_n3A_146 : vector<512x128xi1>, vector<512x128xf32>
    %min3A_168 = arith.minimumf %slice3A_160, %min3A_147 : vector<512x128xf32>
    %slice3A_169 = vector.extract_strided_slice %add3A_159 {offsets = [0, 128], sizes = [512, 128], strides = [1, 1]} : vector<512x512xf32> to vector<512x128xf32>
    %get3A_170 = arith.constant 1 : index
    %get3A_171 = arith.constant 1664 : index
    %get3A_172 = vector.load %arg3[%get3A_170, %get3A_171] : memref<2x8192xf32, #tpu.memory_space<vmem>>, vector<1x128xf32>
    %broadcast_in_dim3A_173 = vector.shape_cast %get3A_172 : vector<1x128xf32> to vector<1x128xf32>
    %broadcast_in_dim3A_174 = vector.broadcast %broadcast_in_dim3A_173 : vector<1x128xf32> to vector<512x128xf32>
    %lt3A_175 = arith.cmpf olt, %slice3A_169, %min3A_168 : vector<512x128xf32>
    %select_n3A_176 = arith.select %lt3A_175, %broadcast_in_dim3A_174, %select_n3A_167 : vector<512x128xi1>, vector<512x128xf32>
    %min3A_177 = arith.minimumf %slice3A_169, %min3A_168 : vector<512x128xf32>
    %slice3A_178 = vector.extract_strided_slice %add3A_159 {offsets = [0, 256], sizes = [512, 128], strides = [1, 1]} : vector<512x512xf32> to vector<512x128xf32>
    %get3A_179 = arith.constant 1 : index
    %get3A_180 = arith.constant 1792 : index
    %get3A_181 = vector.load %arg3[%get3A_179, %get3A_180] : memref<2x8192xf32, #tpu.memory_space<vmem>>, vector<1x128xf32>
    %broadcast_in_dim3A_182 = vector.shape_cast %get3A_181 : vector<1x128xf32> to vector<1x128xf32>
    %broadcast_in_dim3A_183 = vector.broadcast %broadcast_in_dim3A_182 : vector<1x128xf32> to vector<512x128xf32>
    %lt3A_184 = arith.cmpf olt, %slice3A_178, %min3A_177 : vector<512x128xf32>
    %select_n3A_185 = arith.select %lt3A_184, %broadcast_in_dim3A_183, %select_n3A_176 : vector<512x128xi1>, vector<512x128xf32>
    %min3A_186 = arith.minimumf %slice3A_178, %min3A_177 : vector<512x128xf32>
    %slice3A_187 = vector.extract_strided_slice %add3A_159 {offsets = [0, 384], sizes = [512, 128], strides = [1, 1]} : vector<512x512xf32> to vector<512x128xf32>
    %get3A_188 = arith.constant 1 : index
    %get3A_189 = arith.constant 1920 : index
    %get3A_190 = vector.load %arg3[%get3A_188, %get3A_189] : memref<2x8192xf32, #tpu.memory_space<vmem>>, vector<1x128xf32>
    %broadcast_in_dim3A_191 = vector.shape_cast %get3A_190 : vector<1x128xf32> to vector<1x128xf32>
    %broadcast_in_dim3A_192 = vector.broadcast %broadcast_in_dim3A_191 : vector<1x128xf32> to vector<512x128xf32>
    %lt3A_193 = arith.cmpf olt, %slice3A_187, %min3A_186 : vector<512x128xf32>
    %select_n3A_194 = arith.select %lt3A_193, %broadcast_in_dim3A_192, %select_n3A_185 : vector<512x128xi1>, vector<512x128xf32>
    %min3A_195 = arith.minimumf %slice3A_187, %min3A_186 : vector<512x128xf32>
    %get3A_196 = arith.constant 0 : index
    %get3A_197 = arith.constant 2048 : index
    %get3A_198 = vector.load %arg2[%get3A_196, %get3A_197] : memref<256x8192xf32, #tpu.memory_space<vmem>>, vector<256x512xf32>
    %dot_general3A_199 = arith.constant dense<0.000000e+00> : vector<512x512xf32>
    %dot_general3A_200 = tpu.matmul %mul3A_5, %get3A_198, %dot_general3A_199 {dimension_numbers = #tpu.dot_dimension_numbers<[1], [0], [0], [1], [0, 0, 1, 1], [], []>, transpose_lhs_hint = false} : vector<512x256xf32>, vector<256x512xf32>, vector<512x512xf32> -> vector<512x512xf32>
    %add3A_201 = vector.broadcast %broadcast_in_dim3A : vector<512x1xf32> to vector<512x512xf32>
    %add3A_202 = arith.addf %add3A_201, %dot_general3A_200 : vector<512x512xf32>
    %get3A_203 = arith.constant 0 : index
    %get3A_204 = arith.constant 2048 : index
    %get3A_205 = vector.load %arg3[%get3A_203, %get3A_204] : memref<2x8192xf32, #tpu.memory_space<vmem>>, vector<1x512xf32>
    %add3A_206 = vector.broadcast %get3A_205 : vector<1x512xf32> to vector<512x512xf32>
    %add3A_207 = arith.addf %add3A_202, %add3A_206 : vector<512x512xf32>
    %slice3A_208 = vector.extract_strided_slice %add3A_207 {offsets = [0, 0], sizes = [512, 128], strides = [1, 1]} : vector<512x512xf32> to vector<512x128xf32>
    %get3A_209 = arith.constant 1 : index
    %get3A_210 = arith.constant 2048 : index
    %get3A_211 = vector.load %arg3[%get3A_209, %get3A_210] : memref<2x8192xf32, #tpu.memory_space<vmem>>, vector<1x128xf32>
    %broadcast_in_dim3A_212 = vector.shape_cast %get3A_211 : vector<1x128xf32> to vector<1x128xf32>
    %broadcast_in_dim3A_213 = vector.broadcast %broadcast_in_dim3A_212 : vector<1x128xf32> to vector<512x128xf32>
    %lt3A_214 = arith.cmpf olt, %slice3A_208, %min3A_195 : vector<512x128xf32>
    %select_n3A_215 = arith.select %lt3A_214, %broadcast_in_dim3A_213, %select_n3A_194 : vector<512x128xi1>, vector<512x128xf32>
    %min3A_216 = arith.minimumf %slice3A_208, %min3A_195 : vector<512x128xf32>
    %slice3A_217 = vector.extract_strided_slice %add3A_207 {offsets = [0, 128], sizes = [512, 128], strides = [1, 1]} : vector<512x512xf32> to vector<512x128xf32>
    %get3A_218 = arith.constant 1 : index
    %get3A_219 = arith.constant 2176 : index
    %get3A_220 = vector.load %arg3[%get3A_218, %get3A_219] : memref<2x8192xf32, #tpu.memory_space<vmem>>, vector<1x128xf32>
    %broadcast_in_dim3A_221 = vector.shape_cast %get3A_220 : vector<1x128xf32> to vector<1x128xf32>
    %broadcast_in_dim3A_222 = vector.broadcast %broadcast_in_dim3A_221 : vector<1x128xf32> to vector<512x128xf32>
    %lt3A_223 = arith.cmpf olt, %slice3A_217, %min3A_216 : vector<512x128xf32>
    %select_n3A_224 = arith.select %lt3A_223, %broadcast_in_dim3A_222, %select_n3A_215 : vector<512x128xi1>, vector<512x128xf32>
    %min3A_225 = arith.minimumf %slice3A_217, %min3A_216 : vector<512x128xf32>
    %slice3A_226 = vector.extract_strided_slice %add3A_207 {offsets = [0, 256], sizes = [512, 128], strides = [1, 1]} : vector<512x512xf32> to vector<512x128xf32>
    %get3A_227 = arith.constant 1 : index
    %get3A_228 = arith.constant 2304 : index
    %get3A_229 = vector.load %arg3[%get3A_227, %get3A_228] : memref<2x8192xf32, #tpu.memory_space<vmem>>, vector<1x128xf32>
    %broadcast_in_dim3A_230 = vector.shape_cast %get3A_229 : vector<1x128xf32> to vector<1x128xf32>
    %broadcast_in_dim3A_231 = vector.broadcast %broadcast_in_dim3A_230 : vector<1x128xf32> to vector<512x128xf32>
    %lt3A_232 = arith.cmpf olt, %slice3A_226, %min3A_225 : vector<512x128xf32>
    %select_n3A_233 = arith.select %lt3A_232, %broadcast_in_dim3A_231, %select_n3A_224 : vector<512x128xi1>, vector<512x128xf32>
    %min3A_234 = arith.minimumf %slice3A_226, %min3A_225 : vector<512x128xf32>
    %slice3A_235 = vector.extract_strided_slice %add3A_207 {offsets = [0, 384], sizes = [512, 128], strides = [1, 1]} : vector<512x512xf32> to vector<512x128xf32>
    %get3A_236 = arith.constant 1 : index
    %get3A_237 = arith.constant 2432 : index
    %get3A_238 = vector.load %arg3[%get3A_236, %get3A_237] : memref<2x8192xf32, #tpu.memory_space<vmem>>, vector<1x128xf32>
    %broadcast_in_dim3A_239 = vector.shape_cast %get3A_238 : vector<1x128xf32> to vector<1x128xf32>
    %broadcast_in_dim3A_240 = vector.broadcast %broadcast_in_dim3A_239 : vector<1x128xf32> to vector<512x128xf32>
    %lt3A_241 = arith.cmpf olt, %slice3A_235, %min3A_234 : vector<512x128xf32>
    %select_n3A_242 = arith.select %lt3A_241, %broadcast_in_dim3A_240, %select_n3A_233 : vector<512x128xi1>, vector<512x128xf32>
    %min3A_243 = arith.minimumf %slice3A_235, %min3A_234 : vector<512x128xf32>
    %get3A_244 = arith.constant 0 : index
    %get3A_245 = arith.constant 2560 : index
    %get3A_246 = vector.load %arg2[%get3A_244, %get3A_245] : memref<256x8192xf32, #tpu.memory_space<vmem>>, vector<256x512xf32>
    %dot_general3A_247 = arith.constant dense<0.000000e+00> : vector<512x512xf32>
    %dot_general3A_248 = tpu.matmul %mul3A_5, %get3A_246, %dot_general3A_247 {dimension_numbers = #tpu.dot_dimension_numbers<[1], [0], [0], [1], [0, 0, 1, 1], [], []>, transpose_lhs_hint = false} : vector<512x256xf32>, vector<256x512xf32>, vector<512x512xf32> -> vector<512x512xf32>
    %add3A_249 = vector.broadcast %broadcast_in_dim3A : vector<512x1xf32> to vector<512x512xf32>
    %add3A_250 = arith.addf %add3A_249, %dot_general3A_248 : vector<512x512xf32>
    %get3A_251 = arith.constant 0 : index
    %get3A_252 = arith.constant 2560 : index
    %get3A_253 = vector.load %arg3[%get3A_251, %get3A_252] : memref<2x8192xf32, #tpu.memory_space<vmem>>, vector<1x512xf32>
    %add3A_254 = vector.broadcast %get3A_253 : vector<1x512xf32> to vector<512x512xf32>
    %add3A_255 = arith.addf %add3A_250, %add3A_254 : vector<512x512xf32>
    %slice3A_256 = vector.extract_strided_slice %add3A_255 {offsets = [0, 0], sizes = [512, 128], strides = [1, 1]} : vector<512x512xf32> to vector<512x128xf32>
    %get3A_257 = arith.constant 1 : index
    %get3A_258 = arith.constant 2560 : index
    %get3A_259 = vector.load %arg3[%get3A_257, %get3A_258] : memref<2x8192xf32, #tpu.memory_space<vmem>>, vector<1x128xf32>
    %broadcast_in_dim3A_260 = vector.shape_cast %get3A_259 : vector<1x128xf32> to vector<1x128xf32>
    %broadcast_in_dim3A_261 = vector.broadcast %broadcast_in_dim3A_260 : vector<1x128xf32> to vector<512x128xf32>
    %lt3A_262 = arith.cmpf olt, %slice3A_256, %min3A_243 : vector<512x128xf32>
    %select_n3A_263 = arith.select %lt3A_262, %broadcast_in_dim3A_261, %select_n3A_242 : vector<512x128xi1>, vector<512x128xf32>
    %min3A_264 = arith.minimumf %slice3A_256, %min3A_243 : vector<512x128xf32>
    %slice3A_265 = vector.extract_strided_slice %add3A_255 {offsets = [0, 128], sizes = [512, 128], strides = [1, 1]} : vector<512x512xf32> to vector<512x128xf32>
    %get3A_266 = arith.constant 1 : index
    %get3A_267 = arith.constant 2688 : index
    %get3A_268 = vector.load %arg3[%get3A_266, %get3A_267] : memref<2x8192xf32, #tpu.memory_space<vmem>>, vector<1x128xf32>
    %broadcast_in_dim3A_269 = vector.shape_cast %get3A_268 : vector<1x128xf32> to vector<1x128xf32>
    %broadcast_in_dim3A_270 = vector.broadcast %broadcast_in_dim3A_269 : vector<1x128xf32> to vector<512x128xf32>
    %lt3A_271 = arith.cmpf olt, %slice3A_265, %min3A_264 : vector<512x128xf32>
    %select_n3A_272 = arith.select %lt3A_271, %broadcast_in_dim3A_270, %select_n3A_263 : vector<512x128xi1>, vector<512x128xf32>
    %min3A_273 = arith.minimumf %slice3A_265, %min3A_264 : vector<512x128xf32>
    %slice3A_274 = vector.extract_strided_slice %add3A_255 {offsets = [0, 256], sizes = [512, 128], strides = [1, 1]} : vector<512x512xf32> to vector<512x128xf32>
    %get3A_275 = arith.constant 1 : index
    %get3A_276 = arith.constant 2816 : index
    %get3A_277 = vector.load %arg3[%get3A_275, %get3A_276] : memref<2x8192xf32, #tpu.memory_space<vmem>>, vector<1x128xf32>
    %broadcast_in_dim3A_278 = vector.shape_cast %get3A_277 : vector<1x128xf32> to vector<1x128xf32>
    %broadcast_in_dim3A_279 = vector.broadcast %broadcast_in_dim3A_278 : vector<1x128xf32> to vector<512x128xf32>
    %lt3A_280 = arith.cmpf olt, %slice3A_274, %min3A_273 : vector<512x128xf32>
    %select_n3A_281 = arith.select %lt3A_280, %broadcast_in_dim3A_279, %select_n3A_272 : vector<512x128xi1>, vector<512x128xf32>
    %min3A_282 = arith.minimumf %slice3A_274, %min3A_273 : vector<512x128xf32>
    %slice3A_283 = vector.extract_strided_slice %add3A_255 {offsets = [0, 384], sizes = [512, 128], strides = [1, 1]} : vector<512x512xf32> to vector<512x128xf32>
    %get3A_284 = arith.constant 1 : index
    %get3A_285 = arith.constant 2944 : index
    %get3A_286 = vector.load %arg3[%get3A_284, %get3A_285] : memref<2x8192xf32, #tpu.memory_space<vmem>>, vector<1x128xf32>
    %broadcast_in_dim3A_287 = vector.shape_cast %get3A_286 : vector<1x128xf32> to vector<1x128xf32>
    %broadcast_in_dim3A_288 = vector.broadcast %broadcast_in_dim3A_287 : vector<1x128xf32> to vector<512x128xf32>
    %lt3A_289 = arith.cmpf olt, %slice3A_283, %min3A_282 : vector<512x128xf32>
    %select_n3A_290 = arith.select %lt3A_289, %broadcast_in_dim3A_288, %select_n3A_281 : vector<512x128xi1>, vector<512x128xf32>
    %min3A_291 = arith.minimumf %slice3A_283, %min3A_282 : vector<512x128xf32>
    %get3A_292 = arith.constant 0 : index
    %get3A_293 = arith.constant 3072 : index
    %get3A_294 = vector.load %arg2[%get3A_292, %get3A_293] : memref<256x8192xf32, #tpu.memory_space<vmem>>, vector<256x512xf32>
    %dot_general3A_295 = arith.constant dense<0.000000e+00> : vector<512x512xf32>
    %dot_general3A_296 = tpu.matmul %mul3A_5, %get3A_294, %dot_general3A_295 {dimension_numbers = #tpu.dot_dimension_numbers<[1], [0], [0], [1], [0, 0, 1, 1], [], []>, transpose_lhs_hint = false} : vector<512x256xf32>, vector<256x512xf32>, vector<512x512xf32> -> vector<512x512xf32>
    %add3A_297 = vector.broadcast %broadcast_in_dim3A : vector<512x1xf32> to vector<512x512xf32>
    %add3A_298 = arith.addf %add3A_297, %dot_general3A_296 : vector<512x512xf32>
    %get3A_299 = arith.constant 0 : index
    %get3A_300 = arith.constant 3072 : index
    %get3A_301 = vector.load %arg3[%get3A_299, %get3A_300] : memref<2x8192xf32, #tpu.memory_space<vmem>>, vector<1x512xf32>
    %add3A_302 = vector.broadcast %get3A_301 : vector<1x512xf32> to vector<512x512xf32>
    %add3A_303 = arith.addf %add3A_298, %add3A_302 : vector<512x512xf32>
    %slice3A_304 = vector.extract_strided_slice %add3A_303 {offsets = [0, 0], sizes = [512, 128], strides = [1, 1]} : vector<512x512xf32> to vector<512x128xf32>
    %get3A_305 = arith.constant 1 : index
    %get3A_306 = arith.constant 3072 : index
    %get3A_307 = vector.load %arg3[%get3A_305, %get3A_306] : memref<2x8192xf32, #tpu.memory_space<vmem>>, vector<1x128xf32>
    %broadcast_in_dim3A_308 = vector.shape_cast %get3A_307 : vector<1x128xf32> to vector<1x128xf32>
    %broadcast_in_dim3A_309 = vector.broadcast %broadcast_in_dim3A_308 : vector<1x128xf32> to vector<512x128xf32>
    %lt3A_310 = arith.cmpf olt, %slice3A_304, %min3A_291 : vector<512x128xf32>
    %select_n3A_311 = arith.select %lt3A_310, %broadcast_in_dim3A_309, %select_n3A_290 : vector<512x128xi1>, vector<512x128xf32>
    %min3A_312 = arith.minimumf %slice3A_304, %min3A_291 : vector<512x128xf32>
    %slice3A_313 = vector.extract_strided_slice %add3A_303 {offsets = [0, 128], sizes = [512, 128], strides = [1, 1]} : vector<512x512xf32> to vector<512x128xf32>
    %get3A_314 = arith.constant 1 : index
    %get3A_315 = arith.constant 3200 : index
    %get3A_316 = vector.load %arg3[%get3A_314, %get3A_315] : memref<2x8192xf32, #tpu.memory_space<vmem>>, vector<1x128xf32>
    %broadcast_in_dim3A_317 = vector.shape_cast %get3A_316 : vector<1x128xf32> to vector<1x128xf32>
    %broadcast_in_dim3A_318 = vector.broadcast %broadcast_in_dim3A_317 : vector<1x128xf32> to vector<512x128xf32>
    %lt3A_319 = arith.cmpf olt, %slice3A_313, %min3A_312 : vector<512x128xf32>
    %select_n3A_320 = arith.select %lt3A_319, %broadcast_in_dim3A_318, %select_n3A_311 : vector<512x128xi1>, vector<512x128xf32>
    %min3A_321 = arith.minimumf %slice3A_313, %min3A_312 : vector<512x128xf32>
    %slice3A_322 = vector.extract_strided_slice %add3A_303 {offsets = [0, 256], sizes = [512, 128], strides = [1, 1]} : vector<512x512xf32> to vector<512x128xf32>
    %get3A_323 = arith.constant 1 : index
    %get3A_324 = arith.constant 3328 : index
    %get3A_325 = vector.load %arg3[%get3A_323, %get3A_324] : memref<2x8192xf32, #tpu.memory_space<vmem>>, vector<1x128xf32>
    %broadcast_in_dim3A_326 = vector.shape_cast %get3A_325 : vector<1x128xf32> to vector<1x128xf32>
    %broadcast_in_dim3A_327 = vector.broadcast %broadcast_in_dim3A_326 : vector<1x128xf32> to vector<512x128xf32>
    %lt3A_328 = arith.cmpf olt, %slice3A_322, %min3A_321 : vector<512x128xf32>
    %select_n3A_329 = arith.select %lt3A_328, %broadcast_in_dim3A_327, %select_n3A_320 : vector<512x128xi1>, vector<512x128xf32>
    %min3A_330 = arith.minimumf %slice3A_322, %min3A_321 : vector<512x128xf32>
    %slice3A_331 = vector.extract_strided_slice %add3A_303 {offsets = [0, 384], sizes = [512, 128], strides = [1, 1]} : vector<512x512xf32> to vector<512x128xf32>
    %get3A_332 = arith.constant 1 : index
    %get3A_333 = arith.constant 3456 : index
    %get3A_334 = vector.load %arg3[%get3A_332, %get3A_333] : memref<2x8192xf32, #tpu.memory_space<vmem>>, vector<1x128xf32>
    %broadcast_in_dim3A_335 = vector.shape_cast %get3A_334 : vector<1x128xf32> to vector<1x128xf32>
    %broadcast_in_dim3A_336 = vector.broadcast %broadcast_in_dim3A_335 : vector<1x128xf32> to vector<512x128xf32>
    %lt3A_337 = arith.cmpf olt, %slice3A_331, %min3A_330 : vector<512x128xf32>
    %select_n3A_338 = arith.select %lt3A_337, %broadcast_in_dim3A_336, %select_n3A_329 : vector<512x128xi1>, vector<512x128xf32>
    %min3A_339 = arith.minimumf %slice3A_331, %min3A_330 : vector<512x128xf32>
    %get3A_340 = arith.constant 0 : index
    %get3A_341 = arith.constant 3584 : index
    %get3A_342 = vector.load %arg2[%get3A_340, %get3A_341] : memref<256x8192xf32, #tpu.memory_space<vmem>>, vector<256x512xf32>
    %dot_general3A_343 = arith.constant dense<0.000000e+00> : vector<512x512xf32>
    %dot_general3A_344 = tpu.matmul %mul3A_5, %get3A_342, %dot_general3A_343 {dimension_numbers = #tpu.dot_dimension_numbers<[1], [0], [0], [1], [0, 0, 1, 1], [], []>, transpose_lhs_hint = false} : vector<512x256xf32>, vector<256x512xf32>, vector<512x512xf32> -> vector<512x512xf32>
    %add3A_345 = vector.broadcast %broadcast_in_dim3A : vector<512x1xf32> to vector<512x512xf32>
    %add3A_346 = arith.addf %add3A_345, %dot_general3A_344 : vector<512x512xf32>
    %get3A_347 = arith.constant 0 : index
    %get3A_348 = arith.constant 3584 : index
    %get3A_349 = vector.load %arg3[%get3A_347, %get3A_348] : memref<2x8192xf32, #tpu.memory_space<vmem>>, vector<1x512xf32>
    %add3A_350 = vector.broadcast %get3A_349 : vector<1x512xf32> to vector<512x512xf32>
    %add3A_351 = arith.addf %add3A_346, %add3A_350 : vector<512x512xf32>
    %slice3A_352 = vector.extract_strided_slice %add3A_351 {offsets = [0, 0], sizes = [512, 128], strides = [1, 1]} : vector<512x512xf32> to vector<512x128xf32>
    %get3A_353 = arith.constant 1 : index
    %get3A_354 = arith.constant 3584 : index
    %get3A_355 = vector.load %arg3[%get3A_353, %get3A_354] : memref<2x8192xf32, #tpu.memory_space<vmem>>, vector<1x128xf32>
    %broadcast_in_dim3A_356 = vector.shape_cast %get3A_355 : vector<1x128xf32> to vector<1x128xf32>
    %broadcast_in_dim3A_357 = vector.broadcast %broadcast_in_dim3A_356 : vector<1x128xf32> to vector<512x128xf32>
    %lt3A_358 = arith.cmpf olt, %slice3A_352, %min3A_339 : vector<512x128xf32>
    %select_n3A_359 = arith.select %lt3A_358, %broadcast_in_dim3A_357, %select_n3A_338 : vector<512x128xi1>, vector<512x128xf32>
    %min3A_360 = arith.minimumf %slice3A_352, %min3A_339 : vector<512x128xf32>
    %slice3A_361 = vector.extract_strided_slice %add3A_351 {offsets = [0, 128], sizes = [512, 128], strides = [1, 1]} : vector<512x512xf32> to vector<512x128xf32>
    %get3A_362 = arith.constant 1 : index
    %get3A_363 = arith.constant 3712 : index
    %get3A_364 = vector.load %arg3[%get3A_362, %get3A_363] : memref<2x8192xf32, #tpu.memory_space<vmem>>, vector<1x128xf32>
    %broadcast_in_dim3A_365 = vector.shape_cast %get3A_364 : vector<1x128xf32> to vector<1x128xf32>
    %broadcast_in_dim3A_366 = vector.broadcast %broadcast_in_dim3A_365 : vector<1x128xf32> to vector<512x128xf32>
    %lt3A_367 = arith.cmpf olt, %slice3A_361, %min3A_360 : vector<512x128xf32>
    %select_n3A_368 = arith.select %lt3A_367, %broadcast_in_dim3A_366, %select_n3A_359 : vector<512x128xi1>, vector<512x128xf32>
    %min3A_369 = arith.minimumf %slice3A_361, %min3A_360 : vector<512x128xf32>
    %slice3A_370 = vector.extract_strided_slice %add3A_351 {offsets = [0, 256], sizes = [512, 128], strides = [1, 1]} : vector<512x512xf32> to vector<512x128xf32>
    %get3A_371 = arith.constant 1 : index
    %get3A_372 = arith.constant 3840 : index
    %get3A_373 = vector.load %arg3[%get3A_371, %get3A_372] : memref<2x8192xf32, #tpu.memory_space<vmem>>, vector<1x128xf32>
    %broadcast_in_dim3A_374 = vector.shape_cast %get3A_373 : vector<1x128xf32> to vector<1x128xf32>
    %broadcast_in_dim3A_375 = vector.broadcast %broadcast_in_dim3A_374 : vector<1x128xf32> to vector<512x128xf32>
    %lt3A_376 = arith.cmpf olt, %slice3A_370, %min3A_369 : vector<512x128xf32>
    %select_n3A_377 = arith.select %lt3A_376, %broadcast_in_dim3A_375, %select_n3A_368 : vector<512x128xi1>, vector<512x128xf32>
    %min3A_378 = arith.minimumf %slice3A_370, %min3A_369 : vector<512x128xf32>
    %slice3A_379 = vector.extract_strided_slice %add3A_351 {offsets = [0, 384], sizes = [512, 128], strides = [1, 1]} : vector<512x512xf32> to vector<512x128xf32>
    %get3A_380 = arith.constant 1 : index
    %get3A_381 = arith.constant 3968 : index
    %get3A_382 = vector.load %arg3[%get3A_380, %get3A_381] : memref<2x8192xf32, #tpu.memory_space<vmem>>, vector<1x128xf32>
    %broadcast_in_dim3A_383 = vector.shape_cast %get3A_382 : vector<1x128xf32> to vector<1x128xf32>
    %broadcast_in_dim3A_384 = vector.broadcast %broadcast_in_dim3A_383 : vector<1x128xf32> to vector<512x128xf32>
    %lt3A_385 = arith.cmpf olt, %slice3A_379, %min3A_378 : vector<512x128xf32>
    %select_n3A_386 = arith.select %lt3A_385, %broadcast_in_dim3A_384, %select_n3A_377 : vector<512x128xi1>, vector<512x128xf32>
    %min3A_387 = arith.minimumf %slice3A_379, %min3A_378 : vector<512x128xf32>
    %get3A_388 = arith.constant 0 : index
    %get3A_389 = arith.constant 4096 : index
    %get3A_390 = vector.load %arg2[%get3A_388, %get3A_389] : memref<256x8192xf32, #tpu.memory_space<vmem>>, vector<256x512xf32>
    %dot_general3A_391 = arith.constant dense<0.000000e+00> : vector<512x512xf32>
    %dot_general3A_392 = tpu.matmul %mul3A_5, %get3A_390, %dot_general3A_391 {dimension_numbers = #tpu.dot_dimension_numbers<[1], [0], [0], [1], [0, 0, 1, 1], [], []>, transpose_lhs_hint = false} : vector<512x256xf32>, vector<256x512xf32>, vector<512x512xf32> -> vector<512x512xf32>
    %add3A_393 = vector.broadcast %broadcast_in_dim3A : vector<512x1xf32> to vector<512x512xf32>
    %add3A_394 = arith.addf %add3A_393, %dot_general3A_392 : vector<512x512xf32>
    %get3A_395 = arith.constant 0 : index
    %get3A_396 = arith.constant 4096 : index
    %get3A_397 = vector.load %arg3[%get3A_395, %get3A_396] : memref<2x8192xf32, #tpu.memory_space<vmem>>, vector<1x512xf32>
    %add3A_398 = vector.broadcast %get3A_397 : vector<1x512xf32> to vector<512x512xf32>
    %add3A_399 = arith.addf %add3A_394, %add3A_398 : vector<512x512xf32>
    %slice3A_400 = vector.extract_strided_slice %add3A_399 {offsets = [0, 0], sizes = [512, 128], strides = [1, 1]} : vector<512x512xf32> to vector<512x128xf32>
    %get3A_401 = arith.constant 1 : index
    %get3A_402 = arith.constant 4096 : index
    %get3A_403 = vector.load %arg3[%get3A_401, %get3A_402] : memref<2x8192xf32, #tpu.memory_space<vmem>>, vector<1x128xf32>
    %broadcast_in_dim3A_404 = vector.shape_cast %get3A_403 : vector<1x128xf32> to vector<1x128xf32>
    %broadcast_in_dim3A_405 = vector.broadcast %broadcast_in_dim3A_404 : vector<1x128xf32> to vector<512x128xf32>
    %lt3A_406 = arith.cmpf olt, %slice3A_400, %min3A_387 : vector<512x128xf32>
    %select_n3A_407 = arith.select %lt3A_406, %broadcast_in_dim3A_405, %select_n3A_386 : vector<512x128xi1>, vector<512x128xf32>
    %min3A_408 = arith.minimumf %slice3A_400, %min3A_387 : vector<512x128xf32>
    %slice3A_409 = vector.extract_strided_slice %add3A_399 {offsets = [0, 128], sizes = [512, 128], strides = [1, 1]} : vector<512x512xf32> to vector<512x128xf32>
    %get3A_410 = arith.constant 1 : index
    %get3A_411 = arith.constant 4224 : index
    %get3A_412 = vector.load %arg3[%get3A_410, %get3A_411] : memref<2x8192xf32, #tpu.memory_space<vmem>>, vector<1x128xf32>
    %broadcast_in_dim3A_413 = vector.shape_cast %get3A_412 : vector<1x128xf32> to vector<1x128xf32>
    %broadcast_in_dim3A_414 = vector.broadcast %broadcast_in_dim3A_413 : vector<1x128xf32> to vector<512x128xf32>
    %lt3A_415 = arith.cmpf olt, %slice3A_409, %min3A_408 : vector<512x128xf32>
    %select_n3A_416 = arith.select %lt3A_415, %broadcast_in_dim3A_414, %select_n3A_407 : vector<512x128xi1>, vector<512x128xf32>
    %min3A_417 = arith.minimumf %slice3A_409, %min3A_408 : vector<512x128xf32>
    %slice3A_418 = vector.extract_strided_slice %add3A_399 {offsets = [0, 256], sizes = [512, 128], strides = [1, 1]} : vector<512x512xf32> to vector<512x128xf32>
    %get3A_419 = arith.constant 1 : index
    %get3A_420 = arith.constant 4352 : index
    %get3A_421 = vector.load %arg3[%get3A_419, %get3A_420] : memref<2x8192xf32, #tpu.memory_space<vmem>>, vector<1x128xf32>
    %broadcast_in_dim3A_422 = vector.shape_cast %get3A_421 : vector<1x128xf32> to vector<1x128xf32>
    %broadcast_in_dim3A_423 = vector.broadcast %broadcast_in_dim3A_422 : vector<1x128xf32> to vector<512x128xf32>
    %lt3A_424 = arith.cmpf olt, %slice3A_418, %min3A_417 : vector<512x128xf32>
    %select_n3A_425 = arith.select %lt3A_424, %broadcast_in_dim3A_423, %select_n3A_416 : vector<512x128xi1>, vector<512x128xf32>
    %min3A_426 = arith.minimumf %slice3A_418, %min3A_417 : vector<512x128xf32>
    %slice3A_427 = vector.extract_strided_slice %add3A_399 {offsets = [0, 384], sizes = [512, 128], strides = [1, 1]} : vector<512x512xf32> to vector<512x128xf32>
    %get3A_428 = arith.constant 1 : index
    %get3A_429 = arith.constant 4480 : index
    %get3A_430 = vector.load %arg3[%get3A_428, %get3A_429] : memref<2x8192xf32, #tpu.memory_space<vmem>>, vector<1x128xf32>
    %broadcast_in_dim3A_431 = vector.shape_cast %get3A_430 : vector<1x128xf32> to vector<1x128xf32>
    %broadcast_in_dim3A_432 = vector.broadcast %broadcast_in_dim3A_431 : vector<1x128xf32> to vector<512x128xf32>
    %lt3A_433 = arith.cmpf olt, %slice3A_427, %min3A_426 : vector<512x128xf32>
    %select_n3A_434 = arith.select %lt3A_433, %broadcast_in_dim3A_432, %select_n3A_425 : vector<512x128xi1>, vector<512x128xf32>
    %min3A_435 = arith.minimumf %slice3A_427, %min3A_426 : vector<512x128xf32>
    %get3A_436 = arith.constant 0 : index
    %get3A_437 = arith.constant 4608 : index
    %get3A_438 = vector.load %arg2[%get3A_436, %get3A_437] : memref<256x8192xf32, #tpu.memory_space<vmem>>, vector<256x512xf32>
    %dot_general3A_439 = arith.constant dense<0.000000e+00> : vector<512x512xf32>
    %dot_general3A_440 = tpu.matmul %mul3A_5, %get3A_438, %dot_general3A_439 {dimension_numbers = #tpu.dot_dimension_numbers<[1], [0], [0], [1], [0, 0, 1, 1], [], []>, transpose_lhs_hint = false} : vector<512x256xf32>, vector<256x512xf32>, vector<512x512xf32> -> vector<512x512xf32>
    %add3A_441 = vector.broadcast %broadcast_in_dim3A : vector<512x1xf32> to vector<512x512xf32>
    %add3A_442 = arith.addf %add3A_441, %dot_general3A_440 : vector<512x512xf32>
    %get3A_443 = arith.constant 0 : index
    %get3A_444 = arith.constant 4608 : index
    %get3A_445 = vector.load %arg3[%get3A_443, %get3A_444] : memref<2x8192xf32, #tpu.memory_space<vmem>>, vector<1x512xf32>
    %add3A_446 = vector.broadcast %get3A_445 : vector<1x512xf32> to vector<512x512xf32>
    %add3A_447 = arith.addf %add3A_442, %add3A_446 : vector<512x512xf32>
    %slice3A_448 = vector.extract_strided_slice %add3A_447 {offsets = [0, 0], sizes = [512, 128], strides = [1, 1]} : vector<512x512xf32> to vector<512x128xf32>
    %get3A_449 = arith.constant 1 : index
    %get3A_450 = arith.constant 4608 : index
    %get3A_451 = vector.load %arg3[%get3A_449, %get3A_450] : memref<2x8192xf32, #tpu.memory_space<vmem>>, vector<1x128xf32>
    %broadcast_in_dim3A_452 = vector.shape_cast %get3A_451 : vector<1x128xf32> to vector<1x128xf32>
    %broadcast_in_dim3A_453 = vector.broadcast %broadcast_in_dim3A_452 : vector<1x128xf32> to vector<512x128xf32>
    %lt3A_454 = arith.cmpf olt, %slice3A_448, %min3A_435 : vector<512x128xf32>
    %select_n3A_455 = arith.select %lt3A_454, %broadcast_in_dim3A_453, %select_n3A_434 : vector<512x128xi1>, vector<512x128xf32>
    %min3A_456 = arith.minimumf %slice3A_448, %min3A_435 : vector<512x128xf32>
    %slice3A_457 = vector.extract_strided_slice %add3A_447 {offsets = [0, 128], sizes = [512, 128], strides = [1, 1]} : vector<512x512xf32> to vector<512x128xf32>
    %get3A_458 = arith.constant 1 : index
    %get3A_459 = arith.constant 4736 : index
    %get3A_460 = vector.load %arg3[%get3A_458, %get3A_459] : memref<2x8192xf32, #tpu.memory_space<vmem>>, vector<1x128xf32>
    %broadcast_in_dim3A_461 = vector.shape_cast %get3A_460 : vector<1x128xf32> to vector<1x128xf32>
    %broadcast_in_dim3A_462 = vector.broadcast %broadcast_in_dim3A_461 : vector<1x128xf32> to vector<512x128xf32>
    %lt3A_463 = arith.cmpf olt, %slice3A_457, %min3A_456 : vector<512x128xf32>
    %select_n3A_464 = arith.select %lt3A_463, %broadcast_in_dim3A_462, %select_n3A_455 : vector<512x128xi1>, vector<512x128xf32>
    %min3A_465 = arith.minimumf %slice3A_457, %min3A_456 : vector<512x128xf32>
    %slice3A_466 = vector.extract_strided_slice %add3A_447 {offsets = [0, 256], sizes = [512, 128], strides = [1, 1]} : vector<512x512xf32> to vector<512x128xf32>
    %get3A_467 = arith.constant 1 : index
    %get3A_468 = arith.constant 4864 : index
    %get3A_469 = vector.load %arg3[%get3A_467, %get3A_468] : memref<2x8192xf32, #tpu.memory_space<vmem>>, vector<1x128xf32>
    %broadcast_in_dim3A_470 = vector.shape_cast %get3A_469 : vector<1x128xf32> to vector<1x128xf32>
    %broadcast_in_dim3A_471 = vector.broadcast %broadcast_in_dim3A_470 : vector<1x128xf32> to vector<512x128xf32>
    %lt3A_472 = arith.cmpf olt, %slice3A_466, %min3A_465 : vector<512x128xf32>
    %select_n3A_473 = arith.select %lt3A_472, %broadcast_in_dim3A_471, %select_n3A_464 : vector<512x128xi1>, vector<512x128xf32>
    %min3A_474 = arith.minimumf %slice3A_466, %min3A_465 : vector<512x128xf32>
    %slice3A_475 = vector.extract_strided_slice %add3A_447 {offsets = [0, 384], sizes = [512, 128], strides = [1, 1]} : vector<512x512xf32> to vector<512x128xf32>
    %get3A_476 = arith.constant 1 : index
    %get3A_477 = arith.constant 4992 : index
    %get3A_478 = vector.load %arg3[%get3A_476, %get3A_477] : memref<2x8192xf32, #tpu.memory_space<vmem>>, vector<1x128xf32>
    %broadcast_in_dim3A_479 = vector.shape_cast %get3A_478 : vector<1x128xf32> to vector<1x128xf32>
    %broadcast_in_dim3A_480 = vector.broadcast %broadcast_in_dim3A_479 : vector<1x128xf32> to vector<512x128xf32>
    %lt3A_481 = arith.cmpf olt, %slice3A_475, %min3A_474 : vector<512x128xf32>
    %select_n3A_482 = arith.select %lt3A_481, %broadcast_in_dim3A_480, %select_n3A_473 : vector<512x128xi1>, vector<512x128xf32>
    %min3A_483 = arith.minimumf %slice3A_475, %min3A_474 : vector<512x128xf32>
    %get3A_484 = arith.constant 0 : index
    %get3A_485 = arith.constant 5120 : index
    %get3A_486 = vector.load %arg2[%get3A_484, %get3A_485] : memref<256x8192xf32, #tpu.memory_space<vmem>>, vector<256x512xf32>
    %dot_general3A_487 = arith.constant dense<0.000000e+00> : vector<512x512xf32>
    %dot_general3A_488 = tpu.matmul %mul3A_5, %get3A_486, %dot_general3A_487 {dimension_numbers = #tpu.dot_dimension_numbers<[1], [0], [0], [1], [0, 0, 1, 1], [], []>, transpose_lhs_hint = false} : vector<512x256xf32>, vector<256x512xf32>, vector<512x512xf32> -> vector<512x512xf32>
    %add3A_489 = vector.broadcast %broadcast_in_dim3A : vector<512x1xf32> to vector<512x512xf32>
    %add3A_490 = arith.addf %add3A_489, %dot_general3A_488 : vector<512x512xf32>
    %get3A_491 = arith.constant 0 : index
    %get3A_492 = arith.constant 5120 : index
    %get3A_493 = vector.load %arg3[%get3A_491, %get3A_492] : memref<2x8192xf32, #tpu.memory_space<vmem>>, vector<1x512xf32>
    %add3A_494 = vector.broadcast %get3A_493 : vector<1x512xf32> to vector<512x512xf32>
    %add3A_495 = arith.addf %add3A_490, %add3A_494 : vector<512x512xf32>
    %slice3A_496 = vector.extract_strided_slice %add3A_495 {offsets = [0, 0], sizes = [512, 128], strides = [1, 1]} : vector<512x512xf32> to vector<512x128xf32>
    %get3A_497 = arith.constant 1 : index
    %get3A_498 = arith.constant 5120 : index
    %get3A_499 = vector.load %arg3[%get3A_497, %get3A_498] : memref<2x8192xf32, #tpu.memory_space<vmem>>, vector<1x128xf32>
    %broadcast_in_dim3A_500 = vector.shape_cast %get3A_499 : vector<1x128xf32> to vector<1x128xf32>
    %broadcast_in_dim3A_501 = vector.broadcast %broadcast_in_dim3A_500 : vector<1x128xf32> to vector<512x128xf32>
    %lt3A_502 = arith.cmpf olt, %slice3A_496, %min3A_483 : vector<512x128xf32>
    %select_n3A_503 = arith.select %lt3A_502, %broadcast_in_dim3A_501, %select_n3A_482 : vector<512x128xi1>, vector<512x128xf32>
    %min3A_504 = arith.minimumf %slice3A_496, %min3A_483 : vector<512x128xf32>
    %slice3A_505 = vector.extract_strided_slice %add3A_495 {offsets = [0, 128], sizes = [512, 128], strides = [1, 1]} : vector<512x512xf32> to vector<512x128xf32>
    %get3A_506 = arith.constant 1 : index
    %get3A_507 = arith.constant 5248 : index
    %get3A_508 = vector.load %arg3[%get3A_506, %get3A_507] : memref<2x8192xf32, #tpu.memory_space<vmem>>, vector<1x128xf32>
    %broadcast_in_dim3A_509 = vector.shape_cast %get3A_508 : vector<1x128xf32> to vector<1x128xf32>
    %broadcast_in_dim3A_510 = vector.broadcast %broadcast_in_dim3A_509 : vector<1x128xf32> to vector<512x128xf32>
    %lt3A_511 = arith.cmpf olt, %slice3A_505, %min3A_504 : vector<512x128xf32>
    %select_n3A_512 = arith.select %lt3A_511, %broadcast_in_dim3A_510, %select_n3A_503 : vector<512x128xi1>, vector<512x128xf32>
    %min3A_513 = arith.minimumf %slice3A_505, %min3A_504 : vector<512x128xf32>
    %slice3A_514 = vector.extract_strided_slice %add3A_495 {offsets = [0, 256], sizes = [512, 128], strides = [1, 1]} : vector<512x512xf32> to vector<512x128xf32>
    %get3A_515 = arith.constant 1 : index
    %get3A_516 = arith.constant 5376 : index
    %get3A_517 = vector.load %arg3[%get3A_515, %get3A_516] : memref<2x8192xf32, #tpu.memory_space<vmem>>, vector<1x128xf32>
    %broadcast_in_dim3A_518 = vector.shape_cast %get3A_517 : vector<1x128xf32> to vector<1x128xf32>
    %broadcast_in_dim3A_519 = vector.broadcast %broadcast_in_dim3A_518 : vector<1x128xf32> to vector<512x128xf32>
    %lt3A_520 = arith.cmpf olt, %slice3A_514, %min3A_513 : vector<512x128xf32>
    %select_n3A_521 = arith.select %lt3A_520, %broadcast_in_dim3A_519, %select_n3A_512 : vector<512x128xi1>, vector<512x128xf32>
    %min3A_522 = arith.minimumf %slice3A_514, %min3A_513 : vector<512x128xf32>
    %slice3A_523 = vector.extract_strided_slice %add3A_495 {offsets = [0, 384], sizes = [512, 128], strides = [1, 1]} : vector<512x512xf32> to vector<512x128xf32>
    %get3A_524 = arith.constant 1 : index
    %get3A_525 = arith.constant 5504 : index
    %get3A_526 = vector.load %arg3[%get3A_524, %get3A_525] : memref<2x8192xf32, #tpu.memory_space<vmem>>, vector<1x128xf32>
    %broadcast_in_dim3A_527 = vector.shape_cast %get3A_526 : vector<1x128xf32> to vector<1x128xf32>
    %broadcast_in_dim3A_528 = vector.broadcast %broadcast_in_dim3A_527 : vector<1x128xf32> to vector<512x128xf32>
    %lt3A_529 = arith.cmpf olt, %slice3A_523, %min3A_522 : vector<512x128xf32>
    %select_n3A_530 = arith.select %lt3A_529, %broadcast_in_dim3A_528, %select_n3A_521 : vector<512x128xi1>, vector<512x128xf32>
    %min3A_531 = arith.minimumf %slice3A_523, %min3A_522 : vector<512x128xf32>
    %get3A_532 = arith.constant 0 : index
    %get3A_533 = arith.constant 5632 : index
    %get3A_534 = vector.load %arg2[%get3A_532, %get3A_533] : memref<256x8192xf32, #tpu.memory_space<vmem>>, vector<256x512xf32>
    %dot_general3A_535 = arith.constant dense<0.000000e+00> : vector<512x512xf32>
    %dot_general3A_536 = tpu.matmul %mul3A_5, %get3A_534, %dot_general3A_535 {dimension_numbers = #tpu.dot_dimension_numbers<[1], [0], [0], [1], [0, 0, 1, 1], [], []>, transpose_lhs_hint = false} : vector<512x256xf32>, vector<256x512xf32>, vector<512x512xf32> -> vector<512x512xf32>
    %add3A_537 = vector.broadcast %broadcast_in_dim3A : vector<512x1xf32> to vector<512x512xf32>
    %add3A_538 = arith.addf %add3A_537, %dot_general3A_536 : vector<512x512xf32>
    %get3A_539 = arith.constant 0 : index
    %get3A_540 = arith.constant 5632 : index
    %get3A_541 = vector.load %arg3[%get3A_539, %get3A_540] : memref<2x8192xf32, #tpu.memory_space<vmem>>, vector<1x512xf32>
    %add3A_542 = vector.broadcast %get3A_541 : vector<1x512xf32> to vector<512x512xf32>
    %add3A_543 = arith.addf %add3A_538, %add3A_542 : vector<512x512xf32>
    %slice3A_544 = vector.extract_strided_slice %add3A_543 {offsets = [0, 0], sizes = [512, 128], strides = [1, 1]} : vector<512x512xf32> to vector<512x128xf32>
    %get3A_545 = arith.constant 1 : index
    %get3A_546 = arith.constant 5632 : index
    %get3A_547 = vector.load %arg3[%get3A_545, %get3A_546] : memref<2x8192xf32, #tpu.memory_space<vmem>>, vector<1x128xf32>
    %broadcast_in_dim3A_548 = vector.shape_cast %get3A_547 : vector<1x128xf32> to vector<1x128xf32>
    %broadcast_in_dim3A_549 = vector.broadcast %broadcast_in_dim3A_548 : vector<1x128xf32> to vector<512x128xf32>
    %lt3A_550 = arith.cmpf olt, %slice3A_544, %min3A_531 : vector<512x128xf32>
    %select_n3A_551 = arith.select %lt3A_550, %broadcast_in_dim3A_549, %select_n3A_530 : vector<512x128xi1>, vector<512x128xf32>
    %min3A_552 = arith.minimumf %slice3A_544, %min3A_531 : vector<512x128xf32>
    %slice3A_553 = vector.extract_strided_slice %add3A_543 {offsets = [0, 128], sizes = [512, 128], strides = [1, 1]} : vector<512x512xf32> to vector<512x128xf32>
    %get3A_554 = arith.constant 1 : index
    %get3A_555 = arith.constant 5760 : index
    %get3A_556 = vector.load %arg3[%get3A_554, %get3A_555] : memref<2x8192xf32, #tpu.memory_space<vmem>>, vector<1x128xf32>
    %broadcast_in_dim3A_557 = vector.shape_cast %get3A_556 : vector<1x128xf32> to vector<1x128xf32>
    %broadcast_in_dim3A_558 = vector.broadcast %broadcast_in_dim3A_557 : vector<1x128xf32> to vector<512x128xf32>
    %lt3A_559 = arith.cmpf olt, %slice3A_553, %min3A_552 : vector<512x128xf32>
    %select_n3A_560 = arith.select %lt3A_559, %broadcast_in_dim3A_558, %select_n3A_551 : vector<512x128xi1>, vector<512x128xf32>
    %min3A_561 = arith.minimumf %slice3A_553, %min3A_552 : vector<512x128xf32>
    %slice3A_562 = vector.extract_strided_slice %add3A_543 {offsets = [0, 256], sizes = [512, 128], strides = [1, 1]} : vector<512x512xf32> to vector<512x128xf32>
    %get3A_563 = arith.constant 1 : index
    %get3A_564 = arith.constant 5888 : index
    %get3A_565 = vector.load %arg3[%get3A_563, %get3A_564] : memref<2x8192xf32, #tpu.memory_space<vmem>>, vector<1x128xf32>
    %broadcast_in_dim3A_566 = vector.shape_cast %get3A_565 : vector<1x128xf32> to vector<1x128xf32>
    %broadcast_in_dim3A_567 = vector.broadcast %broadcast_in_dim3A_566 : vector<1x128xf32> to vector<512x128xf32>
    %lt3A_568 = arith.cmpf olt, %slice3A_562, %min3A_561 : vector<512x128xf32>
    %select_n3A_569 = arith.select %lt3A_568, %broadcast_in_dim3A_567, %select_n3A_560 : vector<512x128xi1>, vector<512x128xf32>
    %min3A_570 = arith.minimumf %slice3A_562, %min3A_561 : vector<512x128xf32>
    %slice3A_571 = vector.extract_strided_slice %add3A_543 {offsets = [0, 384], sizes = [512, 128], strides = [1, 1]} : vector<512x512xf32> to vector<512x128xf32>
    %get3A_572 = arith.constant 1 : index
    %get3A_573 = arith.constant 6016 : index
    %get3A_574 = vector.load %arg3[%get3A_572, %get3A_573] : memref<2x8192xf32, #tpu.memory_space<vmem>>, vector<1x128xf32>
    %broadcast_in_dim3A_575 = vector.shape_cast %get3A_574 : vector<1x128xf32> to vector<1x128xf32>
    %broadcast_in_dim3A_576 = vector.broadcast %broadcast_in_dim3A_575 : vector<1x128xf32> to vector<512x128xf32>
    %lt3A_577 = arith.cmpf olt, %slice3A_571, %min3A_570 : vector<512x128xf32>
    %select_n3A_578 = arith.select %lt3A_577, %broadcast_in_dim3A_576, %select_n3A_569 : vector<512x128xi1>, vector<512x128xf32>
    %min3A_579 = arith.minimumf %slice3A_571, %min3A_570 : vector<512x128xf32>
    %get3A_580 = arith.constant 0 : index
    %get3A_581 = arith.constant 6144 : index
    %get3A_582 = vector.load %arg2[%get3A_580, %get3A_581] : memref<256x8192xf32, #tpu.memory_space<vmem>>, vector<256x512xf32>
    %dot_general3A_583 = arith.constant dense<0.000000e+00> : vector<512x512xf32>
    %dot_general3A_584 = tpu.matmul %mul3A_5, %get3A_582, %dot_general3A_583 {dimension_numbers = #tpu.dot_dimension_numbers<[1], [0], [0], [1], [0, 0, 1, 1], [], []>, transpose_lhs_hint = false} : vector<512x256xf32>, vector<256x512xf32>, vector<512x512xf32> -> vector<512x512xf32>
    %add3A_585 = vector.broadcast %broadcast_in_dim3A : vector<512x1xf32> to vector<512x512xf32>
    %add3A_586 = arith.addf %add3A_585, %dot_general3A_584 : vector<512x512xf32>
    %get3A_587 = arith.constant 0 : index
    %get3A_588 = arith.constant 6144 : index
    %get3A_589 = vector.load %arg3[%get3A_587, %get3A_588] : memref<2x8192xf32, #tpu.memory_space<vmem>>, vector<1x512xf32>
    %add3A_590 = vector.broadcast %get3A_589 : vector<1x512xf32> to vector<512x512xf32>
    %add3A_591 = arith.addf %add3A_586, %add3A_590 : vector<512x512xf32>
    %slice3A_592 = vector.extract_strided_slice %add3A_591 {offsets = [0, 0], sizes = [512, 128], strides = [1, 1]} : vector<512x512xf32> to vector<512x128xf32>
    %get3A_593 = arith.constant 1 : index
    %get3A_594 = arith.constant 6144 : index
    %get3A_595 = vector.load %arg3[%get3A_593, %get3A_594] : memref<2x8192xf32, #tpu.memory_space<vmem>>, vector<1x128xf32>
    %broadcast_in_dim3A_596 = vector.shape_cast %get3A_595 : vector<1x128xf32> to vector<1x128xf32>
    %broadcast_in_dim3A_597 = vector.broadcast %broadcast_in_dim3A_596 : vector<1x128xf32> to vector<512x128xf32>
    %lt3A_598 = arith.cmpf olt, %slice3A_592, %min3A_579 : vector<512x128xf32>
    %select_n3A_599 = arith.select %lt3A_598, %broadcast_in_dim3A_597, %select_n3A_578 : vector<512x128xi1>, vector<512x128xf32>
    %min3A_600 = arith.minimumf %slice3A_592, %min3A_579 : vector<512x128xf32>
    %slice3A_601 = vector.extract_strided_slice %add3A_591 {offsets = [0, 128], sizes = [512, 128], strides = [1, 1]} : vector<512x512xf32> to vector<512x128xf32>
    %get3A_602 = arith.constant 1 : index
    %get3A_603 = arith.constant 6272 : index
    %get3A_604 = vector.load %arg3[%get3A_602, %get3A_603] : memref<2x8192xf32, #tpu.memory_space<vmem>>, vector<1x128xf32>
    %broadcast_in_dim3A_605 = vector.shape_cast %get3A_604 : vector<1x128xf32> to vector<1x128xf32>
    %broadcast_in_dim3A_606 = vector.broadcast %broadcast_in_dim3A_605 : vector<1x128xf32> to vector<512x128xf32>
    %lt3A_607 = arith.cmpf olt, %slice3A_601, %min3A_600 : vector<512x128xf32>
    %select_n3A_608 = arith.select %lt3A_607, %broadcast_in_dim3A_606, %select_n3A_599 : vector<512x128xi1>, vector<512x128xf32>
    %min3A_609 = arith.minimumf %slice3A_601, %min3A_600 : vector<512x128xf32>
    %slice3A_610 = vector.extract_strided_slice %add3A_591 {offsets = [0, 256], sizes = [512, 128], strides = [1, 1]} : vector<512x512xf32> to vector<512x128xf32>
    %get3A_611 = arith.constant 1 : index
    %get3A_612 = arith.constant 6400 : index
    %get3A_613 = vector.load %arg3[%get3A_611, %get3A_612] : memref<2x8192xf32, #tpu.memory_space<vmem>>, vector<1x128xf32>
    %broadcast_in_dim3A_614 = vector.shape_cast %get3A_613 : vector<1x128xf32> to vector<1x128xf32>
    %broadcast_in_dim3A_615 = vector.broadcast %broadcast_in_dim3A_614 : vector<1x128xf32> to vector<512x128xf32>
    %lt3A_616 = arith.cmpf olt, %slice3A_610, %min3A_609 : vector<512x128xf32>
    %select_n3A_617 = arith.select %lt3A_616, %broadcast_in_dim3A_615, %select_n3A_608 : vector<512x128xi1>, vector<512x128xf32>
    %min3A_618 = arith.minimumf %slice3A_610, %min3A_609 : vector<512x128xf32>
    %slice3A_619 = vector.extract_strided_slice %add3A_591 {offsets = [0, 384], sizes = [512, 128], strides = [1, 1]} : vector<512x512xf32> to vector<512x128xf32>
    %get3A_620 = arith.constant 1 : index
    %get3A_621 = arith.constant 6528 : index
    %get3A_622 = vector.load %arg3[%get3A_620, %get3A_621] : memref<2x8192xf32, #tpu.memory_space<vmem>>, vector<1x128xf32>
    %broadcast_in_dim3A_623 = vector.shape_cast %get3A_622 : vector<1x128xf32> to vector<1x128xf32>
    %broadcast_in_dim3A_624 = vector.broadcast %broadcast_in_dim3A_623 : vector<1x128xf32> to vector<512x128xf32>
    %lt3A_625 = arith.cmpf olt, %slice3A_619, %min3A_618 : vector<512x128xf32>
    %select_n3A_626 = arith.select %lt3A_625, %broadcast_in_dim3A_624, %select_n3A_617 : vector<512x128xi1>, vector<512x128xf32>
    %min3A_627 = arith.minimumf %slice3A_619, %min3A_618 : vector<512x128xf32>
    %get3A_628 = arith.constant 0 : index
    %get3A_629 = arith.constant 6656 : index
    %get3A_630 = vector.load %arg2[%get3A_628, %get3A_629] : memref<256x8192xf32, #tpu.memory_space<vmem>>, vector<256x512xf32>
    %dot_general3A_631 = arith.constant dense<0.000000e+00> : vector<512x512xf32>
    %dot_general3A_632 = tpu.matmul %mul3A_5, %get3A_630, %dot_general3A_631 {dimension_numbers = #tpu.dot_dimension_numbers<[1], [0], [0], [1], [0, 0, 1, 1], [], []>, transpose_lhs_hint = false} : vector<512x256xf32>, vector<256x512xf32>, vector<512x512xf32> -> vector<512x512xf32>
    %add3A_633 = vector.broadcast %broadcast_in_dim3A : vector<512x1xf32> to vector<512x512xf32>
    %add3A_634 = arith.addf %add3A_633, %dot_general3A_632 : vector<512x512xf32>
    %get3A_635 = arith.constant 0 : index
    %get3A_636 = arith.constant 6656 : index
    %get3A_637 = vector.load %arg3[%get3A_635, %get3A_636] : memref<2x8192xf32, #tpu.memory_space<vmem>>, vector<1x512xf32>
    %add3A_638 = vector.broadcast %get3A_637 : vector<1x512xf32> to vector<512x512xf32>
    %add3A_639 = arith.addf %add3A_634, %add3A_638 : vector<512x512xf32>
    %slice3A_640 = vector.extract_strided_slice %add3A_639 {offsets = [0, 0], sizes = [512, 128], strides = [1, 1]} : vector<512x512xf32> to vector<512x128xf32>
    %get3A_641 = arith.constant 1 : index
    %get3A_642 = arith.constant 6656 : index
    %get3A_643 = vector.load %arg3[%get3A_641, %get3A_642] : memref<2x8192xf32, #tpu.memory_space<vmem>>, vector<1x128xf32>
    %broadcast_in_dim3A_644 = vector.shape_cast %get3A_643 : vector<1x128xf32> to vector<1x128xf32>
    %broadcast_in_dim3A_645 = vector.broadcast %broadcast_in_dim3A_644 : vector<1x128xf32> to vector<512x128xf32>
    %lt3A_646 = arith.cmpf olt, %slice3A_640, %min3A_627 : vector<512x128xf32>
    %select_n3A_647 = arith.select %lt3A_646, %broadcast_in_dim3A_645, %select_n3A_626 : vector<512x128xi1>, vector<512x128xf32>
    %min3A_648 = arith.minimumf %slice3A_640, %min3A_627 : vector<512x128xf32>
    %slice3A_649 = vector.extract_strided_slice %add3A_639 {offsets = [0, 128], sizes = [512, 128], strides = [1, 1]} : vector<512x512xf32> to vector<512x128xf32>
    %get3A_650 = arith.constant 1 : index
    %get3A_651 = arith.constant 6784 : index
    %get3A_652 = vector.load %arg3[%get3A_650, %get3A_651] : memref<2x8192xf32, #tpu.memory_space<vmem>>, vector<1x128xf32>
    %broadcast_in_dim3A_653 = vector.shape_cast %get3A_652 : vector<1x128xf32> to vector<1x128xf32>
    %broadcast_in_dim3A_654 = vector.broadcast %broadcast_in_dim3A_653 : vector<1x128xf32> to vector<512x128xf32>
    %lt3A_655 = arith.cmpf olt, %slice3A_649, %min3A_648 : vector<512x128xf32>
    %select_n3A_656 = arith.select %lt3A_655, %broadcast_in_dim3A_654, %select_n3A_647 : vector<512x128xi1>, vector<512x128xf32>
    %min3A_657 = arith.minimumf %slice3A_649, %min3A_648 : vector<512x128xf32>
    %slice3A_658 = vector.extract_strided_slice %add3A_639 {offsets = [0, 256], sizes = [512, 128], strides = [1, 1]} : vector<512x512xf32> to vector<512x128xf32>
    %get3A_659 = arith.constant 1 : index
    %get3A_660 = arith.constant 6912 : index
    %get3A_661 = vector.load %arg3[%get3A_659, %get3A_660] : memref<2x8192xf32, #tpu.memory_space<vmem>>, vector<1x128xf32>
    %broadcast_in_dim3A_662 = vector.shape_cast %get3A_661 : vector<1x128xf32> to vector<1x128xf32>
    %broadcast_in_dim3A_663 = vector.broadcast %broadcast_in_dim3A_662 : vector<1x128xf32> to vector<512x128xf32>
    %lt3A_664 = arith.cmpf olt, %slice3A_658, %min3A_657 : vector<512x128xf32>
    %select_n3A_665 = arith.select %lt3A_664, %broadcast_in_dim3A_663, %select_n3A_656 : vector<512x128xi1>, vector<512x128xf32>
    %min3A_666 = arith.minimumf %slice3A_658, %min3A_657 : vector<512x128xf32>
    %slice3A_667 = vector.extract_strided_slice %add3A_639 {offsets = [0, 384], sizes = [512, 128], strides = [1, 1]} : vector<512x512xf32> to vector<512x128xf32>
    %get3A_668 = arith.constant 1 : index
    %get3A_669 = arith.constant 7040 : index
    %get3A_670 = vector.load %arg3[%get3A_668, %get3A_669] : memref<2x8192xf32, #tpu.memory_space<vmem>>, vector<1x128xf32>
    %broadcast_in_dim3A_671 = vector.shape_cast %get3A_670 : vector<1x128xf32> to vector<1x128xf32>
    %broadcast_in_dim3A_672 = vector.broadcast %broadcast_in_dim3A_671 : vector<1x128xf32> to vector<512x128xf32>
    %lt3A_673 = arith.cmpf olt, %slice3A_667, %min3A_666 : vector<512x128xf32>
    %select_n3A_674 = arith.select %lt3A_673, %broadcast_in_dim3A_672, %select_n3A_665 : vector<512x128xi1>, vector<512x128xf32>
    %min3A_675 = arith.minimumf %slice3A_667, %min3A_666 : vector<512x128xf32>
    %get3A_676 = arith.constant 0 : index
    %get3A_677 = arith.constant 7168 : index
    %get3A_678 = vector.load %arg2[%get3A_676, %get3A_677] : memref<256x8192xf32, #tpu.memory_space<vmem>>, vector<256x512xf32>
    %dot_general3A_679 = arith.constant dense<0.000000e+00> : vector<512x512xf32>
    %dot_general3A_680 = tpu.matmul %mul3A_5, %get3A_678, %dot_general3A_679 {dimension_numbers = #tpu.dot_dimension_numbers<[1], [0], [0], [1], [0, 0, 1, 1], [], []>, transpose_lhs_hint = false} : vector<512x256xf32>, vector<256x512xf32>, vector<512x512xf32> -> vector<512x512xf32>
    %add3A_681 = vector.broadcast %broadcast_in_dim3A : vector<512x1xf32> to vector<512x512xf32>
    %add3A_682 = arith.addf %add3A_681, %dot_general3A_680 : vector<512x512xf32>
    %get3A_683 = arith.constant 0 : index
    %get3A_684 = arith.constant 7168 : index
    %get3A_685 = vector.load %arg3[%get3A_683, %get3A_684] : memref<2x8192xf32, #tpu.memory_space<vmem>>, vector<1x512xf32>
    %add3A_686 = vector.broadcast %get3A_685 : vector<1x512xf32> to vector<512x512xf32>
    %add3A_687 = arith.addf %add3A_682, %add3A_686 : vector<512x512xf32>
    %slice3A_688 = vector.extract_strided_slice %add3A_687 {offsets = [0, 0], sizes = [512, 128], strides = [1, 1]} : vector<512x512xf32> to vector<512x128xf32>
    %get3A_689 = arith.constant 1 : index
    %get3A_690 = arith.constant 7168 : index
    %get3A_691 = vector.load %arg3[%get3A_689, %get3A_690] : memref<2x8192xf32, #tpu.memory_space<vmem>>, vector<1x128xf32>
    %broadcast_in_dim3A_692 = vector.shape_cast %get3A_691 : vector<1x128xf32> to vector<1x128xf32>
    %broadcast_in_dim3A_693 = vector.broadcast %broadcast_in_dim3A_692 : vector<1x128xf32> to vector<512x128xf32>
    %lt3A_694 = arith.cmpf olt, %slice3A_688, %min3A_675 : vector<512x128xf32>
    %select_n3A_695 = arith.select %lt3A_694, %broadcast_in_dim3A_693, %select_n3A_674 : vector<512x128xi1>, vector<512x128xf32>
    %min3A_696 = arith.minimumf %slice3A_688, %min3A_675 : vector<512x128xf32>
    %slice3A_697 = vector.extract_strided_slice %add3A_687 {offsets = [0, 128], sizes = [512, 128], strides = [1, 1]} : vector<512x512xf32> to vector<512x128xf32>
    %get3A_698 = arith.constant 1 : index
    %get3A_699 = arith.constant 7296 : index
    %get3A_700 = vector.load %arg3[%get3A_698, %get3A_699] : memref<2x8192xf32, #tpu.memory_space<vmem>>, vector<1x128xf32>
    %broadcast_in_dim3A_701 = vector.shape_cast %get3A_700 : vector<1x128xf32> to vector<1x128xf32>
    %broadcast_in_dim3A_702 = vector.broadcast %broadcast_in_dim3A_701 : vector<1x128xf32> to vector<512x128xf32>
    %lt3A_703 = arith.cmpf olt, %slice3A_697, %min3A_696 : vector<512x128xf32>
    %select_n3A_704 = arith.select %lt3A_703, %broadcast_in_dim3A_702, %select_n3A_695 : vector<512x128xi1>, vector<512x128xf32>
    %min3A_705 = arith.minimumf %slice3A_697, %min3A_696 : vector<512x128xf32>
    %slice3A_706 = vector.extract_strided_slice %add3A_687 {offsets = [0, 256], sizes = [512, 128], strides = [1, 1]} : vector<512x512xf32> to vector<512x128xf32>
    %get3A_707 = arith.constant 1 : index
    %get3A_708 = arith.constant 7424 : index
    %get3A_709 = vector.load %arg3[%get3A_707, %get3A_708] : memref<2x8192xf32, #tpu.memory_space<vmem>>, vector<1x128xf32>
    %broadcast_in_dim3A_710 = vector.shape_cast %get3A_709 : vector<1x128xf32> to vector<1x128xf32>
    %broadcast_in_dim3A_711 = vector.broadcast %broadcast_in_dim3A_710 : vector<1x128xf32> to vector<512x128xf32>
    %lt3A_712 = arith.cmpf olt, %slice3A_706, %min3A_705 : vector<512x128xf32>
    %select_n3A_713 = arith.select %lt3A_712, %broadcast_in_dim3A_711, %select_n3A_704 : vector<512x128xi1>, vector<512x128xf32>
    %min3A_714 = arith.minimumf %slice3A_706, %min3A_705 : vector<512x128xf32>
    %slice3A_715 = vector.extract_strided_slice %add3A_687 {offsets = [0, 384], sizes = [512, 128], strides = [1, 1]} : vector<512x512xf32> to vector<512x128xf32>
    %get3A_716 = arith.constant 1 : index
    %get3A_717 = arith.constant 7552 : index
    %get3A_718 = vector.load %arg3[%get3A_716, %get3A_717] : memref<2x8192xf32, #tpu.memory_space<vmem>>, vector<1x128xf32>
    %broadcast_in_dim3A_719 = vector.shape_cast %get3A_718 : vector<1x128xf32> to vector<1x128xf32>
    %broadcast_in_dim3A_720 = vector.broadcast %broadcast_in_dim3A_719 : vector<1x128xf32> to vector<512x128xf32>
    %lt3A_721 = arith.cmpf olt, %slice3A_715, %min3A_714 : vector<512x128xf32>
    %select_n3A_722 = arith.select %lt3A_721, %broadcast_in_dim3A_720, %select_n3A_713 : vector<512x128xi1>, vector<512x128xf32>
    %min3A_723 = arith.minimumf %slice3A_715, %min3A_714 : vector<512x128xf32>
    %get3A_724 = arith.constant 0 : index
    %get3A_725 = arith.constant 7680 : index
    %get3A_726 = vector.load %arg2[%get3A_724, %get3A_725] : memref<256x8192xf32, #tpu.memory_space<vmem>>, vector<256x512xf32>
    %dot_general3A_727 = arith.constant dense<0.000000e+00> : vector<512x512xf32>
    %dot_general3A_728 = tpu.matmul %mul3A_5, %get3A_726, %dot_general3A_727 {dimension_numbers = #tpu.dot_dimension_numbers<[1], [0], [0], [1], [0, 0, 1, 1], [], []>, transpose_lhs_hint = false} : vector<512x256xf32>, vector<256x512xf32>, vector<512x512xf32> -> vector<512x512xf32>
    %add3A_729 = vector.broadcast %broadcast_in_dim3A : vector<512x1xf32> to vector<512x512xf32>
    %add3A_730 = arith.addf %add3A_729, %dot_general3A_728 : vector<512x512xf32>
    %get3A_731 = arith.constant 0 : index
    %get3A_732 = arith.constant 7680 : index
    %get3A_733 = vector.load %arg3[%get3A_731, %get3A_732] : memref<2x8192xf32, #tpu.memory_space<vmem>>, vector<1x512xf32>
    %add3A_734 = vector.broadcast %get3A_733 : vector<1x512xf32> to vector<512x512xf32>
    %add3A_735 = arith.addf %add3A_730, %add3A_734 : vector<512x512xf32>
    %slice3A_736 = vector.extract_strided_slice %add3A_735 {offsets = [0, 0], sizes = [512, 128], strides = [1, 1]} : vector<512x512xf32> to vector<512x128xf32>
    %get3A_737 = arith.constant 1 : index
    %get3A_738 = arith.constant 7680 : index
    %get3A_739 = vector.load %arg3[%get3A_737, %get3A_738] : memref<2x8192xf32, #tpu.memory_space<vmem>>, vector<1x128xf32>
    %broadcast_in_dim3A_740 = vector.shape_cast %get3A_739 : vector<1x128xf32> to vector<1x128xf32>
    %broadcast_in_dim3A_741 = vector.broadcast %broadcast_in_dim3A_740 : vector<1x128xf32> to vector<512x128xf32>
    %lt3A_742 = arith.cmpf olt, %slice3A_736, %min3A_723 : vector<512x128xf32>
    %select_n3A_743 = arith.select %lt3A_742, %broadcast_in_dim3A_741, %select_n3A_722 : vector<512x128xi1>, vector<512x128xf32>
    %min3A_744 = arith.minimumf %slice3A_736, %min3A_723 : vector<512x128xf32>
    %slice3A_745 = vector.extract_strided_slice %add3A_735 {offsets = [0, 128], sizes = [512, 128], strides = [1, 1]} : vector<512x512xf32> to vector<512x128xf32>
    %get3A_746 = arith.constant 1 : index
    %get3A_747 = arith.constant 7808 : index
    %get3A_748 = vector.load %arg3[%get3A_746, %get3A_747] : memref<2x8192xf32, #tpu.memory_space<vmem>>, vector<1x128xf32>
    %broadcast_in_dim3A_749 = vector.shape_cast %get3A_748 : vector<1x128xf32> to vector<1x128xf32>
    %broadcast_in_dim3A_750 = vector.broadcast %broadcast_in_dim3A_749 : vector<1x128xf32> to vector<512x128xf32>
    %lt3A_751 = arith.cmpf olt, %slice3A_745, %min3A_744 : vector<512x128xf32>
    %select_n3A_752 = arith.select %lt3A_751, %broadcast_in_dim3A_750, %select_n3A_743 : vector<512x128xi1>, vector<512x128xf32>
    %min3A_753 = arith.minimumf %slice3A_745, %min3A_744 : vector<512x128xf32>
    %slice3A_754 = vector.extract_strided_slice %add3A_735 {offsets = [0, 256], sizes = [512, 128], strides = [1, 1]} : vector<512x512xf32> to vector<512x128xf32>
    %get3A_755 = arith.constant 1 : index
    %get3A_756 = arith.constant 7936 : index
    %get3A_757 = vector.load %arg3[%get3A_755, %get3A_756] : memref<2x8192xf32, #tpu.memory_space<vmem>>, vector<1x128xf32>
    %broadcast_in_dim3A_758 = vector.shape_cast %get3A_757 : vector<1x128xf32> to vector<1x128xf32>
    %broadcast_in_dim3A_759 = vector.broadcast %broadcast_in_dim3A_758 : vector<1x128xf32> to vector<512x128xf32>
    %lt3A_760 = arith.cmpf olt, %slice3A_754, %min3A_753 : vector<512x128xf32>
    %select_n3A_761 = arith.select %lt3A_760, %broadcast_in_dim3A_759, %select_n3A_752 : vector<512x128xi1>, vector<512x128xf32>
    %min3A_762 = arith.minimumf %slice3A_754, %min3A_753 : vector<512x128xf32>
    %slice3A_763 = vector.extract_strided_slice %add3A_735 {offsets = [0, 384], sizes = [512, 128], strides = [1, 1]} : vector<512x512xf32> to vector<512x128xf32>
    %get3A_764 = arith.constant 1 : index
    %get3A_765 = arith.constant 8064 : index
    %get3A_766 = vector.load %arg3[%get3A_764, %get3A_765] : memref<2x8192xf32, #tpu.memory_space<vmem>>, vector<1x128xf32>
    %broadcast_in_dim3A_767 = vector.shape_cast %get3A_766 : vector<1x128xf32> to vector<1x128xf32>
    %broadcast_in_dim3A_768 = vector.broadcast %broadcast_in_dim3A_767 : vector<1x128xf32> to vector<512x128xf32>
    %lt3A_769 = arith.cmpf olt, %slice3A_763, %min3A_762 : vector<512x128xf32>
    %select_n3A_770 = arith.select %lt3A_769, %broadcast_in_dim3A_768, %select_n3A_761 : vector<512x128xi1>, vector<512x128xf32>
    %min3A_771 = arith.minimumf %slice3A_763, %min3A_762 : vector<512x128xf32>
    %reduce_min3A = arith.constant dense<0x7F800000> : vector<512xf32>
    %reduce_min3A_772 = vector.multi_reduction <minimumf>, %min3A_771, %reduce_min3A [1] : vector<512x128xf32> to vector<512xf32>
    %broadcast_in_dim3A_773 = vector.shape_cast %reduce_min3A_772 : vector<512xf32> to vector<512x1xf32>
    %eq3A = vector.broadcast %broadcast_in_dim3A_773 : vector<512x1xf32> to vector<512x128xf32>
    %eq3A_774 = arith.cmpf oeq, %min3A_771, %eq3A : vector<512x128xf32>
    %jit3A = arith.constant 8.192000e+03 : f32
    %broadcast_in_dim3A_775 = vector.broadcast %jit3A : f32 to vector<512x128xf32>
    %select_n3A_776 = arith.select %eq3A_774, %select_n3A_770, %broadcast_in_dim3A_775 : vector<512x128xi1>, vector<512x128xf32>
    %reduce_min3A_777 = arith.constant dense<0x7F800000> : vector<512xf32>
    %reduce_min3A_778 = vector.multi_reduction <minimumf>, %select_n3A_776, %reduce_min3A_777 [1] : vector<512x128xf32> to vector<512xf32>
    %broadcast_in_dim3A_779 = vector.shape_cast %reduce_min3A_778 : vector<512xf32> to vector<512x1xf32>
    %convert_element_type3A = arith.fptosi %broadcast_in_dim3A_779 : vector<512x1xf32> to vector<512x1xi32>
    %swap3A = arith.constant 0 : index
    %swap3A_780 = arith.constant 0 : index
    %swap3A_781 = vector.load %arg4[%swap3A, %swap3A_780] : memref<512x1xi32, #tpu.memory_space<vmem>>, vector<512x1xi32>
    tpu.vector_store %arg4[%swap3A, %swap3A_780], %convert_element_type3A {strides = array<i32>} : memref<512x1xi32, #tpu.memory_space<vmem>>, vector<512x1xi32>,
    %reduce_sum3A_782 = arith.constant dense<0.000000e+00> : vector<1xf32>
    %reduce_sum3A_783 = vector.multi_reduction <add>, %broadcast_in_dim3A_773, %reduce_sum3A_782 [0] : vector<512x1xf32> to vector<1xf32>
    %broadcast_in_dim3A_784 = vector.shape_cast %reduce_sum3A_783 : vector<1xf32> to vector<1x1xf32>
    %eq3A_785 = arith.constant 0 : i32
    %eq3A_786 = arith.cmpi eq, %arg0, %eq3A_785 : i32
    %convert_element_type3A_787 = arith.extui %eq3A_786 : i1 to i32
    %cond3A = arith.constant 0 : i32
    %cond3A_788 = arith.cmpi ne, %convert_element_type3A_787, %cond3A : i32
    scf.if %cond3A_788 {
      %swap3A_798 = arith.constant 0 : index
      %swap3A_799 = arith.constant 0 : index
      %swap3A_800 = vector.load %arg6[%swap3A_798, %swap3A_799] : memref<1x1xf32, #tpu.memory_space<vmem>>, vector<1x1xf32>
      tpu.vector_store %arg6[%swap3A_798, %swap3A_799], %broadcast_in_dim3A_784 {strides = array<i32>} : memref<1x1xf32, #tpu.memory_space<vmem>>, vector<1x1xf32>,
    } else {
    }
    %gt3A = arith.constant 0 : i32
    %gt3A_789 = arith.cmpi sgt, %arg0, %gt3A : i32
    %convert_element_type3A_790 = arith.extui %gt3A_789 : i1 to i32
    %cond3A_791 = arith.constant 0 : i32
    %cond3A_792 = arith.cmpi ne, %convert_element_type3A_790, %cond3A_791 : i32
    scf.if %cond3A_792 {
      %get3A_798 = arith.constant 0 : index
      %get3A_799 = arith.constant 0 : index
      %get3A_800 = vector.load %arg6[%get3A_798, %get3A_799] : memref<1x1xf32, #tpu.memory_space<vmem>>, vector<1x1xf32>
      %add3A_801 = arith.addf %get3A_800, %broadcast_in_dim3A_784 : vector<1x1xf32>
      %swap3A_802 = arith.constant 0 : index
      %swap3A_803 = arith.constant 0 : index
      %swap3A_804 = vector.load %arg6[%swap3A_802, %swap3A_803] : memref<1x1xf32, #tpu.memory_space<vmem>>, vector<1x1xf32>
      tpu.vector_store %arg6[%swap3A_802, %swap3A_803], %add3A_801 {strides = array<i32>} : memref<1x1xf32, #tpu.memory_space<vmem>>, vector<1x1xf32>,
    } else {
    }
    %eq3A_793 = arith.constant 63 : i32
    %eq3A_794 = arith.cmpi eq, %arg0, %eq3A_793 : i32
    %convert_element_type3A_795 = arith.extui %eq3A_794 : i1 to i32
    %cond3A_796 = arith.constant 0 : i32
    %cond3A_797 = arith.cmpi ne, %convert_element_type3A_795, %cond3A_796 : i32
    scf.if %cond3A_797 {
      %get3A_798 = arith.constant 0 : index
      %get3A_799 = arith.constant 0 : index
      %get3A_800 = vector.load %arg6[%get3A_798, %get3A_799] : memref<1x1xf32, #tpu.memory_space<vmem>>, vector<1x1xf32>
      %swap3A_801 = arith.constant 0 : index
      %swap3A_802 = arith.constant 0 : index
      %swap3A_803 = vector.load %arg5[%swap3A_801, %swap3A_802] : memref<1x1xf32, #tpu.memory_space<vmem>>, vector<1x1xf32>
      tpu.vector_store %arg5[%swap3A_801, %swap3A_802], %get3A_800 {strides = array<i32>} : memref<1x1xf32, #tpu.memory_space<vmem>>, vector<1x1xf32>,
    } else {
    }
    return
  }
  func.func @transform_0(%arg0: i32) -> (i32, i32) {
    %c0_i32 = arith.constant 0 : i32
    %c0_i32_0 = arith.constant 0 : i32
    return %arg0, %c0_i32 : i32, i32
  }
  func.func @transform_1(%arg0: i32) -> (i32, i32) {
    %c0_i32 = arith.constant 0 : i32
    %c0_i32_0 = arith.constant 0 : i32
    %c0_i32_1 = arith.constant 0 : i32
    return %c0_i32, %c0_i32_0 : i32, i32
  }
  func.func @transform_2(%arg0: i32) -> (i32, i32) {
    %c0_i32 = arith.constant 0 : i32
    %c0_i32_0 = arith.constant 0 : i32
    %c0_i32_1 = arith.constant 0 : i32
    return %c0_i32, %c0_i32_0 : i32, i32
  }
  func.func @transform_3(%arg0: i32) -> (i32, i32) {
    %c0_i32 = arith.constant 0 : i32
    %c0_i32_0 = arith.constant 0 : i32
    return %arg0, %c0_i32 : i32, i32
  }
  func.func @transform_4(%arg0: i32) -> (i32, i32) {
    %c0_i32 = arith.constant 0 : i32
    %c0_i32_0 = arith.constant 0 : i32
    %c0_i32_1 = arith.constant 0 : i32
    return %c0_i32, %c0_i32_0 : i32, i32
  }
}

</mosaic_0001>

<sc_bundles>
// kernel: kernel.4.cloned.1.call-start
scs
__scs_entry_jumppad:
0x0: {  	(pc) =	sbr.rel $0x88, $3  }
0x1: {  	(tag) =	ssettag $0x0;
	lr =	simm.s32 $0x1  }
0x2: {  	[smem:$0x3F9F] =	sst lr;
	_ =	strace $0xD0000000  }
0x3: {  	_ = 	snop  }
0x4: {  	_ = 	snop  }
0x5: {  	_ = 	snop  }
0x6: {  	_ = 	snop  }
0x7: {  	_ = 	snop  }
__scs_overlays_trampoline_lowered:
0x8: {  	[smem:$0x3FAE] =	sst s0  }
0x9: {  	[smem:$0x3FAF] =	sst s1  }
0xa: {  	[smem:$0x3FB0] =	sst s2  }
0xb: {  	[smem:$0x3FB1] =	sst s3  }
0xc: {  	[smem:$0x3FB2] =	sst s4  }
0xd: {  	[smem:$0x3FB3] =	sst s5  }
0xe: {  	[smem:$0x3FB4] =	sst s6  }
0xf: {  	[smem:$0x3FB5] =	sst s7  }
0x10: {  	[smem:$0x3FB6] =	sst s8  }
0x11: {  	[smem:$0x3FB7] =	sst s9;
	s0 =	simm.s32 @!p0 $0x0  }
0x12: {  	s1 =	sld [smem:$0x3F9D];
	s0 =	simm.s32 @p0 $0x1  }
0x13: {  	[smem:$0x3FB8] =	sst s0;
	s0 =	simm.s32 @!p1 $0x0  }
0x14: {  	s2 =	sld [smem:$0x3F9C];
	s0 =	simm.s32 @p1 $0x1  }
0x15: {  	[smem:$0x3FB9] =	sst s0;
	s0 =	simm.s32 @!p2 $0x0  }
0x16: {  	s3 =	sld [smem:$0x3FDB];
	s0 =	simm.s32 @p2 $0x1  }
0x17: {  	s4 =	simm.s32 $0x1BF5;
	[smem:$0x3FBB] =	sst s0  }
0x18: {  	s0 =	sld [smem:$0x3F9E];
	_ =	swait.ge [sflag:s4], $0x0  }
0x19: {  	s7 =	sld [smem:$0x3F9F]  }
0x1a: {  	s8 =	sadd.s32 $0xFFFFE003, lr  }
0x1b: {  	s9 =	sadd.s32 $0xFFFFFEF7, lr;
	s5 =	simm.s32 $0xFFFFFFFF;
	p2 =	slt.u32 s8, $0xFFFFF086  }
0x1c: {  	p1 =	slt.u32 s9, $0xF7A;
	s5 =	simm.s32 @!p2 $0x0  }
0x1d: {  	s5 =	simm.s32 @p1 $0x1;
	p0 =	seq.s32 s7, s2  }
0x1e: {  	s7 =	smul.u32 @!p0 $0xF7A, s2;
	p2 =	seq.s32 @!p0 s5, $0x0  }
0x1f: {  	s9 =	smul.u32 $0xF7A, s1;
	s8 =	simm.s32 @!p0 $0x1BF5;
	p2 =	por !p2, p0  }
0x20: {  	[sflag:s8] =	ssyncset.s32 @!p0 $0xFFFFF086;
	s6 =	sadd.s32 @!p0 s3, s7;
	s7 =	simm.s32 @!p0 $0x108  }
0x21: {  	s3 =	sadd.s32 s3, s9;
	s6 =	sadd.s32 @!p0 $0x88, s6;
	s7 =	simm.s32 @p2 $0x1082  }
0x22: {  	[simem:s7], [sflag:s8] =	dma.local @!p0 [hbm:s6], $0xF7A  }
0x23: {  	s9 =	sor.u32 $0xD0000000, s2;
	s6 =	simm.s32 $0x108;
	_ =	swait.ge @!p0 [sflag:s8], $0x0  }
0x24: {  	s3 =	sadd.s32 $0x88, s3;
	s6 =	simm.s32 @!p1 $0x1082;
	[sflag:s4] =	ssyncset.s32 $0xFFFFF086  }
0x25: {  	[simem:s6], [sflag:s4] =	dma.local [hbm:s3], $0xF7A  }
0x26: {  	[smem:$0x3F9F] =	sst s1;
	(tag) =	ssettag s2;
	_ =	strace s9  }
0x27: {  	s1 =	sld [smem:$0x3FAF]  }
0x28: {  	s2 =	sld [smem:$0x3FB0]  }
0x29: {  	s4 =	sld [smem:$0x3FB2]  }
0x2a: {  	p0 =	seq.s32 s5, $0x0;
	s5 =	sld [smem:$0x3FB3]  }
0x2b: {  	s6 =	sld [smem:$0x3FB4]  }
0x2c: {  	s7 =	sld [smem:$0x3FB5]  }
0x2d: {  	s3 =	simm.s32 $0x108;
	s8 =	sld [smem:$0x3FB6]  }
0x2e: {  	s3 =	simm.s32 @!p0 $0x1082;
	s9 =	sld [smem:$0x3FB7]  }
0x2f: {  	lr =	sadd.s32 s0, s3;
	s0 =	sld [smem:$0x3FAE]  }
0x30: {  	s3 =	sld [smem:$0x3FB1]  }
0x31: {  	[smem:$0x3FBA] =	sst s10  }
0x32: {  	s10 =	sld [smem:$0x3FB8];
	_ =	sdelay $0x3  }
0x33: {  	p0 =	seq.s32 s10, $0x1;
	s10 =	sld [smem:$0x3FBA];
	_ =	sdelay $0x3  }
0x34: {  	[smem:$0x3FBA] =	sst s10  }
0x35: {  	s10 =	sld [smem:$0x3FB9];
	_ =	sdelay $0x3  }
0x36: {  	p1 =	seq.s32 s10, $0x1;
	s10 =	sld [smem:$0x3FBA];
	_ =	sdelay $0x3  }
0x37: {  	[smem:$0x3FBA] =	sst s10  }
0x38: {  	s10 =	sld [smem:$0x3FBB]  }
0x39: {  	_ = 	snop;
	(pc) =	sbr.ind lr, $3  }
0x3a: {  	_ = 	snop  }
0x3b: {  	_ = 	snop  }
0x3c: {  	p2 =	seq.s32 s10, $0x1;
	s10 =	sld [smem:$0x3FBA]  }
0x3d: {  	_ =	shalt  }
0x3e: {  	_ =	shalt  }
0x3f: {  	_ =	shalt  }
0x40: {  	_ =	shalt  }
0x41: {  	_ =	shalt  }
0x42: {  	_ =	shalt  }
0x43: {  	_ =	shalt  }
0x44: {  	_ =	shalt  }
0x45: {  	_ =	shalt  }
0x46: {  	_ =	shalt  }
0x47: {  	_ =	shalt  }
0x48: {  	_ =	shalt  }
0x49: {  	_ =	shalt  }
0x4a: {  	_ =	shalt  }
0x4b: {  	_ =	shalt  }
0x4c: {  	_ =	shalt  }
0x4d: {  	_ =	shalt  }
0x4e: {  	_ =	shalt  }
0x4f: {  	_ =	shalt  }
0x50: {  	_ =	shalt  }
0x51: {  	_ =	shalt  }
0x52: {  	_ =	shalt  }
0x53: {  	_ =	shalt  }
0x54: {  	_ =	shalt  }
0x55: {  	_ =	shalt  }
0x56: {  	_ =	shalt  }
0x57: {  	_ =	shalt  }
0x58: {  	_ =	shalt  }
0x59: {  	_ =	shalt  }
0x5a: {  	_ =	shalt  }
0x5b: {  	_ =	shalt  }
0x5c: {  	_ =	shalt  }
0x5d: {  	_ =	shalt  }
0x5e: {  	_ =	shalt  }
0x5f: {  	_ =	shalt  }
0x60: {  	_ =	shalt  }
0x61: {  	_ =	shalt  }
0x62: {  	_ =	shalt  }
0x63: {  	_ =	shalt  }
0x64: {  	_ =	shalt  }
0x65: {  	_ =	shalt  }
0x66: {  	_ =	shalt  }
0x67: {  	_ =	shalt  }
0x68: {  	_ =	shalt  }
0x69: {  	_ =	shalt  }
0x6a: {  	_ =	shalt  }
0x6b: {  	_ =	shalt  }
0x6c: {  	_ =	shalt  }
0x6d: {  	_ =	shalt  }
0x6e: {  	_ =	shalt  }
0x6f: {  	_ =	shalt  }
0x70: {  	_ =	shalt  }
0x71: {  	_ =	shalt  }
0x72: {  	_ =	shalt  }
0x73: {  	_ =	shalt  }
0x74: {  	_ =	shalt  }
0x75: {  	_ =	shalt  }
0x76: {  	_ =	shalt  }
0x77: {  	_ =	shalt  }
0x78: {  	_ =	shalt  }
0x79: {  	_ =	shalt  }
0x7a: {  	_ =	shalt  }
0x7b: {  	_ =	shalt  }
0x7c: {  	_ =	shalt  }
0x7d: {  	_ =	shalt  }
0x7e: {  	_ =	shalt  }
0x7f: {  	_ =	shalt  }
0x80: {  	_ =	shalt  }
0x81: {  	_ =	shalt  }
0x82: {  	_ =	shalt  }
0x83: {  	_ =	shalt  }
0x84: {  	_ =	shalt  }
0x85: {  	_ =	shalt  }
0x86: {  	_ =	shalt  }
0x87: {  	_ =	shalt  }
.Lfunc_end0:
.L_simem_size_0:
called_computation_lowered:
.L_overlay_start_0:
0x88: {  	s2 =	sld [smem:$0x3FD9]  }
0x89: {  	s3 =	sld [smem:$0x3FFE];
	_ =	sdelay $0x1  }
0x8a: {  	s1 =	srdreg.scid  }
0x8b: {  	s0 =	sand.u32 $0x1, s1  }
0x8c: {  	s14 =	sshll.u32 s0, $0xA;
	s2 =	sadd.s32 s3, s2  }
0x8d: {  	s2 =	sadd.s32 s2, s14  }
0x8e: {  	[smem:$0x3FC6] =	sst s2  }
0x8f: {  	_ = 	snop  }
0x90: {  	s2 =	sld [smem:$0x3FD0];
	_ =	sdelay $0x2  }
0x91: {  	s15 =	simm.s32 $0xA;
	s4 =	simm.s32 $0x10  }
0x92: {  	[smem:s4], [sflag:s15] =	dma.local [hbm:s2], $0x1  }
0x93: {  	_ =	swait.eq [sflag:s15], $0x1  }
0x94: {  	[sflag:s15] =	ssyncset.done $0x0  }
0x95: {  	[sflag:s15] =	ssyncadd.s32 $0xFFFFFFFF  }
0x96: {  	s16 =	sld [smem:$0x10];
	(tm) =	ssettm $0x1  }
0x97: {  	s17 =	sld [smem:$0x3FFB];
	_ =	sdelay $0x3  }
0x98: {  	_ =	strace s17  }
0x99: {  	s3 =	sld [smem:$0x3FFC];
	_ =	sdelay $0x3  }
0x9a: {  	_ =	strace s3  }
0x9b: {  	s3 =	sld [smem:$0x3FFD];
	_ =	sdelay $0x3  }
0x9c: {  	_ =	strace s3  }
0x9d: {  	_ =	strace $0x8FFFFFFF  }
0x9e: {  	s18 =	sld [smem:$0x3FDB];
	_ =	sdelay $0x1  }
0x9f: {  	s19 =	simm.s32 $_scs_section_size  }
0xa0: {  	s5 =	simm.s32 $_size__tile_overlayer_lowered;
	s6 =	simm.s32 $_tile_overlayer_lowered  }
0xa1: {  	s22 =	simm.s32 $0x1BFF;
	s21 =	sshll.u32 s6, $0x1;
	s3 =	sadd.s32 s19, s18  }
0xa2: {  	s7 =	simm.s32 $0x0;
	s20 =	sshll.u32 s5, $0x1;
	s5 =	sadd.s32 s21, s3  }
0xa3: {  	[timem:s7], [sflag:s22] =	dma.local [hbm:s5], s20  }
0xa4: {  	_ =	swait.ge [sflag:s22], s20  }
0xa5: {  	s4 =	ssub.s32 $0x0, s20;
	[sflag:s22] =	ssyncset.done $0x0  }
0xa6: {  	[sflag:s22] =	ssyncadd.s32 s4;
	_ =	sdelay $0x1  }
0xa7: {  	s23 =	simm.s32 $0x1B8B  }
0xa8: {  	_ =	swait.ge [sflag:s23], $0x1  }
0xa9: {  	[sflag:s23] =	ssyncset.done $0x0  }
0xaa: {  	s25 =	simm.s32 $0x1B8E;
	s24 =	sld [smem:$0x3FFE];
	[sflag:s23] =	ssyncadd.s32 $0xFFFFFFFF  }
0xab: {  	s26 =	simm.s32 $execute0_lowered;
	[smem:$0x3FD2] =	sst s25  }
0xac: {  	s5 =	sshll.u32 s26, $0x1;
	_ =	strace $0x80000046;
	[dreg:$0x1] =	wrdreg $0xFFFFFFFF  }
0xad: {  	s28 =	simm.s32 $_size_execute0_lowered;
	s3 =	sadd.s32 s3, s5;
	[dreg:$0x0] =	wrdreg $0x0  }
0xae: {  	s5 =	sshll.u32 s28, $0x1;
	[dreg:$0x2] =	wrdreg s3  }
0xaf: {  	[dreg:$0x3] =	wrdreg s5  }
0xb0: {  	[dreg:$0x4] =	wrdreg $0xC0  }
0xb1: {  	_ =	task [dreg:s7], $0x5FFFF  }
0xb2: {  	[dreg:$0x1] =	wrdreg $0xFFFFFFFF  }
0xb3: {  	[dreg:$0x0] =	wrdreg $0x60  }
0xb4: {  	[dreg:$0x2] =	wrdreg s24  }
0xb5: {  	[dreg:$0x3] =	wrdreg s16  }
0xb6: {  	[dreg:$0x4] =	wrdreg $0x9  }
0xb7: {  	_ =	task.clear_ibuf [dreg:s7], $0x5FFFF;
	_ =	strace $0x90000046  }
0xb8: {  	s29 =	simm.s32 $0x9;
	_ =	strace $0x80000048  }
0xb9: {  	_ =	swait.ge [sflag:s29], $0x1  }
0xba: {  	[sflag:s29] =	ssyncadd.s32 $0xFFFFFFFF  }
0xbb: {  	_ =	strace $0x90000048  }
0xbc: {  	_ =	sfence  }
0xbd: {  	s30 =	sld [smem:$0x0];
	_ =	sdelay $0x2  }
0xbe: {  	s31 =	sshll.u32 s1, $0xD;
	s1 =	sshrl.u32 s1, $0x2  }
0xbf: {  	s3 =	sand.u32 $0x4000, s31;
	s1 =	sadd.s32 s1, s30  }
0xc0: {  	s0 =	sor.u32 s3, s0;
	s1 =	sshll.u32 s1, $0x11  }
0xc1: {  	s0 =	sor.u32 s1, s0  }
0xc2: {  	s0 =	sadd.s32 $0x8F2B, s0  }
0xc3: {  	[sflag:s0] =	ssyncadd.remote.s32 $0x1  }
0xc4: {  	_ =	sfence.sel $0xFFFF  }
0xc5: {  	[dreg:$0x0] =	wrdreg $0xFFFFFFFF;
	(pc) =	sbr.abs _section_cstart, $3  }
0xc6: {  	[dreg:$0x1] =	wrdreg $0xFFFFFFFF  }
0xc7: {  	_ =	task.clear_ibuf [dreg:s7], $0x2FFFF;
	_ =	strace $0x9FFFFFFF  }
0xc8: {  	(tm) =	ssettm $0x7FFFFFFF  }
0xc9: {  	_ =	shalt  }
tec
execute0_lowered:
.L_overlay_start_1:
0x0: {  	(tag) =	ssettag $0x1  }
0x1: {  	s0 =	rddreg [dreg:$0x0]  }
0x2: {  	s1 =	rddreg [dreg:$0x1]  }
0x3: {  	s2 =	srdreg.scid;
	s4 =	stileid.u32  }
0x4: {  	s29 =	simm.s32 $0x100;
	s3 =	sand.u32 $0x1, s2;
	s2 =	simm.s32 $0x0  }
0x5: {  	s4 =	sshll.u32 s4, $0xB;
	s5 =	sshll.u32 s3, $0xA;
	[smem:$0x7FF] =	sst s2  }
0x6: {  	s20 =	ssub.s32 $0x2, s3;
	s4 =	sor.u32 s5, s4;
	s5 =	sadd.s32 $0xC0E00, s0  }
0x7: {  	_ =	strace $0x80000047;
	s6 =	sshrl.u32 s4, $0x3;
	s7 =	sor.u32 $0x80, s4  }
0x8: {  	s24 =	sshll.u32 s4, $0x5;
	s26 =	sor.u32 $0x100, s4;
	s9 =	sor.u32 $0x180, s4  }
0x9: {  	s11 =	sor.u32 $0x200, s4;
	s14 =	sor.u32 $0x280, s4;
	s19 =	sor.u32 $0x300, s4  }
0xa: {  	s4 =	sor.u32 $0x380, s4;
	s6 =	sadd.s32 s5, s6;
	s8 =	sshrl.u32 s7, $0x3  }
0xb: {  	s25 =	sadd.s32 s1, s24;
	s28 =	sshrl.u32 s26, $0x3;
	s7 =	sshll.u32 s7, $0x5  }
0xc: {  	s31 =	sshrl.u32 s9, $0x3;
	s12 =	sshrl.u32 s11, $0x3;
	s13 =	sshll.u32 s9, $0x5  }
0xd: {  	s16 =	sshrl.u32 s14, $0x3;
	s21 =	sshrl.u32 s19, $0x3;
	[dreg:$0x3] =	wrdreg s6  }
0xe: {  	s22 =	sshll.u32 s14, $0x5;
	s23 =	sadd.s32 s5, s8;
	[dreg:$0x5] =	wrdreg s25  }
0xf: {  	s24 =	sshrl.u32 s4, $0x3;
	s6 =	sadd.s32 s5, s28;
	[dreg:$0x4] =	wrdreg s23  }
0x10: {  	s4 =	sshll.u32 s4, $0x5;
	s30 =	sadd.s32 s1, s7;
	[dreg:$0x6] =	wrdreg s6  }
0x11: {  	s14 =	simm.s32 $0x3;
	s7 =	sadd.s32 s5, s31;
	[dreg:$0x7] =	wrdreg s30  }
0x12: {  	s8 =	sshll.u32 s26, $0x5;
	s15 =	sadd.s32 s1, s13;
	[dreg:$0x8] =	wrdreg s7  }
0x13: {  	s17 =	sadd.s32 s5, s16;
	s3 =	sadd.s32 s5, s21;
	[dreg:$0xb] =	wrdreg s15  }
0x14: {  	s25 =	sadd.s32 s5, s24;
	s26 =	sshll.u32 s19, $0x5;
	[dreg:$0xc] =	wrdreg s17  }
0x15: {  	s13 =	simm.s32 $0x1;
	s16 =	simm.s32 $0x4;
	[dreg:$0xe] =	wrdreg s3  }
0x16: {  	s10 =	sadd.s32 s1, s8;
	s6 =	sadd.s32 s5, s12;
	[dreg:$0x10] =	wrdreg s25  }
0x17: {  	s7 =	sshll.u32 s11, $0x5;
	s23 =	sadd.s32 s1, s22;
	[dreg:$0x9] =	wrdreg s10  }
0x18: {  	s28 =	sadd.s32 s1, s26;
	s30 =	sshrl.u32 s20, $0x1;
	[dreg:$0xa] =	wrdreg s6  }
0x19: {  	s3 =	sadd.s32 $0xE00, s0;
	s5 =	simm.s32 $0x5;
	[dreg:$0xf] =	wrdreg s23  }
0x1a: {  	v2 =	vlaneseq.u32;
	s15 =	simm.s32 $0x2;
	s18 =	sadd.s32 s1, s7;
	[dreg:$0x11] =	wrdreg s28  }
0x1b: {  	vm0 =	vmmov $0xffff;
	v1 =	vshrl.u32 v2, $0x3;
	s1 =	sadd.s32 s1, s4;
	s31 =	ssub.s32 s20, s30;
	[dreg:$0xd] =	wrdreg s18  }
0x1c: {  	v0 =	vand.u32 $0x7, v2;
	v2 =	vor.u32 $0x8, v2;
	v1 =	vmul.u32 $0x8, v1;
	s23 =	simm.s32 $0x8100;
	[dreg:$0x12] =	wrdreg s1;
	s4 =	smax.u32 s31, $0x1  }
.LBB2_1:
0x1d: {  	s17 =	rddreg [dreg:$0x3]  }
0x1e: {  	[tilespmem:s2], [sflag:$0x5] =	stream.linear.gather [hbm4b:s17+s2], $0x80, $0x38;
	[tilespmem:$0x10100] =	vst v63  }
0x1f: {  	_ =	swait.ge [sflag:s5], $0x80  }
0x20: {  	[sflag:s5] =	ssyncset.done $0x0  }
0x21: {  	[sflag:s5] =	ssyncadd.s32 $0xFFFFFF80  }
0x22: {  	v3 =	vld [tilespmem:$0x0];
	_ =	sdelay $0x4  }
0x23: {  	v4 =	vshll.u32 v3, $0x1  }
0x24: {  	v3 =	vand.u32 $0x7, v3;
	v4 =	vand.u32 $0xFFFFFFF0, v4  }
0x25: {  	v3 =	vor.u32 v3, v4  }
0x26: {  	v4 =	vperm.xlane v3, v0;
	_ =	sdelay $0x1  }
0x27: {  	v3 =	vperm.xlane v3, v2;
	v4 =	vadd.s32 v1, v4;
	_ =	sdelay $0x1  }
0x28: {  	v3 =	vadd.s32 v1, v3;
	_ =	sdelay $0x2  }
0x29: {  	[tilespmem:s29], [sflag:$0x1] =	stream.indirect_vreg.gather [hbm4b:s3+s2], $0x80, v4, vm0, $0xb8;
	[tilespmem:$0x10100] =	vst v63  }
0x2a: {  	s0 =	simm.s32 $0x900  }
0x2b: {  	[tilespmem:s0], [sflag:$0x1] =	stream.indirect_vreg.gather [hbm4b:s3+s2], $0x80, v3, vm0, $0xb8;
	[tilespmem:$0x10100] =	vst v63  }
0x2c: {  	v3 =	vld [tilespmem:$0x10];
	_ =	sdelay $0x4  }
0x2d: {  	v57 =	vshll.u32 v3, $0x1  }
0x2e: {  	v3 =	vand.u32 $0x7, v3;
	v4 =	vand.u32 $0xFFFFFFF0, v57  }
0x2f: {  	v3 =	vor.u32 v3, v4  }
0x30: {  	v4 =	vperm.xlane v3, v0;
	_ =	sdelay $0x1  }
0x31: {  	v3 =	vperm.xlane v3, v2;
	v4 =	vadd.s32 v1, v4;
	_ =	sdelay $0x1  }
0x32: {  	v3 =	vadd.s32 v1, v3;
	_ =	sdelay $0x1  }
0x33: {  	s26 =	simm.s32 $0x1100  }
0x34: {  	[tilespmem:s26], [sflag:$0x1] =	stream.indirect_vreg.gather [hbm4b:s3+s2], $0x80, v4, vm0, $0xb8;
	[tilespmem:$0x10100] =	vst v63  }
0x35: {  	s28 =	simm.s32 $0x1900  }
0x36: {  	[tilespmem:s28], [sflag:$0x1] =	stream.indirect_vreg.gather [hbm4b:s3+s2], $0x80, v3, vm0, $0xb8;
	[tilespmem:$0x10100] =	vst v63  }
0x37: {  	v3 =	vld [tilespmem:$0x20];
	_ =	sdelay $0x4  }
0x38: {  	v58 =	vshll.u32 v3, $0x1  }
0x39: {  	v3 =	vand.u32 $0x7, v3;
	v4 =	vand.u32 $0xFFFFFFF0, v58  }
0x3a: {  	v3 =	vor.u32 v3, v4  }
0x3b: {  	v4 =	vperm.xlane v3, v0;
	_ =	sdelay $0x1  }
0x3c: {  	v3 =	vperm.xlane v3, v2;
	v4 =	vadd.s32 v1, v4;
	_ =	sdelay $0x1  }
0x3d: {  	v3 =	vadd.s32 v1, v3;
	_ =	sdelay $0x1  }
0x3e: {  	s30 =	simm.s32 $0x2100  }
0x3f: {  	[tilespmem:s30], [sflag:$0x1] =	stream.indirect_vreg.gather [hbm4b:s3+s2], $0x80, v4, vm0, $0xb8;
	[tilespmem:$0x10100] =	vst v63  }
0x40: {  	s31 =	simm.s32 $0x2900  }
0x41: {  	[tilespmem:s31], [sflag:$0x1] =	stream.indirect_vreg.gather [hbm4b:s3+s2], $0x80, v3, vm0, $0xb8;
	[tilespmem:$0x10100] =	vst v63  }
0x42: {  	v3 =	vld [tilespmem:$0x30];
	_ =	sdelay $0x4  }
0x43: {  	v59 =	vshll.u32 v3, $0x1  }
0x44: {  	v3 =	vand.u32 $0x7, v3;
	v4 =	vand.u32 $0xFFFFFFF0, v59  }
0x45: {  	v3 =	vor.u32 v3, v4  }
0x46: {  	v4 =	vperm.xlane v3, v0;
	_ =	sdelay $0x1  }
0x47: {  	v3 =	vperm.xlane v3, v2;
	v4 =	vadd.s32 v1, v4;
	_ =	sdelay $0x1  }
0x48: {  	v3 =	vadd.s32 v1, v3;
	_ =	sdelay $0x1  }
0x49: {  	s1 =	simm.s32 $0x3100  }
0x4a: {  	[tilespmem:s1], [sflag:$0x1] =	stream.indirect_vreg.gather [hbm4b:s3+s2], $0x80, v4, vm0, $0xb8;
	[tilespmem:$0x10100] =	vst v63  }
0x4b: {  	s9 =	simm.s32 $0x3900  }
0x4c: {  	[tilespmem:s9], [sflag:$0x1] =	stream.indirect_vreg.gather [hbm4b:s3+s2], $0x80, v3, vm0, $0xb8;
	[tilespmem:$0x10100] =	vst v63  }
0x4d: {  	v3 =	vld [tilespmem:$0x40];
	_ =	sdelay $0x4  }
0x4e: {  	v60 =	vshll.u32 v3, $0x1  }
0x4f: {  	v3 =	vand.u32 $0x7, v3;
	v4 =	vand.u32 $0xFFFFFFF0, v60  }
0x50: {  	v3 =	vor.u32 v3, v4  }
0x51: {  	v4 =	vperm.xlane v3, v0;
	_ =	sdelay $0x1  }
0x52: {  	v3 =	vperm.xlane v3, v2;
	v4 =	vadd.s32 v1, v4;
	_ =	sdelay $0x1  }
0x53: {  	v3 =	vadd.s32 v1, v3;
	_ =	sdelay $0x1  }
0x54: {  	s10 =	simm.s32 $0x4100  }
0x55: {  	[tilespmem:s10], [sflag:$0x1] =	stream.indirect_vreg.gather [hbm4b:s3+s2], $0x80, v4, vm0, $0xb8;
	[tilespmem:$0x10100] =	vst v63  }
0x56: {  	s11 =	simm.s32 $0x4900  }
0x57: {  	[tilespmem:s11], [sflag:$0x1] =	stream.indirect_vreg.gather [hbm4b:s3+s2], $0x80, v3, vm0, $0xb8;
	[tilespmem:$0x10100] =	vst v63  }
0x58: {  	v3 =	vld [tilespmem:$0x50];
	_ =	sdelay $0x4  }
0x59: {  	v61 =	vshll.u32 v3, $0x1  }
0x5a: {  	v3 =	vand.u32 $0x7, v3;
	v4 =	vand.u32 $0xFFFFFFF0, v61  }
0x5b: {  	v3 =	vor.u32 v3, v4  }
0x5c: {  	v4 =	vperm.xlane v3, v0;
	_ =	sdelay $0x1  }
0x5d: {  	v3 =	vperm.xlane v3, v2;
	v4 =	vadd.s32 v1, v4;
	_ =	sdelay $0x1  }
0x5e: {  	v3 =	vadd.s32 v1, v3;
	_ =	sdelay $0x1  }
0x5f: {  	s12 =	simm.s32 $0x5100  }
0x60: {  	[tilespmem:s12], [sflag:$0x1] =	stream.indirect_vreg.gather [hbm4b:s3+s2], $0x80, v4, vm0, $0xb8;
	[tilespmem:$0x10100] =	vst v63  }
0x61: {  	s17 =	simm.s32 $0x5900  }
0x62: {  	[tilespmem:s17], [sflag:$0x1] =	stream.indirect_vreg.gather [hbm4b:s3+s2], $0x80, v3, vm0, $0xb8;
	[tilespmem:$0x10100] =	vst v63  }
0x63: {  	v3 =	vld [tilespmem:$0x60];
	_ =	sdelay $0x4  }
0x64: {  	v62 =	vshll.u32 v3, $0x1  }
0x65: {  	v3 =	vand.u32 $0x7, v3;
	v4 =	vand.u32 $0xFFFFFFF0, v62  }
0x66: {  	v3 =	vor.u32 v3, v4  }
0x67: {  	v4 =	vperm.xlane v3, v0;
	_ =	sdelay $0x1  }
0x68: {  	v3 =	vperm.xlane v3, v2;
	v4 =	vadd.s32 v1, v4;
	_ =	sdelay $0x1  }
0x69: {  	v3 =	vadd.s32 v1, v3;
	_ =	sdelay $0x1  }
0x6a: {  	s18 =	simm.s32 $0x6100  }
0x6b: {  	[tilespmem:s18], [sflag:$0x1] =	stream.indirect_vreg.gather [hbm4b:s3+s2], $0x80, v4, vm0, $0xb8;
	[tilespmem:$0x10100] =	vst v63  }
0x6c: {  	s19 =	simm.s32 $0x6900  }
0x6d: {  	[tilespmem:s19], [sflag:$0x1] =	stream.indirect_vreg.gather [hbm4b:s3+s2], $0x80, v3, vm0, $0xb8;
	[tilespmem:$0x10100] =	vst v63  }
0x6e: {  	v3 =	vld [tilespmem:$0x70];
	_ =	sdelay $0x4  }
0x6f: {  	v63 =	vshll.u32 v3, $0x1  }
0x70: {  	v3 =	vand.u32 $0x7, v3;
	v4 =	vand.u32 $0xFFFFFFF0, v63  }
0x71: {  	v3 =	vor.u32 v3, v4  }
0x72: {  	v4 =	vperm.xlane v3, v0;
	_ =	sdelay $0x1  }
0x73: {  	v3 =	vperm.xlane v3, v2;
	v4 =	vadd.s32 v1, v4;
	_ =	sdelay $0x1  }
0x74: {  	v3 =	vadd.s32 v1, v3;
	_ =	sdelay $0x1  }
0x75: {  	s20 =	simm.s32 $0x7100  }
0x76: {  	[tilespmem:s20], [sflag:$0x1] =	stream.indirect_vreg.gather [hbm4b:s3+s2], $0x80, v4, vm0, $0xb8;
	[tilespmem:$0x10100] =	vst v63  }
0x77: {  	s22 =	simm.s32 $0x7900  }
0x78: {  	[tilespmem:s22], [sflag:$0x1] =	stream.indirect_vreg.gather [hbm4b:s3+s2], $0x80, v3, vm0, $0xb8;
	[tilespmem:$0x10100] =	vst v63  }
0x79: {  	s24 =	simm.s32 $0x80;
	s21 =	rddreg [dreg:$0x4]  }
0x7a: {  	[tilespmem:s24], [sflag:$0x5] =	stream.linear.gather [hbm4b:s21+s2], $0x80, $0x38;
	[tilespmem:$0x10100] =	vst v63  }
0x7b: {  	_ =	swait.ge [sflag:s5], $0x80  }
0x7c: {  	[sflag:s5] =	ssyncset.done $0x0  }
0x7d: {  	[sflag:s5] =	ssyncadd.s32 $0xFFFFFF80  }
0x7e: {  	v3 =	vld [tilespmem:$0x80];
	_ =	sdelay $0x4  }
0x7f: {  	v8 =	vshll.u32 v3, $0x1  }
0x80: {  	v3 =	vand.u32 $0x7, v3;
	v4 =	vand.u32 $0xFFFFFFF0, v8  }
0x81: {  	v3 =	vor.u32 v3, v4  }
0x82: {  	v4 =	vperm.xlane v3, v0;
	_ =	sdelay $0x1  }
0x83: {  	v3 =	vperm.xlane v3, v2;
	v4 =	vadd.s32 v1, v4;
	_ =	sdelay $0x1  }
0x84: {  	v3 =	vadd.s32 v1, v3;
	_ =	sdelay $0x2  }
0x85: {  	[tilespmem:s23], [sflag:$0x2] =	stream.indirect_vreg.gather [hbm4b:s3+s2], $0x80, v4, vm0, $0xb8;
	[tilespmem:$0x10100] =	vst v63  }
0x86: {  	s25 =	simm.s32 $0x8900  }
0x87: {  	[tilespmem:s25], [sflag:$0x2] =	stream.indirect_vreg.gather [hbm4b:s3+s2], $0x80, v3, vm0, $0xb8;
	[tilespmem:$0x10100] =	vst v63  }
0x88: {  	v3 =	vld [tilespmem:$0x90];
	_ =	sdelay $0x4  }
0x89: {  	v9 =	vshll.u32 v3, $0x1  }
0x8a: {  	v3 =	vand.u32 $0x7, v3;
	v4 =	vand.u32 $0xFFFFFFF0, v9  }
0x8b: {  	v3 =	vor.u32 v3, v4  }
0x8c: {  	v4 =	vperm.xlane v3, v0;
	_ =	sdelay $0x1  }
0x8d: {  	v3 =	vperm.xlane v3, v2;
	v4 =	vadd.s32 v1, v4;
	_ =	sdelay $0x1  }
0x8e: {  	v3 =	vadd.s32 v1, v3;
	_ =	sdelay $0x1  }
0x8f: {  	s26 =	simm.s32 $0x9100  }
0x90: {  	[tilespmem:s26], [sflag:$0x2] =	stream.indirect_vreg.gather [hbm4b:s3+s2], $0x80, v4, vm0, $0xb8;
	[tilespmem:$0x10100] =	vst v63  }
0x91: {  	s28 =	simm.s32 $0x9900  }
0x92: {  	[tilespmem:s28], [sflag:$0x2] =	stream.indirect_vreg.gather [hbm4b:s3+s2], $0x80, v3, vm0, $0xb8;
	[tilespmem:$0x10100] =	vst v63  }
0x93: {  	v3 =	vld [tilespmem:$0xA0];
	_ =	sdelay $0x4  }
0x94: {  	v10 =	vshll.u32 v3, $0x1  }
0x95: {  	v3 =	vand.u32 $0x7, v3;
	v4 =	vand.u32 $0xFFFFFFF0, v10  }
0x96: {  	v3 =	vor.u32 v3, v4  }
0x97: {  	v4 =	vperm.xlane v3, v0;
	_ =	sdelay $0x1  }
0x98: {  	v3 =	vperm.xlane v3, v2;
	v4 =	vadd.s32 v1, v4;
	_ =	sdelay $0x1  }
0x99: {  	v3 =	vadd.s32 v1, v3;
	_ =	sdelay $0x1  }
0x9a: {  	s30 =	simm.s32 $0xA100  }
0x9b: {  	[tilespmem:s30], [sflag:$0x2] =	stream.indirect_vreg.gather [hbm4b:s3+s2], $0x80, v4, vm0, $0xb8;
	[tilespmem:$0x10100] =	vst v63  }
0x9c: {  	s31 =	simm.s32 $0xA900  }
0x9d: {  	[tilespmem:s31], [sflag:$0x2] =	stream.indirect_vreg.gather [hbm4b:s3+s2], $0x80, v3, vm0, $0xb8;
	[tilespmem:$0x10100] =	vst v63  }
0x9e: {  	v3 =	vld [tilespmem:$0xB0];
	_ =	sdelay $0x4  }
0x9f: {  	v11 =	vshll.u32 v3, $0x1  }
0xa0: {  	v3 =	vand.u32 $0x7, v3;
	v4 =	vand.u32 $0xFFFFFFF0, v11  }
0xa1: {  	v3 =	vor.u32 v3, v4  }
0xa2: {  	v4 =	vperm.xlane v3, v0;
	_ =	sdelay $0x1  }
0xa3: {  	v3 =	vperm.xlane v3, v2;
	v4 =	vadd.s32 v1, v4;
	_ =	sdelay $0x1  }
0xa4: {  	v3 =	vadd.s32 v1, v3;
	_ =	sdelay $0x1  }
0xa5: {  	s0 =	simm.s32 $0xB100  }
0xa6: {  	[tilespmem:s0], [sflag:$0x2] =	stream.indirect_vreg.gather [hbm4b:s3+s2], $0x80, v4, vm0, $0xb8;
	[tilespmem:$0x10100] =	vst v63  }
0xa7: {  	s18 =	simm.s32 $0xB900  }
0xa8: {  	[tilespmem:s18], [sflag:$0x2] =	stream.indirect_vreg.gather [hbm4b:s3+s2], $0x80, v3, vm0, $0xb8;
	[tilespmem:$0x10100] =	vst v63  }
0xa9: {  	v3 =	vld [tilespmem:$0xC0];
	_ =	sdelay $0x4  }
0xaa: {  	v12 =	vshll.u32 v3, $0x1  }
0xab: {  	v3 =	vand.u32 $0x7, v3;
	v4 =	vand.u32 $0xFFFFFFF0, v12  }
0xac: {  	v3 =	vor.u32 v3, v4  }
0xad: {  	v4 =	vperm.xlane v3, v0;
	_ =	sdelay $0x1  }
0xae: {  	v3 =	vperm.xlane v3, v2;
	v4 =	vadd.s32 v1, v4;
	_ =	sdelay $0x1  }
0xaf: {  	v3 =	vadd.s32 v1, v3;
	_ =	sdelay $0x1  }
0xb0: {  	s19 =	simm.s32 $0xC100  }
0xb1: {  	[tilespmem:s19], [sflag:$0x2] =	stream.indirect_vreg.gather [hbm4b:s3+s2], $0x80, v4, vm0, $0xb8;
	[tilespmem:$0x10100] =	vst v63  }
0xb2: {  	s21 =	simm.s32 $0xC900  }
0xb3: {  	[tilespmem:s21], [sflag:$0x2] =	stream.indirect_vreg.gather [hbm4b:s3+s2], $0x80, v3, vm0, $0xb8;
	[tilespmem:$0x10100] =	vst v63  }
0xb4: {  	v3 =	vld [tilespmem:$0xD0];
	_ =	sdelay $0x4  }
0xb5: {  	v13 =	vshll.u32 v3, $0x1  }
0xb6: {  	v3 =	vand.u32 $0x7, v3;
	v4 =	vand.u32 $0xFFFFFFF0, v13  }
0xb7: {  	v3 =	vor.u32 v3, v4  }
0xb8: {  	v4 =	vperm.xlane v3, v0;
	_ =	sdelay $0x1  }
0xb9: {  	v3 =	vperm.xlane v3, v2;
	v4 =	vadd.s32 v1, v4;
	_ =	sdelay $0x1  }
0xba: {  	v3 =	vadd.s32 v1, v3;
	_ =	sdelay $0x1  }
0xbb: {  	s22 =	simm.s32 $0xD100  }
0xbc: {  	[tilespmem:s22], [sflag:$0x2] =	stream.indirect_vreg.gather [hbm4b:s3+s2], $0x80, v4, vm0, $0xb8;
	[tilespmem:$0x10100] =	vst v63  }
0xbd: {  	s24 =	simm.s32 $0xD900  }
0xbe: {  	[tilespmem:s24], [sflag:$0x2] =	stream.indirect_vreg.gather [hbm4b:s3+s2], $0x80, v3, vm0, $0xb8;
	[tilespmem:$0x10100] =	vst v63  }
0xbf: {  	v3 =	vld [tilespmem:$0xE0];
	_ =	sdelay $0x4  }
0xc0: {  	v14 =	vshll.u32 v3, $0x1  }
0xc1: {  	v3 =	vand.u32 $0x7, v3;
	v4 =	vand.u32 $0xFFFFFFF0, v14  }
0xc2: {  	v3 =	vor.u32 v3, v4  }
0xc3: {  	v4 =	vperm.xlane v3, v0;
	_ =	sdelay $0x1  }
0xc4: {  	v3 =	vperm.xlane v3, v2;
	v4 =	vadd.s32 v1, v4;
	_ =	sdelay $0x1  }
0xc5: {  	v3 =	vadd.s32 v1, v3;
	_ =	sdelay $0x1  }
0xc6: {  	s25 =	simm.s32 $0xE100  }
0xc7: {  	[tilespmem:s25], [sflag:$0x2] =	stream.indirect_vreg.gather [hbm4b:s3+s2], $0x80, v4, vm0, $0xb8;
	[tilespmem:$0x10100] =	vst v63  }
0xc8: {  	s31 =	simm.s32 $0xE900  }
0xc9: {  	[tilespmem:s31], [sflag:$0x2] =	stream.indirect_vreg.gather [hbm4b:s3+s2], $0x80, v3, vm0, $0xb8;
	[tilespmem:$0x10100] =	vst v63  }
0xca: {  	v3 =	vld [tilespmem:$0xF0];
	_ =	sdelay $0x4  }
0xcb: {  	v15 =	vshll.u32 v3, $0x1  }
0xcc: {  	v3 =	vand.u32 $0x7, v3;
	v4 =	vand.u32 $0xFFFFFFF0, v15  }
0xcd: {  	v3 =	vor.u32 v3, v4  }
0xce: {  	v4 =	vperm.xlane v3, v0;
	_ =	sdelay $0x1  }
0xcf: {  	v3 =	vperm.xlane v3, v2;
	v4 =	vadd.s32 v1, v4;
	_ =	sdelay $0x1  }
0xd0: {  	v3 =	vadd.s32 v1, v3;
	_ =	sdelay $0x1  }
0xd1: {  	s0 =	simm.s32 $0xF100  }
0xd2: {  	[tilespmem:s0], [sflag:$0x2] =	stream.indirect_vreg.gather [hbm4b:s3+s2], $0x80, v4, vm0, $0xb8;
	[tilespmem:$0x10100] =	vst v63  }
0xd3: {  	s18 =	simm.s32 $0xF900  }
0xd4: {  	[tilespmem:s18], [sflag:$0x2] =	stream.indirect_vreg.gather [hbm4b:s3+s2], $0x80, v3, vm0, $0xb8;
	[tilespmem:$0x10100] =	vst v63  }
0xd5: {  	_ =	swait.ge [sflag:s13], $0x8000  }
0xd6: {  	[sflag:s13] =	ssyncset.done $0x0  }
0xd7: {  	s19 =	rddreg [dreg:$0x5];
	[sflag:s13] =	ssyncadd.s32 $0xFFFF8000  }
0xd8: {  	[hbm4b:s19+s2] =	stream.linear.scatter [tilespmem:s29], [sflag:$0x3], $0x8000, $0x38;
	[tilespmem:$0x10100] =	vst v63  }
0xd9: {  	s18 =	rddreg [dreg:$0x6]  }
0xda: {  	[tilespmem:s2], [sflag:$0x5] =	stream.linear.gather [hbm4b:s18+s2], $0x80, $0x38;
	[tilespmem:$0x10100] =	vst v63  }
0xdb: {  	_ =	swait.ge [sflag:s5], $0x80  }
0xdc: {  	[sflag:s5] =	ssyncset.done $0x0  }
0xdd: {  	[sflag:s5] =	ssyncadd.s32 $0xFFFFFF80  }
0xde: {  	_ =	swait.ge [sflag:s14], $0x8000  }
0xdf: {  	[sflag:s14] =	ssyncset.done $0x0  }
0xe0: {  	[sflag:s14] =	ssyncadd.s32 $0xFFFF8000  }
0xe1: {  	v3 =	vld [tilespmem:$0x0];
	_ =	sdelay $0x4  }
0xe2: {  	v16 =	vshll.u32 v3, $0x1  }
0xe3: {  	v3 =	vand.u32 $0x7, v3;
	v4 =	vand.u32 $0xFFFFFFF0, v16  }
0xe4: {  	v3 =	vor.u32 v3, v4  }
0xe5: {  	v4 =	vperm.xlane v3, v0;
	_ =	sdelay $0x1  }
0xe6: {  	v3 =	vperm.xlane v3, v2;
	v4 =	vadd.s32 v1, v4;
	_ =	sdelay $0x1  }
0xe7: {  	v3 =	vadd.s32 v1, v3;
	_ =	sdelay $0x2  }
0xe8: {  	[tilespmem:s29], [sflag:$0x1] =	stream.indirect_vreg.gather [hbm4b:s3+s2], $0x80, v4, vm0, $0xb8;
	[tilespmem:$0x10100] =	vst v63  }
0xe9: {  	s6 =	simm.s32 $0x900  }
0xea: {  	[tilespmem:s6], [sflag:$0x1] =	stream.indirect_vreg.gather [hbm4b:s3+s2], $0x80, v3, vm0, $0xb8;
	[tilespmem:$0x10100] =	vst v63  }
0xeb: {  	v3 =	vld [tilespmem:$0x10];
	_ =	sdelay $0x4  }
0xec: {  	v17 =	vshll.u32 v3, $0x1  }
0xed: {  	v3 =	vand.u32 $0x7, v3;
	v4 =	vand.u32 $0xFFFFFFF0, v17  }
0xee: {  	v3 =	vor.u32 v3, v4  }
0xef: {  	v4 =	vperm.xlane v3, v0;
	_ =	sdelay $0x1  }
0xf0: {  	v3 =	vperm.xlane v3, v2;
	v4 =	vadd.s32 v1, v4;
	_ =	sdelay $0x1  }
0xf1: {  	v3 =	vadd.s32 v1, v3;
	_ =	sdelay $0x1  }
0xf2: {  	s6 =	simm.s32 $0x1100  }
0xf3: {  	[tilespmem:s6], [sflag:$0x1] =	stream.indirect_vreg.gather [hbm4b:s3+s2], $0x80, v4, vm0, $0xb8;
	[tilespmem:$0x10100] =	vst v63  }
0xf4: {  	s7 =	simm.s32 $0x1900  }
0xf5: {  	[tilespmem:s7], [sflag:$0x1] =	stream.indirect_vreg.gather [hbm4b:s3+s2], $0x80, v3, vm0, $0xb8;
	[tilespmem:$0x10100] =	vst v63  }
0xf6: {  	v3 =	vld [tilespmem:$0x20];
	_ =	sdelay $0x4  }
0xf7: {  	v18 =	vshll.u32 v3, $0x1  }
0xf8: {  	v3 =	vand.u32 $0x7, v3;
	v4 =	vand.u32 $0xFFFFFFF0, v18  }
0xf9: {  	v3 =	vor.u32 v3, v4  }
0xfa: {  	v4 =	vperm.xlane v3, v0;
	_ =	sdelay $0x1  }
0xfb: {  	v3 =	vperm.xlane v3, v2;
	v4 =	vadd.s32 v1, v4;
	_ =	sdelay $0x1  }
0xfc: {  	v3 =	vadd.s32 v1, v3;
	_ =	sdelay $0x1  }
0xfd: {  	s7 =	simm.s32 $0x2100  }
0xfe: {  	[tilespmem:s7], [sflag:$0x1] =	stream.indirect_vreg.gather [hbm4b:s3+s2], $0x80, v4, vm0, $0xb8;
	[tilespmem:$0x10100] =	vst v63  }
0xff: {  	s8 =	simm.s32 $0x2900  }
0x100: {  	[tilespmem:s8], [sflag:$0x1] =	stream.indirect_vreg.gather [hbm4b:s3+s2], $0x80, v3, vm0, $0xb8;
	[tilespmem:$0x10100] =	vst v63  }
0x101: {  	v3 =	vld [tilespmem:$0x30];
	_ =	sdelay $0x4  }
0x102: {  	v19 =	vshll.u32 v3, $0x1  }
0x103: {  	v3 =	vand.u32 $0x7, v3;
	v4 =	vand.u32 $0xFFFFFFF0, v19  }
0x104: {  	v3 =	vor.u32 v3, v4  }
0x105: {  	v4 =	vperm.xlane v3, v0;
	_ =	sdelay $0x1  }
0x106: {  	v3 =	vperm.xlane v3, v2;
	v4 =	vadd.s32 v1, v4;
	_ =	sdelay $0x1  }
0x107: {  	v3 =	vadd.s32 v1, v3;
	_ =	sdelay $0x1  }
0x108: {  	s8 =	simm.s32 $0x3100  }
0x109: {  	[tilespmem:s8], [sflag:$0x1] =	stream.indirect_vreg.gather [hbm4b:s3+s2], $0x80, v4, vm0, $0xb8;
	[tilespmem:$0x10100] =	vst v63  }
0x10a: {  	s9 =	simm.s32 $0x3900  }
0x10b: {  	[tilespmem:s9], [sflag:$0x1] =	stream.indirect_vreg.gather [hbm4b:s3+s2], $0x80, v3, vm0, $0xb8;
	[tilespmem:$0x10100] =	vst v63  }
0x10c: {  	v3 =	vld [tilespmem:$0x40];
	_ =	sdelay $0x4  }
0x10d: {  	v20 =	vshll.u32 v3, $0x1  }
0x10e: {  	v3 =	vand.u32 $0x7, v3;
	v4 =	vand.u32 $0xFFFFFFF0, v20  }
0x10f: {  	v3 =	vor.u32 v3, v4  }
0x110: {  	v4 =	vperm.xlane v3, v0;
	_ =	sdelay $0x1  }
0x111: {  	v3 =	vperm.xlane v3, v2;
	v4 =	vadd.s32 v1, v4;
	_ =	sdelay $0x1  }
0x112: {  	v3 =	vadd.s32 v1, v3;
	_ =	sdelay $0x1  }
0x113: {  	s9 =	simm.s32 $0x4100  }
0x114: {  	[tilespmem:s9], [sflag:$0x1] =	stream.indirect_vreg.gather [hbm4b:s3+s2], $0x80, v4, vm0, $0xb8;
	[tilespmem:$0x10100] =	vst v63  }
0x115: {  	s11 =	simm.s32 $0x4900  }
0x116: {  	[tilespmem:s11], [sflag:$0x1] =	stream.indirect_vreg.gather [hbm4b:s3+s2], $0x80, v3, vm0, $0xb8;
	[tilespmem:$0x10100] =	vst v63  }
0x117: {  	v3 =	vld [tilespmem:$0x50];
	_ =	sdelay $0x4  }
0x118: {  	v21 =	vshll.u32 v3, $0x1  }
0x119: {  	v3 =	vand.u32 $0x7, v3;
	v4 =	vand.u32 $0xFFFFFFF0, v21  }
0x11a: {  	v3 =	vor.u32 v3, v4  }
0x11b: {  	v4 =	vperm.xlane v3, v0;
	_ =	sdelay $0x1  }
0x11c: {  	v3 =	vperm.xlane v3, v2;
	v4 =	vadd.s32 v1, v4;
	_ =	sdelay $0x1  }
0x11d: {  	v3 =	vadd.s32 v1, v3;
	_ =	sdelay $0x1  }
0x11e: {  	s10 =	simm.s32 $0x5100  }
0x11f: {  	[tilespmem:s10], [sflag:$0x1] =	stream.indirect_vreg.gather [hbm4b:s3+s2], $0x80, v4, vm0, $0xb8;
	[tilespmem:$0x10100] =	vst v63  }
0x120: {  	s12 =	simm.s32 $0x5900  }
0x121: {  	[tilespmem:s12], [sflag:$0x1] =	stream.indirect_vreg.gather [hbm4b:s3+s2], $0x80, v3, vm0, $0xb8;
	[tilespmem:$0x10100] =	vst v63  }
0x122: {  	v3 =	vld [tilespmem:$0x60];
	_ =	sdelay $0x4  }
0x123: {  	v22 =	vshll.u32 v3, $0x1  }
0x124: {  	v3 =	vand.u32 $0x7, v3;
	v4 =	vand.u32 $0xFFFFFFF0, v22  }
0x125: {  	v3 =	vor.u32 v3, v4  }
0x126: {  	v4 =	vperm.xlane v3, v0;
	_ =	sdelay $0x1  }
0x127: {  	v3 =	vperm.xlane v3, v2;
	v4 =	vadd.s32 v1, v4;
	_ =	sdelay $0x1  }
0x128: {  	v3 =	vadd.s32 v1, v3;
	_ =	sdelay $0x1  }
0x129: {  	s10 =	simm.s32 $0x6100  }
0x12a: {  	[tilespmem:s10], [sflag:$0x1] =	stream.indirect_vreg.gather [hbm4b:s3+s2], $0x80, v4, vm0, $0xb8;
	[tilespmem:$0x10100] =	vst v63  }
0x12b: {  	s11 =	simm.s32 $0x6900  }
0x12c: {  	[tilespmem:s11], [sflag:$0x1] =	stream.indirect_vreg.gather [hbm4b:s3+s2], $0x80, v3, vm0, $0xb8;
	[tilespmem:$0x10100] =	vst v63  }
0x12d: {  	v3 =	vld [tilespmem:$0x70];
	_ =	sdelay $0x4  }
0x12e: {  	v23 =	vshll.u32 v3, $0x1  }
0x12f: {  	v3 =	vand.u32 $0x7, v3;
	v4 =	vand.u32 $0xFFFFFFF0, v23  }
0x130: {  	v3 =	vor.u32 v3, v4  }
0x131: {  	v4 =	vperm.xlane v3, v0;
	_ =	sdelay $0x1  }
0x132: {  	v3 =	vperm.xlane v3, v2;
	v4 =	vadd.s32 v1, v4;
	_ =	sdelay $0x1  }
0x133: {  	v3 =	vadd.s32 v1, v3;
	_ =	sdelay $0x1  }
0x134: {  	s12 =	simm.s32 $0x7100  }
0x135: {  	[tilespmem:s12], [sflag:$0x1] =	stream.indirect_vreg.gather [hbm4b:s3+s2], $0x80, v4, vm0, $0xb8;
	[tilespmem:$0x10100] =	vst v63  }
0x136: {  	s19 =	simm.s32 $0x7900  }
0x137: {  	[tilespmem:s19], [sflag:$0x1] =	stream.indirect_vreg.gather [hbm4b:s3+s2], $0x80, v3, vm0, $0xb8;
	[tilespmem:$0x10100] =	vst v63  }
0x138: {  	_ =	swait.ge [sflag:s15], $0x8000  }
0x139: {  	[sflag:s15] =	ssyncset.done $0x0  }
0x13a: {  	s31 =	rddreg [dreg:$0x7];
	[sflag:s15] =	ssyncadd.s32 $0xFFFF8000  }
0x13b: {  	[hbm4b:s31+s2] =	stream.linear.scatter [tilespmem:s23], [sflag:$0x4], $0x8000, $0x38;
	[tilespmem:$0x10100] =	vst v63  }
0x13c: {  	s1 =	simm.s32 $0x80;
	s0 =	rddreg [dreg:$0x8]  }
0x13d: {  	[tilespmem:s1], [sflag:$0x5] =	stream.linear.gather [hbm4b:s0+s2], $0x80, $0x38;
	[tilespmem:$0x10100] =	vst v63  }
0x13e: {  	_ =	swait.ge [sflag:s5], $0x80  }
0x13f: {  	[sflag:s5] =	ssyncset.done $0x0  }
0x140: {  	[sflag:s5] =	ssyncadd.s32 $0xFFFFFF80  }
0x141: {  	_ =	swait.ge [sflag:s16], $0x8000  }
0x142: {  	[sflag:s16] =	ssyncset.done $0x0  }
0x143: {  	[sflag:s16] =	ssyncadd.s32 $0xFFFF8000  }
0x144: {  	v3 =	vld [tilespmem:$0x80];
	_ =	sdelay $0x4  }
0x145: {  	v24 =	vshll.u32 v3, $0x1  }
0x146: {  	v3 =	vand.u32 $0x7, v3;
	v4 =	vand.u32 $0xFFFFFFF0, v24  }
0x147: {  	v3 =	vor.u32 v3, v4  }
0x148: {  	v4 =	vperm.xlane v3, v0;
	_ =	sdelay $0x1  }
0x149: {  	v3 =	vperm.xlane v3, v2;
	v4 =	vadd.s32 v1, v4;
	_ =	sdelay $0x1  }
0x14a: {  	v3 =	vadd.s32 v1, v3;
	_ =	sdelay $0x2  }
0x14b: {  	[tilespmem:s23], [sflag:$0x2] =	stream.indirect_vreg.gather [hbm4b:s3+s2], $0x80, v4, vm0, $0xb8;
	[tilespmem:$0x10100] =	vst v63  }
0x14c: {  	s1 =	simm.s32 $0x8900  }
0x14d: {  	[tilespmem:s1], [sflag:$0x2] =	stream.indirect_vreg.gather [hbm4b:s3+s2], $0x80, v3, vm0, $0xb8;
	[tilespmem:$0x10100] =	vst v63  }
0x14e: {  	v3 =	vld [tilespmem:$0x90];
	_ =	sdelay $0x4  }
0x14f: {  	v25 =	vshll.u32 v3, $0x1  }
0x150: {  	v3 =	vand.u32 $0x7, v3;
	v4 =	vand.u32 $0xFFFFFFF0, v25  }
0x151: {  	v3 =	vor.u32 v3, v4  }
0x152: {  	v4 =	vperm.xlane v3, v0;
	_ =	sdelay $0x1  }
0x153: {  	v3 =	vperm.xlane v3, v2;
	v4 =	vadd.s32 v1, v4;
	_ =	sdelay $0x1  }
0x154: {  	v3 =	vadd.s32 v1, v3;
	_ =	sdelay $0x1  }
0x155: {  	s0 =	simm.s32 $0x9100  }
0x156: {  	[tilespmem:s0], [sflag:$0x2] =	stream.indirect_vreg.gather [hbm4b:s3+s2], $0x80, v4, vm0, $0xb8;
	[tilespmem:$0x10100] =	vst v63  }
0x157: {  	s28 =	simm.s32 $0x9900  }
0x158: {  	[tilespmem:s28], [sflag:$0x2] =	stream.indirect_vreg.gather [hbm4b:s3+s2], $0x80, v3, vm0, $0xb8;
	[tilespmem:$0x10100] =	vst v63  }
0x159: {  	v3 =	vld [tilespmem:$0xA0];
	_ =	sdelay $0x4  }
0x15a: {  	v26 =	vshll.u32 v3, $0x1  }
0x15b: {  	v3 =	vand.u32 $0x7, v3;
	v4 =	vand.u32 $0xFFFFFFF0, v26  }
0x15c: {  	v3 =	vor.u32 v3, v4  }
0x15d: {  	v4 =	vperm.xlane v3, v0;
	_ =	sdelay $0x1  }
0x15e: {  	v3 =	vperm.xlane v3, v2;
	v4 =	vadd.s32 v1, v4;
	_ =	sdelay $0x1  }
0x15f: {  	v3 =	vadd.s32 v1, v3;
	_ =	sdelay $0x1  }
0x160: {  	s30 =	simm.s32 $0xA100  }
0x161: {  	[tilespmem:s30], [sflag:$0x2] =	stream.indirect_vreg.gather [hbm4b:s3+s2], $0x80, v4, vm0, $0xb8;
	[tilespmem:$0x10100] =	vst v63  }
0x162: {  	s26 =	simm.s32 $0xA900  }
0x163: {  	[tilespmem:s26], [sflag:$0x2] =	stream.indirect_vreg.gather [hbm4b:s3+s2], $0x80, v3, vm0, $0xb8;
	[tilespmem:$0x10100] =	vst v63  }
0x164: {  	v3 =	vld [tilespmem:$0xB0];
	_ =	sdelay $0x4  }
0x165: {  	v27 =	vshll.u32 v3, $0x1  }
0x166: {  	v3 =	vand.u32 $0x7, v3;
	v4 =	vand.u32 $0xFFFFFFF0, v27  }
0x167: {  	v3 =	vor.u32 v3, v4  }
0x168: {  	v4 =	vperm.xlane v3, v0;
	_ =	sdelay $0x1  }
0x169: {  	v3 =	vperm.xlane v3, v2;
	v4 =	vadd.s32 v1, v4;
	_ =	sdelay $0x1  }
0x16a: {  	v3 =	vadd.s32 v1, v3;
	_ =	sdelay $0x1  }
0x16b: {  	s18 =	simm.s32 $0xB100  }
0x16c: {  	[tilespmem:s18], [sflag:$0x2] =	stream.indirect_vreg.gather [hbm4b:s3+s2], $0x80, v4, vm0, $0xb8;
	[tilespmem:$0x10100] =	vst v63  }
0x16d: {  	s20 =	simm.s32 $0xB900  }
0x16e: {  	[tilespmem:s20], [sflag:$0x2] =	stream.indirect_vreg.gather [hbm4b:s3+s2], $0x80, v3, vm0, $0xb8;
	[tilespmem:$0x10100] =	vst v63  }
0x16f: {  	v3 =	vld [tilespmem:$0xC0];
	_ =	sdelay $0x4  }
0x170: {  	v28 =	vshll.u32 v3, $0x1  }
0x171: {  	v3 =	vand.u32 $0x7, v3;
	v4 =	vand.u32 $0xFFFFFFF0, v28  }
0x172: {  	v3 =	vor.u32 v3, v4  }
0x173: {  	v4 =	vperm.xlane v3, v0;
	_ =	sdelay $0x1  }
0x174: {  	v3 =	vperm.xlane v3, v2;
	v4 =	vadd.s32 v1, v4;
	_ =	sdelay $0x1  }
0x175: {  	v3 =	vadd.s32 v1, v3;
	_ =	sdelay $0x1  }
0x176: {  	s20 =	simm.s32 $0xC100  }
0x177: {  	[tilespmem:s20], [sflag:$0x2] =	stream.indirect_vreg.gather [hbm4b:s3+s2], $0x80, v4, vm0, $0xb8;
	[tilespmem:$0x10100] =	vst v63  }
0x178: {  	s21 =	simm.s32 $0xC900  }
0x179: {  	[tilespmem:s21], [sflag:$0x2] =	stream.indirect_vreg.gather [hbm4b:s3+s2], $0x80, v3, vm0, $0xb8;
	[tilespmem:$0x10100] =	vst v63  }
0x17a: {  	v3 =	vld [tilespmem:$0xD0];
	_ =	sdelay $0x4  }
0x17b: {  	v29 =	vshll.u32 v3, $0x1  }
0x17c: {  	v3 =	vand.u32 $0x7, v3;
	v4 =	vand.u32 $0xFFFFFFF0, v29  }
0x17d: {  	v3 =	vor.u32 v3, v4  }
0x17e: {  	v4 =	vperm.xlane v3, v0;
	_ =	sdelay $0x1  }
0x17f: {  	v3 =	vperm.xlane v3, v2;
	v4 =	vadd.s32 v1, v4;
	_ =	sdelay $0x1  }
0x180: {  	v3 =	vadd.s32 v1, v3;
	_ =	sdelay $0x1  }
0x181: {  	s21 =	simm.s32 $0xD100  }
0x182: {  	[tilespmem:s21], [sflag:$0x2] =	stream.indirect_vreg.gather [hbm4b:s3+s2], $0x80, v4, vm0, $0xb8;
	[tilespmem:$0x10100] =	vst v63  }
0x183: {  	s22 =	simm.s32 $0xD900  }
0x184: {  	[tilespmem:s22], [sflag:$0x2] =	stream.indirect_vreg.gather [hbm4b:s3+s2], $0x80, v3, vm0, $0xb8;
	[tilespmem:$0x10100] =	vst v63  }
0x185: {  	v3 =	vld [tilespmem:$0xE0];
	_ =	sdelay $0x4  }
0x186: {  	v30 =	vshll.u32 v3, $0x1  }
0x187: {  	v3 =	vand.u32 $0x7, v3;
	v4 =	vand.u32 $0xFFFFFFF0, v30  }
0x188: {  	v3 =	vor.u32 v3, v4  }
0x189: {  	v4 =	vperm.xlane v3, v0;
	_ =	sdelay $0x1  }
0x18a: {  	v3 =	vperm.xlane v3, v2;
	v4 =	vadd.s32 v1, v4;
	_ =	sdelay $0x1  }
0x18b: {  	v3 =	vadd.s32 v1, v3;
	_ =	sdelay $0x1  }
0x18c: {  	s22 =	simm.s32 $0xE100  }
0x18d: {  	[tilespmem:s22], [sflag:$0x2] =	stream.indirect_vreg.gather [hbm4b:s3+s2], $0x80, v4, vm0, $0xb8;
	[tilespmem:$0x10100] =	vst v63  }
0x18e: {  	s24 =	simm.s32 $0xE900  }
0x18f: {  	[tilespmem:s24], [sflag:$0x2] =	stream.indirect_vreg.gather [hbm4b:s3+s2], $0x80, v3, vm0, $0xb8;
	[tilespmem:$0x10100] =	vst v63  }
0x190: {  	v3 =	vld [tilespmem:$0xF0];
	_ =	sdelay $0x4  }
0x191: {  	v31 =	vshll.u32 v3, $0x1  }
0x192: {  	v3 =	vand.u32 $0x7, v3;
	v4 =	vand.u32 $0xFFFFFFF0, v31  }
0x193: {  	v3 =	vor.u32 v3, v4  }
0x194: {  	v4 =	vperm.xlane v3, v0;
	_ =	sdelay $0x1  }
0x195: {  	v3 =	vperm.xlane v3, v2;
	v4 =	vadd.s32 v1, v4;
	_ =	sdelay $0x1  }
0x196: {  	v3 =	vadd.s32 v1, v3;
	_ =	sdelay $0x1  }
0x197: {  	s24 =	simm.s32 $0xF100  }
0x198: {  	[tilespmem:s24], [sflag:$0x2] =	stream.indirect_vreg.gather [hbm4b:s3+s2], $0x80, v4, vm0, $0xb8;
	[tilespmem:$0x10100] =	vst v63  }
0x199: {  	s25 =	simm.s32 $0xF900  }
0x19a: {  	[tilespmem:s25], [sflag:$0x2] =	stream.indirect_vreg.gather [hbm4b:s3+s2], $0x80, v3, vm0, $0xb8;
	[tilespmem:$0x10100] =	vst v63  }
0x19b: {  	_ =	swait.ge [sflag:s13], $0x8000  }
0x19c: {  	[sflag:s13] =	ssyncset.done $0x0  }
0x19d: {  	s18 =	rddreg [dreg:$0x9];
	[sflag:s13] =	ssyncadd.s32 $0xFFFF8000  }
0x19e: {  	[hbm4b:s18+s2] =	stream.linear.scatter [tilespmem:s29], [sflag:$0x3], $0x8000, $0x38;
	[tilespmem:$0x10100] =	vst v63  }
0x19f: {  	s25 =	rddreg [dreg:$0xa]  }
0x1a0: {  	[tilespmem:s2], [sflag:$0x5] =	stream.linear.gather [hbm4b:s25+s2], $0x80, $0x38;
	[tilespmem:$0x10100] =	vst v63  }
0x1a1: {  	_ =	swait.ge [sflag:s5], $0x80  }
0x1a2: {  	[sflag:s5] =	ssyncset.done $0x0  }
0x1a3: {  	[sflag:s5] =	ssyncadd.s32 $0xFFFFFF80  }
0x1a4: {  	_ =	swait.ge [sflag:s14], $0x8000  }
0x1a5: {  	[sflag:s14] =	ssyncset.done $0x0  }
0x1a6: {  	[sflag:s14] =	ssyncadd.s32 $0xFFFF8000  }
0x1a7: {  	v3 =	vld [tilespmem:$0x0];
	_ =	sdelay $0x4  }
0x1a8: {  	v32 =	vshll.u32 v3, $0x1  }
0x1a9: {  	v3 =	vand.u32 $0x7, v3;
	v4 =	vand.u32 $0xFFFFFFF0, v32  }
0x1aa: {  	v3 =	vor.u32 v3, v4  }
0x1ab: {  	v4 =	vperm.xlane v3, v0;
	_ =	sdelay $0x1  }
0x1ac: {  	v3 =	vperm.xlane v3, v2;
	v4 =	vadd.s32 v1, v4;
	_ =	sdelay $0x1  }
0x1ad: {  	v3 =	vadd.s32 v1, v3;
	_ =	sdelay $0x2  }
0x1ae: {  	[tilespmem:s29], [sflag:$0x1] =	stream.indirect_vreg.gather [hbm4b:s3+s2], $0x80, v4, vm0, $0xb8;
	[tilespmem:$0x10100] =	vst v63  }
0x1af: {  	s18 =	simm.s32 $0x900  }
0x1b0: {  	[tilespmem:s18], [sflag:$0x1] =	stream.indirect_vreg.gather [hbm4b:s3+s2], $0x80, v3, vm0, $0xb8;
	[tilespmem:$0x10100] =	vst v63  }
0x1b1: {  	v3 =	vld [tilespmem:$0x10];
	_ =	sdelay $0x4  }
0x1b2: {  	v33 =	vshll.u32 v3, $0x1  }
0x1b3: {  	v3 =	vand.u32 $0x7, v3;
	v4 =	vand.u32 $0xFFFFFFF0, v33  }
0x1b4: {  	v3 =	vor.u32 v3, v4  }
0x1b5: {  	v4 =	vperm.xlane v3, v0;
	_ =	sdelay $0x1  }
0x1b6: {  	v3 =	vperm.xlane v3, v2;
	v4 =	vadd.s32 v1, v4;
	_ =	sdelay $0x1  }
0x1b7: {  	v3 =	vadd.s32 v1, v3;
	_ =	sdelay $0x2  }
0x1b8: {  	[tilespmem:s6], [sflag:$0x1] =	stream.indirect_vreg.gather [hbm4b:s3+s2], $0x80, v4, vm0, $0xb8;
	[tilespmem:$0x10100] =	vst v63  }
0x1b9: {  	s25 =	simm.s32 $0x1900  }
0x1ba: {  	[tilespmem:s25], [sflag:$0x1] =	stream.indirect_vreg.gather [hbm4b:s3+s2], $0x80, v3, vm0, $0xb8;
	[tilespmem:$0x10100] =	vst v63  }
0x1bb: {  	v3 =	vld [tilespmem:$0x20];
	_ =	sdelay $0x4  }
0x1bc: {  	v34 =	vshll.u32 v3, $0x1  }
0x1bd: {  	v3 =	vand.u32 $0x7, v3;
	v4 =	vand.u32 $0xFFFFFFF0, v34  }
0x1be: {  	v3 =	vor.u32 v3, v4  }
0x1bf: {  	v4 =	vperm.xlane v3, v0;
	_ =	sdelay $0x1  }
0x1c0: {  	v3 =	vperm.xlane v3, v2;
	v4 =	vadd.s32 v1, v4;
	_ =	sdelay $0x1  }
0x1c1: {  	v3 =	vadd.s32 v1, v3;
	_ =	sdelay $0x2  }
0x1c2: {  	[tilespmem:s7], [sflag:$0x1] =	stream.indirect_vreg.gather [hbm4b:s3+s2], $0x80, v4, vm0, $0xb8;
	[tilespmem:$0x10100] =	vst v63  }
0x1c3: {  	s18 =	simm.s32 $0x2900  }
0x1c4: {  	[tilespmem:s18], [sflag:$0x1] =	stream.indirect_vreg.gather [hbm4b:s3+s2], $0x80, v3, vm0, $0xb8;
	[tilespmem:$0x10100] =	vst v63  }
0x1c5: {  	v3 =	vld [tilespmem:$0x30];
	_ =	sdelay $0x4  }
0x1c6: {  	v35 =	vshll.u32 v3, $0x1  }
0x1c7: {  	v3 =	vand.u32 $0x7, v3;
	v4 =	vand.u32 $0xFFFFFFF0, v35  }
0x1c8: {  	v3 =	vor.u32 v3, v4  }
0x1c9: {  	v4 =	vperm.xlane v3, v0;
	_ =	sdelay $0x1  }
0x1ca: {  	v3 =	vperm.xlane v3, v2;
	v4 =	vadd.s32 v1, v4;
	_ =	sdelay $0x1  }
0x1cb: {  	v3 =	vadd.s32 v1, v3;
	_ =	sdelay $0x2  }
0x1cc: {  	[tilespmem:s8], [sflag:$0x1] =	stream.indirect_vreg.gather [hbm4b:s3+s2], $0x80, v4, vm0, $0xb8;
	[tilespmem:$0x10100] =	vst v63  }
0x1cd: {  	s25 =	simm.s32 $0x3900  }
0x1ce: {  	[tilespmem:s25], [sflag:$0x1] =	stream.indirect_vreg.gather [hbm4b:s3+s2], $0x80, v3, vm0, $0xb8;
	[tilespmem:$0x10100] =	vst v63  }
0x1cf: {  	v3 =	vld [tilespmem:$0x40];
	_ =	sdelay $0x4  }
0x1d0: {  	v36 =	vshll.u32 v3, $0x1  }
0x1d1: {  	v3 =	vand.u32 $0x7, v3;
	v4 =	vand.u32 $0xFFFFFFF0, v36  }
0x1d2: {  	v3 =	vor.u32 v3, v4  }
0x1d3: {  	v4 =	vperm.xlane v3, v0;
	_ =	sdelay $0x1  }
0x1d4: {  	v3 =	vperm.xlane v3, v2;
	v4 =	vadd.s32 v1, v4;
	_ =	sdelay $0x1  }
0x1d5: {  	v3 =	vadd.s32 v1, v3;
	_ =	sdelay $0x2  }
0x1d6: {  	[tilespmem:s9], [sflag:$0x1] =	stream.indirect_vreg.gather [hbm4b:s3+s2], $0x80, v4, vm0, $0xb8;
	[tilespmem:$0x10100] =	vst v63  }
0x1d7: {  	s18 =	simm.s32 $0x4900  }
0x1d8: {  	[tilespmem:s18], [sflag:$0x1] =	stream.indirect_vreg.gather [hbm4b:s3+s2], $0x80, v3, vm0, $0xb8;
	[tilespmem:$0x10100] =	vst v63  }
0x1d9: {  	v3 =	vld [tilespmem:$0x50];
	_ =	sdelay $0x4  }
0x1da: {  	v37 =	vshll.u32 v3, $0x1  }
0x1db: {  	v3 =	vand.u32 $0x7, v3;
	v4 =	vand.u32 $0xFFFFFFF0, v37  }
0x1dc: {  	v3 =	vor.u32 v3, v4  }
0x1dd: {  	v4 =	vperm.xlane v3, v0;
	_ =	sdelay $0x1  }
0x1de: {  	v3 =	vperm.xlane v3, v2;
	v4 =	vadd.s32 v1, v4;
	_ =	sdelay $0x1  }
0x1df: {  	v3 =	vadd.s32 v1, v3;
	_ =	sdelay $0x1  }
0x1e0: {  	s25 =	simm.s32 $0x5100  }
0x1e1: {  	[tilespmem:s25], [sflag:$0x1] =	stream.indirect_vreg.gather [hbm4b:s3+s2], $0x80, v4, vm0, $0xb8;
	[tilespmem:$0x10100] =	vst v63  }
0x1e2: {  	s18 =	simm.s32 $0x5900  }
0x1e3: {  	[tilespmem:s18], [sflag:$0x1] =	stream.indirect_vreg.gather [hbm4b:s3+s2], $0x80, v3, vm0, $0xb8;
	[tilespmem:$0x10100] =	vst v63  }
0x1e4: {  	v3 =	vld [tilespmem:$0x60];
	_ =	sdelay $0x4  }
0x1e5: {  	v38 =	vshll.u32 v3, $0x1  }
0x1e6: {  	v3 =	vand.u32 $0x7, v3;
	v4 =	vand.u32 $0xFFFFFFF0, v38  }
0x1e7: {  	v3 =	vor.u32 v3, v4  }
0x1e8: {  	v4 =	vperm.xlane v3, v0;
	_ =	sdelay $0x1  }
0x1e9: {  	v3 =	vperm.xlane v3, v2;
	v4 =	vadd.s32 v1, v4;
	_ =	sdelay $0x1  }
0x1ea: {  	v3 =	vadd.s32 v1, v3;
	_ =	sdelay $0x2  }
0x1eb: {  	[tilespmem:s10], [sflag:$0x1] =	stream.indirect_vreg.gather [hbm4b:s3+s2], $0x80, v4, vm0, $0xb8;
	[tilespmem:$0x10100] =	vst v63  }
0x1ec: {  	_ = 	snop  }
0x1ed: {  	[tilespmem:s11], [sflag:$0x1] =	stream.indirect_vreg.gather [hbm4b:s3+s2], $0x80, v3, vm0, $0xb8;
	[tilespmem:$0x10100] =	vst v63  }
0x1ee: {  	v3 =	vld [tilespmem:$0x70];
	_ =	sdelay $0x4  }
0x1ef: {  	v39 =	vshll.u32 v3, $0x1  }
0x1f0: {  	v3 =	vand.u32 $0x7, v3;
	v4 =	vand.u32 $0xFFFFFFF0, v39  }
0x1f1: {  	v3 =	vor.u32 v3, v4  }
0x1f2: {  	v4 =	vperm.xlane v3, v0;
	_ =	sdelay $0x1  }
0x1f3: {  	v3 =	vperm.xlane v3, v2;
	v4 =	vadd.s32 v1, v4;
	_ =	sdelay $0x1  }
0x1f4: {  	v3 =	vadd.s32 v1, v3;
	_ =	sdelay $0x2  }
0x1f5: {  	[tilespmem:s12], [sflag:$0x1] =	stream.indirect_vreg.gather [hbm4b:s3+s2], $0x80, v4, vm0, $0xb8;
	[tilespmem:$0x10100] =	vst v63  }
0x1f6: {  	_ = 	snop  }
0x1f7: {  	[tilespmem:s19], [sflag:$0x1] =	stream.indirect_vreg.gather [hbm4b:s3+s2], $0x80, v3, vm0, $0xb8;
	[tilespmem:$0x10100] =	vst v63  }
0x1f8: {  	_ =	swait.ge [sflag:s15], $0x8000  }
0x1f9: {  	[sflag:s15] =	ssyncset.done $0x0  }
0x1fa: {  	s25 =	rddreg [dreg:$0xb];
	[sflag:s15] =	ssyncadd.s32 $0xFFFF8000  }
0x1fb: {  	[hbm4b:s25+s2] =	stream.linear.scatter [tilespmem:s23], [sflag:$0x4], $0x8000, $0x38;
	[tilespmem:$0x10100] =	vst v63  }
0x1fc: {  	s18 =	rddreg [dreg:$0xc];
	s25 =	simm.s32 $0x80  }
0x1fd: {  	[tilespmem:s25], [sflag:$0x5] =	stream.linear.gather [hbm4b:s18+s2], $0x80, $0x38;
	[tilespmem:$0x10100] =	vst v63  }
0x1fe: {  	_ =	swait.ge [sflag:s5], $0x80  }
0x1ff: {  	[sflag:s5] =	ssyncset.done $0x0  }
0x200: {  	[sflag:s5] =	ssyncadd.s32 $0xFFFFFF80  }
0x201: {  	_ =	swait.ge [sflag:s16], $0x8000  }
0x202: {  	[sflag:s16] =	ssyncset.done $0x0  }
0x203: {  	[sflag:s16] =	ssyncadd.s32 $0xFFFF8000  }
0x204: {  	v3 =	vld [tilespmem:$0x80];
	_ =	sdelay $0x4  }
0x205: {  	v40 =	vshll.u32 v3, $0x1  }
0x206: {  	v3 =	vand.u32 $0x7, v3;
	v4 =	vand.u32 $0xFFFFFFF0, v40  }
0x207: {  	v3 =	vor.u32 v3, v4  }
0x208: {  	v4 =	vperm.xlane v3, v0;
	_ =	sdelay $0x1  }
0x209: {  	v3 =	vperm.xlane v3, v2;
	v4 =	vadd.s32 v1, v4;
	_ =	sdelay $0x1  }
0x20a: {  	v3 =	vadd.s32 v1, v3;
	_ =	sdelay $0x2  }
0x20b: {  	[tilespmem:s23], [sflag:$0x2] =	stream.indirect_vreg.gather [hbm4b:s3+s2], $0x80, v4, vm0, $0xb8;
	[tilespmem:$0x10100] =	vst v63  }
0x20c: {  	_ = 	snop  }
0x20d: {  	[tilespmem:s1], [sflag:$0x2] =	stream.indirect_vreg.gather [hbm4b:s3+s2], $0x80, v3, vm0, $0xb8;
	[tilespmem:$0x10100] =	vst v63  }
0x20e: {  	v3 =	vld [tilespmem:$0x90];
	_ =	sdelay $0x4  }
0x20f: {  	v41 =	vshll.u32 v3, $0x1  }
0x210: {  	v3 =	vand.u32 $0x7, v3;
	v4 =	vand.u32 $0xFFFFFFF0, v41  }
0x211: {  	v3 =	vor.u32 v3, v4  }
0x212: {  	v4 =	vperm.xlane v3, v0;
	_ =	sdelay $0x1  }
0x213: {  	v3 =	vperm.xlane v3, v2;
	v4 =	vadd.s32 v1, v4;
	_ =	sdelay $0x1  }
0x214: {  	v3 =	vadd.s32 v1, v3;
	_ =	sdelay $0x2  }
0x215: {  	[tilespmem:s0], [sflag:$0x2] =	stream.indirect_vreg.gather [hbm4b:s3+s2], $0x80, v4, vm0, $0xb8;
	[tilespmem:$0x10100] =	vst v63  }
0x216: {  	s31 =	simm.s32 $0x9900  }
0x217: {  	[tilespmem:s31], [sflag:$0x2] =	stream.indirect_vreg.gather [hbm4b:s3+s2], $0x80, v3, vm0, $0xb8;
	[tilespmem:$0x10100] =	vst v63  }
0x218: {  	v3 =	vld [tilespmem:$0xA0];
	_ =	sdelay $0x4  }
0x219: {  	v42 =	vshll.u32 v3, $0x1  }
0x21a: {  	v3 =	vand.u32 $0x7, v3;
	v4 =	vand.u32 $0xFFFFFFF0, v42  }
0x21b: {  	v3 =	vor.u32 v3, v4  }
0x21c: {  	v4 =	vperm.xlane v3, v0;
	_ =	sdelay $0x1  }
0x21d: {  	v3 =	vperm.xlane v3, v2;
	v4 =	vadd.s32 v1, v4;
	_ =	sdelay $0x1  }
0x21e: {  	v3 =	vadd.s32 v1, v3;
	_ =	sdelay $0x1  }
0x21f: {  	s28 =	simm.s32 $0xA100  }
0x220: {  	[tilespmem:s28], [sflag:$0x2] =	stream.indirect_vreg.gather [hbm4b:s3+s2], $0x80, v4, vm0, $0xb8;
	[tilespmem:$0x10100] =	vst v63  }
0x221: {  	s30 =	simm.s32 $0xA900  }
0x222: {  	[tilespmem:s30], [sflag:$0x2] =	stream.indirect_vreg.gather [hbm4b:s3+s2], $0x80, v3, vm0, $0xb8;
	[tilespmem:$0x10100] =	vst v63  }
0x223: {  	v3 =	vld [tilespmem:$0xB0];
	_ =	sdelay $0x4  }
0x224: {  	v43 =	vshll.u32 v3, $0x1  }
0x225: {  	v3 =	vand.u32 $0x7, v3;
	v4 =	vand.u32 $0xFFFFFFF0, v43  }
0x226: {  	v3 =	vor.u32 v3, v4  }
0x227: {  	v4 =	vperm.xlane v3, v0;
	_ =	sdelay $0x1  }
0x228: {  	v3 =	vperm.xlane v3, v2;
	v4 =	vadd.s32 v1, v4;
	_ =	sdelay $0x1  }
0x229: {  	v3 =	vadd.s32 v1, v3;
	_ =	sdelay $0x1  }
0x22a: {  	s26 =	simm.s32 $0xB100  }
0x22b: {  	[tilespmem:s26], [sflag:$0x2] =	stream.indirect_vreg.gather [hbm4b:s3+s2], $0x80, v4, vm0, $0xb8;
	[tilespmem:$0x10100] =	vst v63  }
0x22c: {  	s18 =	simm.s32 $0xB900  }
0x22d: {  	[tilespmem:s18], [sflag:$0x2] =	stream.indirect_vreg.gather [hbm4b:s3+s2], $0x80, v3, vm0, $0xb8;
	[tilespmem:$0x10100] =	vst v63  }
0x22e: {  	v3 =	vld [tilespmem:$0xC0];
	_ =	sdelay $0x4  }
0x22f: {  	v44 =	vshll.u32 v3, $0x1  }
0x230: {  	v3 =	vand.u32 $0x7, v3;
	v4 =	vand.u32 $0xFFFFFFF0, v44  }
0x231: {  	v3 =	vor.u32 v3, v4  }
0x232: {  	v4 =	vperm.xlane v3, v0;
	_ =	sdelay $0x1  }
0x233: {  	v3 =	vperm.xlane v3, v2;
	v4 =	vadd.s32 v1, v4;
	_ =	sdelay $0x1  }
0x234: {  	v3 =	vadd.s32 v1, v3;
	_ =	sdelay $0x1  }
0x235: {  	s20 =	simm.s32 $0xC100  }
0x236: {  	[tilespmem:s20], [sflag:$0x2] =	stream.indirect_vreg.gather [hbm4b:s3+s2], $0x80, v4, vm0, $0xb8;
	[tilespmem:$0x10100] =	vst v63  }
0x237: {  	s20 =	simm.s32 $0xC900  }
0x238: {  	[tilespmem:s20], [sflag:$0x2] =	stream.indirect_vreg.gather [hbm4b:s3+s2], $0x80, v3, vm0, $0xb8;
	[tilespmem:$0x10100] =	vst v63  }
0x239: {  	v3 =	vld [tilespmem:$0xD0];
	_ =	sdelay $0x4  }
0x23a: {  	v45 =	vshll.u32 v3, $0x1  }
0x23b: {  	v3 =	vand.u32 $0x7, v3;
	v4 =	vand.u32 $0xFFFFFFF0, v45  }
0x23c: {  	v3 =	vor.u32 v3, v4  }
0x23d: {  	v4 =	vperm.xlane v3, v0;
	_ =	sdelay $0x1  }
0x23e: {  	v3 =	vperm.xlane v3, v2;
	v4 =	vadd.s32 v1, v4;
	_ =	sdelay $0x1  }
0x23f: {  	v3 =	vadd.s32 v1, v3;
	_ =	sdelay $0x1  }
0x240: {  	s21 =	simm.s32 $0xD100  }
0x241: {  	[tilespmem:s21], [sflag:$0x2] =	stream.indirect_vreg.gather [hbm4b:s3+s2], $0x80, v4, vm0, $0xb8;
	[tilespmem:$0x10100] =	vst v63  }
0x242: {  	s21 =	simm.s32 $0xD900  }
0x243: {  	[tilespmem:s21], [sflag:$0x2] =	stream.indirect_vreg.gather [hbm4b:s3+s2], $0x80, v3, vm0, $0xb8;
	[tilespmem:$0x10100] =	vst v63  }
0x244: {  	v3 =	vld [tilespmem:$0xE0];
	_ =	sdelay $0x4  }
0x245: {  	v46 =	vshll.u32 v3, $0x1  }
0x246: {  	v3 =	vand.u32 $0x7, v3;
	v4 =	vand.u32 $0xFFFFFFF0, v46  }
0x247: {  	v3 =	vor.u32 v3, v4  }
0x248: {  	v4 =	vperm.xlane v3, v0;
	_ =	sdelay $0x1  }
0x249: {  	v3 =	vperm.xlane v3, v2;
	v4 =	vadd.s32 v1, v4;
	_ =	sdelay $0x1  }
0x24a: {  	v3 =	vadd.s32 v1, v3;
	_ =	sdelay $0x1  }
0x24b: {  	s22 =	simm.s32 $0xE100  }
0x24c: {  	[tilespmem:s22], [sflag:$0x2] =	stream.indirect_vreg.gather [hbm4b:s3+s2], $0x80, v4, vm0, $0xb8;
	[tilespmem:$0x10100] =	vst v63  }
0x24d: {  	s22 =	simm.s32 $0xE900  }
0x24e: {  	[tilespmem:s22], [sflag:$0x2] =	stream.indirect_vreg.gather [hbm4b:s3+s2], $0x80, v3, vm0, $0xb8;
	[tilespmem:$0x10100] =	vst v63  }
0x24f: {  	v3 =	vld [tilespmem:$0xF0];
	_ =	sdelay $0x4  }
0x250: {  	v47 =	vshll.u32 v3, $0x1  }
0x251: {  	v3 =	vand.u32 $0x7, v3;
	v4 =	vand.u32 $0xFFFFFFF0, v47  }
0x252: {  	v3 =	vor.u32 v3, v4  }
0x253: {  	v4 =	vperm.xlane v3, v0;
	_ =	sdelay $0x1  }
0x254: {  	v3 =	vperm.xlane v3, v2;
	v4 =	vadd.s32 v1, v4;
	_ =	sdelay $0x1  }
0x255: {  	v3 =	vadd.s32 v1, v3;
	_ =	sdelay $0x1  }
0x256: {  	s24 =	simm.s32 $0xF100  }
0x257: {  	[tilespmem:s24], [sflag:$0x2] =	stream.indirect_vreg.gather [hbm4b:s3+s2], $0x80, v4, vm0, $0xb8;
	[tilespmem:$0x10100] =	vst v63  }
0x258: {  	s24 =	simm.s32 $0xF900  }
0x259: {  	[tilespmem:s24], [sflag:$0x2] =	stream.indirect_vreg.gather [hbm4b:s3+s2], $0x80, v3, vm0, $0xb8;
	[tilespmem:$0x10100] =	vst v63  }
0x25a: {  	_ =	swait.ge [sflag:s13], $0x8000  }
0x25b: {  	[sflag:s13] =	ssyncset.done $0x0  }
0x25c: {  	s17 =	rddreg [dreg:$0xd];
	[sflag:s13] =	ssyncadd.s32 $0xFFFF8000  }
0x25d: {  	[hbm4b:s17+s2] =	stream.linear.scatter [tilespmem:s29], [sflag:$0x3], $0x8000, $0x38;
	[tilespmem:$0x10100] =	vst v63  }
0x25e: {  	s18 =	rddreg [dreg:$0xe]  }
0x25f: {  	[tilespmem:s2], [sflag:$0x5] =	stream.linear.gather [hbm4b:s18+s2], $0x80, $0x38;
	[tilespmem:$0x10100] =	vst v63  }
0x260: {  	_ =	swait.ge [sflag:s5], $0x80  }
0x261: {  	[sflag:s5] =	ssyncset.done $0x0  }
0x262: {  	[sflag:s5] =	ssyncadd.s32 $0xFFFFFF80  }
0x263: {  	_ =	swait.ge [sflag:s14], $0x8000  }
0x264: {  	[sflag:s14] =	ssyncset.done $0x0  }
0x265: {  	[sflag:s14] =	ssyncadd.s32 $0xFFFF8000  }
0x266: {  	v3 =	vld [tilespmem:$0x0];
	_ =	sdelay $0x4  }
0x267: {  	v48 =	vshll.u32 v3, $0x1  }
0x268: {  	v3 =	vand.u32 $0x7, v3;
	v4 =	vand.u32 $0xFFFFFFF0, v48  }
0x269: {  	v3 =	vor.u32 v3, v4  }
0x26a: {  	v4 =	vperm.xlane v3, v0;
	_ =	sdelay $0x1  }
0x26b: {  	v3 =	vperm.xlane v3, v2;
	v4 =	vadd.s32 v1, v4;
	_ =	sdelay $0x1  }
0x26c: {  	v3 =	vadd.s32 v1, v3;
	_ =	sdelay $0x2  }
0x26d: {  	[tilespmem:s29], [sflag:$0x1] =	stream.indirect_vreg.gather [hbm4b:s3+s2], $0x80, v4, vm0, $0xb8;
	[tilespmem:$0x10100] =	vst v63  }
0x26e: {  	s18 =	simm.s32 $0x900  }
0x26f: {  	[tilespmem:s18], [sflag:$0x1] =	stream.indirect_vreg.gather [hbm4b:s3+s2], $0x80, v3, vm0, $0xb8;
	[tilespmem:$0x10100] =	vst v63  }
0x270: {  	v3 =	vld [tilespmem:$0x10];
	_ =	sdelay $0x4  }
0x271: {  	v49 =	vshll.u32 v3, $0x1  }
0x272: {  	v3 =	vand.u32 $0x7, v3;
	v4 =	vand.u32 $0xFFFFFFF0, v49  }
0x273: {  	v3 =	vor.u32 v3, v4  }
0x274: {  	v4 =	vperm.xlane v3, v0;
	_ =	sdelay $0x1  }
0x275: {  	v3 =	vperm.xlane v3, v2;
	v4 =	vadd.s32 v1, v4;
	_ =	sdelay $0x1  }
0x276: {  	v3 =	vadd.s32 v1, v3;
	_ =	sdelay $0x1  }
0x277: {  	s6 =	simm.s32 $0x1100  }
0x278: {  	[tilespmem:s6], [sflag:$0x1] =	stream.indirect_vreg.gather [hbm4b:s3+s2], $0x80, v4, vm0, $0xb8;
	[tilespmem:$0x10100] =	vst v63  }
0x279: {  	s18 =	simm.s32 $0x1900  }
0x27a: {  	[tilespmem:s18], [sflag:$0x1] =	stream.indirect_vreg.gather [hbm4b:s3+s2], $0x80, v3, vm0, $0xb8;
	[tilespmem:$0x10100] =	vst v63  }
0x27b: {  	v3 =	vld [tilespmem:$0x20];
	_ =	sdelay $0x4  }
0x27c: {  	v50 =	vshll.u32 v3, $0x1  }
0x27d: {  	v3 =	vand.u32 $0x7, v3;
	v4 =	vand.u32 $0xFFFFFFF0, v50  }
0x27e: {  	v3 =	vor.u32 v3, v4  }
0x27f: {  	v4 =	vperm.xlane v3, v0;
	_ =	sdelay $0x1  }
0x280: {  	v3 =	vperm.xlane v3, v2;
	v4 =	vadd.s32 v1, v4;
	_ =	sdelay $0x1  }
0x281: {  	v3 =	vadd.s32 v1, v3;
	_ =	sdelay $0x1  }
0x282: {  	s7 =	simm.s32 $0x2100  }
0x283: {  	[tilespmem:s7], [sflag:$0x1] =	stream.indirect_vreg.gather [hbm4b:s3+s2], $0x80, v4, vm0, $0xb8;
	[tilespmem:$0x10100] =	vst v63  }
0x284: {  	s17 =	simm.s32 $0x2900  }
0x285: {  	[tilespmem:s17], [sflag:$0x1] =	stream.indirect_vreg.gather [hbm4b:s3+s2], $0x80, v3, vm0, $0xb8;
	[tilespmem:$0x10100] =	vst v63  }
0x286: {  	v3 =	vld [tilespmem:$0x30];
	_ =	sdelay $0x4  }
0x287: {  	v51 =	vshll.u32 v3, $0x1  }
0x288: {  	v3 =	vand.u32 $0x7, v3;
	v4 =	vand.u32 $0xFFFFFFF0, v51  }
0x289: {  	v3 =	vor.u32 v3, v4  }
0x28a: {  	v4 =	vperm.xlane v3, v0;
	_ =	sdelay $0x1  }
0x28b: {  	v3 =	vperm.xlane v3, v2;
	v4 =	vadd.s32 v1, v4;
	_ =	sdelay $0x1  }
0x28c: {  	v3 =	vadd.s32 v1, v3;
	_ =	sdelay $0x1  }
0x28d: {  	s8 =	simm.s32 $0x3100  }
0x28e: {  	[tilespmem:s8], [sflag:$0x1] =	stream.indirect_vreg.gather [hbm4b:s3+s2], $0x80, v4, vm0, $0xb8;
	[tilespmem:$0x10100] =	vst v63  }
0x28f: {  	s18 =	simm.s32 $0x3900  }
0x290: {  	[tilespmem:s18], [sflag:$0x1] =	stream.indirect_vreg.gather [hbm4b:s3+s2], $0x80, v3, vm0, $0xb8;
	[tilespmem:$0x10100] =	vst v63  }
0x291: {  	v3 =	vld [tilespmem:$0x40];
	_ =	sdelay $0x4  }
0x292: {  	v52 =	vshll.u32 v3, $0x1  }
0x293: {  	v3 =	vand.u32 $0x7, v3;
	v4 =	vand.u32 $0xFFFFFFF0, v52  }
0x294: {  	v3 =	vor.u32 v3, v4  }
0x295: {  	v4 =	vperm.xlane v3, v0;
	_ =	sdelay $0x1  }
0x296: {  	v3 =	vperm.xlane v3, v2;
	v4 =	vadd.s32 v1, v4;
	_ =	sdelay $0x1  }
0x297: {  	v3 =	vadd.s32 v1, v3;
	_ =	sdelay $0x1  }
0x298: {  	s9 =	simm.s32 $0x4100  }
0x299: {  	[tilespmem:s9], [sflag:$0x1] =	stream.indirect_vreg.gather [hbm4b:s3+s2], $0x80, v4, vm0, $0xb8;
	[tilespmem:$0x10100] =	vst v63  }
0x29a: {  	s7 =	simm.s32 $0x4900  }
0x29b: {  	[tilespmem:s7], [sflag:$0x1] =	stream.indirect_vreg.gather [hbm4b:s3+s2], $0x80, v3, vm0, $0xb8;
	[tilespmem:$0x10100] =	vst v63  }
0x29c: {  	v3 =	vld [tilespmem:$0x50];
	_ =	sdelay $0x4  }
0x29d: {  	v53 =	vshll.u32 v3, $0x1  }
0x29e: {  	v3 =	vand.u32 $0x7, v3;
	v4 =	vand.u32 $0xFFFFFFF0, v53  }
0x29f: {  	v3 =	vor.u32 v3, v4  }
0x2a0: {  	v4 =	vperm.xlane v3, v0;
	_ =	sdelay $0x1  }
0x2a1: {  	v3 =	vperm.xlane v3, v2;
	v4 =	vadd.s32 v1, v4;
	_ =	sdelay $0x1  }
0x2a2: {  	v3 =	vadd.s32 v1, v3;
	_ =	sdelay $0x1  }
0x2a3: {  	s8 =	simm.s32 $0x5100  }
0x2a4: {  	[tilespmem:s8], [sflag:$0x1] =	stream.indirect_vreg.gather [hbm4b:s3+s2], $0x80, v4, vm0, $0xb8;
	[tilespmem:$0x10100] =	vst v63  }
0x2a5: {  	s9 =	simm.s32 $0x5900  }
0x2a6: {  	[tilespmem:s9], [sflag:$0x1] =	stream.indirect_vreg.gather [hbm4b:s3+s2], $0x80, v3, vm0, $0xb8;
	[tilespmem:$0x10100] =	vst v63  }
0x2a7: {  	v3 =	vld [tilespmem:$0x60];
	_ =	sdelay $0x4  }
0x2a8: {  	v54 =	vshll.u32 v3, $0x1  }
0x2a9: {  	v3 =	vand.u32 $0x7, v3;
	v4 =	vand.u32 $0xFFFFFFF0, v54  }
0x2aa: {  	v3 =	vor.u32 v3, v4  }
0x2ab: {  	v4 =	vperm.xlane v3, v0;
	_ =	sdelay $0x1  }
0x2ac: {  	v3 =	vperm.xlane v3, v2;
	v4 =	vadd.s32 v1, v4;
	_ =	sdelay $0x1  }
0x2ad: {  	v3 =	vadd.s32 v1, v3;
	_ =	sdelay $0x1  }
0x2ae: {  	s10 =	simm.s32 $0x6100  }
0x2af: {  	[tilespmem:s10], [sflag:$0x1] =	stream.indirect_vreg.gather [hbm4b:s3+s2], $0x80, v4, vm0, $0xb8;
	[tilespmem:$0x10100] =	vst v63  }
0x2b0: {  	s11 =	simm.s32 $0x6900  }
0x2b1: {  	[tilespmem:s11], [sflag:$0x1] =	stream.indirect_vreg.gather [hbm4b:s3+s2], $0x80, v3, vm0, $0xb8;
	[tilespmem:$0x10100] =	vst v63  }
0x2b2: {  	v3 =	vld [tilespmem:$0x70];
	_ =	sdelay $0x4  }
0x2b3: {  	v55 =	vshll.u32 v3, $0x1  }
0x2b4: {  	v3 =	vand.u32 $0x7, v3;
	v4 =	vand.u32 $0xFFFFFFF0, v55  }
0x2b5: {  	v3 =	vor.u32 v3, v4  }
0x2b6: {  	v4 =	vperm.xlane v3, v0;
	_ =	sdelay $0x1  }
0x2b7: {  	v3 =	vperm.xlane v3, v2;
	v4 =	vadd.s32 v1, v4;
	_ =	sdelay $0x1  }
0x2b8: {  	v3 =	vadd.s32 v1, v3;
	_ =	sdelay $0x1  }
0x2b9: {  	s12 =	simm.s32 $0x7100  }
0x2ba: {  	[tilespmem:s12], [sflag:$0x1] =	stream.indirect_vreg.gather [hbm4b:s3+s2], $0x80, v4, vm0, $0xb8;
	[tilespmem:$0x10100] =	vst v63  }
0x2bb: {  	s19 =	simm.s32 $0x7900  }
0x2bc: {  	[tilespmem:s19], [sflag:$0x1] =	stream.indirect_vreg.gather [hbm4b:s3+s2], $0x80, v3, vm0, $0xb8;
	[tilespmem:$0x10100] =	vst v63  }
0x2bd: {  	_ =	swait.ge [sflag:s15], $0x8000  }
0x2be: {  	[sflag:s15] =	ssyncset.done $0x0  }
0x2bf: {  	s11 =	rddreg [dreg:$0xf];
	[sflag:s15] =	ssyncadd.s32 $0xFFFF8000  }
0x2c0: {  	[hbm4b:s11+s2] =	stream.linear.scatter [tilespmem:s23], [sflag:$0x4], $0x8000, $0x38;
	[tilespmem:$0x10100] =	vst v63  }
0x2c1: {  	s17 =	simm.s32 $0x80;
	s12 =	rddreg [dreg:$0x10]  }
0x2c2: {  	[tilespmem:s17], [sflag:$0x5] =	stream.linear.gather [hbm4b:s12+s2], $0x80, $0x38;
	[tilespmem:$0x10100] =	vst v63  }
0x2c3: {  	_ =	swait.ge [sflag:s5], $0x80  }
0x2c4: {  	[sflag:s5] =	ssyncset.done $0x0  }
0x2c5: {  	[sflag:s5] =	ssyncadd.s32 $0xFFFFFF80  }
0x2c6: {  	_ =	swait.ge [sflag:s16], $0x8000  }
0x2c7: {  	[sflag:s16] =	ssyncset.done $0x0  }
0x2c8: {  	[sflag:s16] =	ssyncadd.s32 $0xFFFF8000  }
0x2c9: {  	v3 =	vld [tilespmem:$0x80];
	_ =	sdelay $0x4  }
0x2ca: {  	v56 =	vshll.u32 v3, $0x1  }
0x2cb: {  	v3 =	vand.u32 $0x7, v3;
	v4 =	vand.u32 $0xFFFFFFF0, v56  }
0x2cc: {  	v3 =	vor.u32 v3, v4  }
0x2cd: {  	v4 =	vperm.xlane v3, v0;
	_ =	sdelay $0x1  }
0x2ce: {  	v3 =	vperm.xlane v3, v2;
	v4 =	vadd.s32 v1, v4;
	_ =	sdelay $0x1  }
0x2cf: {  	v3 =	vadd.s32 v1, v3;
	_ =	sdelay $0x2  }
0x2d0: {  	[tilespmem:s23], [sflag:$0x2] =	stream.indirect_vreg.gather [hbm4b:s3+s2], $0x80, v4, vm0, $0xb8;
	[tilespmem:$0x10100] =	vst v63  }
0x2d1: {  	s1 =	simm.s32 $0x8900  }
0x2d2: {  	[tilespmem:s1], [sflag:$0x2] =	stream.indirect_vreg.gather [hbm4b:s3+s2], $0x80, v3, vm0, $0xb8;
	[tilespmem:$0x10100] =	vst v63  }
0x2d3: {  	v3 =	vld [tilespmem:$0x90];
	_ =	sdelay $0x4  }
0x2d4: {  	v57 =	vshll.u32 v3, $0x1  }
0x2d5: {  	v3 =	vand.u32 $0x7, v3;
	v4 =	vand.u32 $0xFFFFFFF0, v57  }
0x2d6: {  	v3 =	vor.u32 v3, v4  }
0x2d7: {  	v4 =	vperm.xlane v3, v0;
	_ =	sdelay $0x1  }
0x2d8: {  	v3 =	vperm.xlane v3, v2;
	v4 =	vadd.s32 v1, v4;
	_ =	sdelay $0x1  }
0x2d9: {  	v3 =	vadd.s32 v1, v3;
	_ =	sdelay $0x1  }
0x2da: {  	s0 =	simm.s32 $0x9100  }
0x2db: {  	[tilespmem:s0], [sflag:$0x2] =	stream.indirect_vreg.gather [hbm4b:s3+s2], $0x80, v4, vm0, $0xb8;
	[tilespmem:$0x10100] =	vst v63  }
0x2dc: {  	s19 =	simm.s32 $0x9900  }
0x2dd: {  	[tilespmem:s19], [sflag:$0x2] =	stream.indirect_vreg.gather [hbm4b:s3+s2], $0x80, v3, vm0, $0xb8;
	[tilespmem:$0x10100] =	vst v63  }
0x2de: {  	v3 =	vld [tilespmem:$0xA0];
	_ =	sdelay $0x4  }
0x2df: {  	v58 =	vshll.u32 v3, $0x1  }
0x2e0: {  	v3 =	vand.u32 $0x7, v3;
	v4 =	vand.u32 $0xFFFFFFF0, v58  }
0x2e1: {  	v3 =	vor.u32 v3, v4  }
0x2e2: {  	v4 =	vperm.xlane v3, v0;
	_ =	sdelay $0x1  }
0x2e3: {  	v3 =	vperm.xlane v3, v2;
	v4 =	vadd.s32 v1, v4;
	_ =	sdelay $0x1  }
0x2e4: {  	v3 =	vadd.s32 v1, v3;
	_ =	sdelay $0x1  }
0x2e5: {  	s25 =	simm.s32 $0xA100  }
0x2e6: {  	[tilespmem:s25], [sflag:$0x2] =	stream.indirect_vreg.gather [hbm4b:s3+s2], $0x80, v4, vm0, $0xb8;
	[tilespmem:$0x10100] =	vst v63  }
0x2e7: {  	s31 =	simm.s32 $0xA900  }
0x2e8: {  	[tilespmem:s31], [sflag:$0x2] =	stream.indirect_vreg.gather [hbm4b:s3+s2], $0x80, v3, vm0, $0xb8;
	[tilespmem:$0x10100] =	vst v63  }
0x2e9: {  	v3 =	vld [tilespmem:$0xB0];
	_ =	sdelay $0x4  }
0x2ea: {  	v59 =	vshll.u32 v3, $0x1  }
0x2eb: {  	v3 =	vand.u32 $0x7, v3;
	v4 =	vand.u32 $0xFFFFFFF0, v59  }
0x2ec: {  	v3 =	vor.u32 v3, v4  }
0x2ed: {  	v4 =	vperm.xlane v3, v0;
	_ =	sdelay $0x1  }
0x2ee: {  	v3 =	vperm.xlane v3, v2;
	v4 =	vadd.s32 v1, v4;
	_ =	sdelay $0x1  }
0x2ef: {  	v3 =	vadd.s32 v1, v3;
	_ =	sdelay $0x1  }
0x2f0: {  	s28 =	simm.s32 $0xB100  }
0x2f1: {  	[tilespmem:s28], [sflag:$0x2] =	stream.indirect_vreg.gather [hbm4b:s3+s2], $0x80, v4, vm0, $0xb8;
	[tilespmem:$0x10100] =	vst v63  }
0x2f2: {  	s30 =	simm.s32 $0xB900  }
0x2f3: {  	[tilespmem:s30], [sflag:$0x2] =	stream.indirect_vreg.gather [hbm4b:s3+s2], $0x80, v3, vm0, $0xb8;
	[tilespmem:$0x10100] =	vst v63  }
0x2f4: {  	v3 =	vld [tilespmem:$0xC0];
	_ =	sdelay $0x4  }
0x2f5: {  	v60 =	vshll.u32 v3, $0x1  }
0x2f6: {  	v3 =	vand.u32 $0x7, v3;
	v4 =	vand.u32 $0xFFFFFFF0, v60  }
0x2f7: {  	v3 =	vor.u32 v3, v4  }
0x2f8: {  	v4 =	vperm.xlane v3, v0;
	_ =	sdelay $0x1  }
0x2f9: {  	v3 =	vperm.xlane v3, v2;
	v4 =	vadd.s32 v1, v4;
	_ =	sdelay $0x1  }
0x2fa: {  	v3 =	vadd.s32 v1, v3;
	_ =	sdelay $0x1  }
0x2fb: {  	s26 =	simm.s32 $0xC100  }
0x2fc: {  	[tilespmem:s26], [sflag:$0x2] =	stream.indirect_vreg.gather [hbm4b:s3+s2], $0x80, v4, vm0, $0xb8;
	[tilespmem:$0x10100] =	vst v63  }
0x2fd: {  	s25 =	simm.s32 $0xC900  }
0x2fe: {  	[tilespmem:s25], [sflag:$0x2] =	stream.indirect_vreg.gather [hbm4b:s3+s2], $0x80, v3, vm0, $0xb8;
	[tilespmem:$0x10100] =	vst v63  }
0x2ff: {  	v3 =	vld [tilespmem:$0xD0];
	_ =	sdelay $0x4  }
0x300: {  	v61 =	vshll.u32 v3, $0x1  }
0x301: {  	v3 =	vand.u32 $0x7, v3;
	v4 =	vand.u32 $0xFFFFFFF0, v61  }
0x302: {  	v3 =	vor.u32 v3, v4  }
0x303: {  	v4 =	vperm.xlane v3, v0;
	_ =	sdelay $0x1  }
0x304: {  	v3 =	vperm.xlane v3, v2;
	v4 =	vadd.s32 v1, v4;
	_ =	sdelay $0x1  }
0x305: {  	v3 =	vadd.s32 v1, v3;
	_ =	sdelay $0x1  }
0x306: {  	s20 =	simm.s32 $0xD100  }
0x307: {  	[tilespmem:s20], [sflag:$0x2] =	stream.indirect_vreg.gather [hbm4b:s3+s2], $0x80, v4, vm0, $0xb8;
	[tilespmem:$0x10100] =	vst v63  }
0x308: {  	s26 =	simm.s32 $0xD900  }
0x309: {  	[tilespmem:s26], [sflag:$0x2] =	stream.indirect_vreg.gather [hbm4b:s3+s2], $0x80, v3, vm0, $0xb8;
	[tilespmem:$0x10100] =	vst v63  }
0x30a: {  	v3 =	vld [tilespmem:$0xE0];
	_ =	sdelay $0x4  }
0x30b: {  	v62 =	vshll.u32 v3, $0x1  }
0x30c: {  	v3 =	vand.u32 $0x7, v3;
	v4 =	vand.u32 $0xFFFFFFF0, v62  }
0x30d: {  	v3 =	vor.u32 v3, v4  }
0x30e: {  	v4 =	vperm.xlane v3, v0;
	_ =	sdelay $0x1  }
0x30f: {  	v3 =	vperm.xlane v3, v2;
	v4 =	vadd.s32 v1, v4;
	_ =	sdelay $0x1  }
0x310: {  	v3 =	vadd.s32 v1, v3;
	_ =	sdelay $0x1  }
0x311: {  	s21 =	simm.s32 $0xE100  }
0x312: {  	[tilespmem:s21], [sflag:$0x2] =	stream.indirect_vreg.gather [hbm4b:s3+s2], $0x80, v4, vm0, $0xb8;
	[tilespmem:$0x10100] =	vst v63  }
0x313: {  	s28 =	simm.s32 $0xE900  }
0x314: {  	[tilespmem:s28], [sflag:$0x2] =	stream.indirect_vreg.gather [hbm4b:s3+s2], $0x80, v3, vm0, $0xb8;
	[tilespmem:$0x10100] =	vst v63  }
0x315: {  	v3 =	vld [tilespmem:$0xF0];
	_ =	sdelay $0x4  }
0x316: {  	v63 =	vshll.u32 v3, $0x1  }
0x317: {  	v3 =	vand.u32 $0x7, v3;
	v4 =	vand.u32 $0xFFFFFFF0, v63  }
0x318: {  	v3 =	vor.u32 v3, v4  }
0x319: {  	v4 =	vperm.xlane v3, v0;
	_ =	sdelay $0x1  }
0x31a: {  	v3 =	vperm.xlane v3, v2;
	v4 =	vadd.s32 v1, v4;
	_ =	sdelay $0x1  }
0x31b: {  	v3 =	vadd.s32 v1, v3;
	_ =	sdelay $0x1  }
0x31c: {  	s22 =	simm.s32 $0xF100  }
0x31d: {  	[tilespmem:s22], [sflag:$0x2] =	stream.indirect_vreg.gather [hbm4b:s3+s2], $0x80, v4, vm0, $0xb8;
	[tilespmem:$0x10100] =	vst v63  }
0x31e: {  	s24 =	simm.s32 $0xF900  }
0x31f: {  	[tilespmem:s24], [sflag:$0x2] =	stream.indirect_vreg.gather [hbm4b:s3+s2], $0x80, v3, vm0, $0xb8;
	[tilespmem:$0x10100] =	vst v63  }
0x320: {  	_ =	swait.ge [sflag:s13], $0x8000  }
0x321: {  	[sflag:s13] =	ssyncset.done $0x0  }
0x322: {  	s30 =	rddreg [dreg:$0x11];
	[sflag:s13] =	ssyncadd.s32 $0xFFFF8000  }
0x323: {  	[hbm4b:s30+s2] =	stream.linear.scatter [tilespmem:s29], [sflag:$0x3], $0x8000, $0x38;
	[tilespmem:$0x10100] =	vst v63  }
0x324: {  	_ =	swait.ge [sflag:s15], $0x8000  }
0x325: {  	[sflag:s15] =	ssyncset.done $0x0  }
0x326: {  	s31 =	rddreg [dreg:$0x12];
	[sflag:s15] =	ssyncadd.s32 $0xFFFF8000  }
0x327: {  	[hbm4b:s31+s2] =	stream.linear.scatter [tilespmem:s23], [sflag:$0x4], $0x8000, $0x38;
	[tilespmem:$0x10100] =	vst v63  }
0x328: {  	p0 =	sne.s32 s4, $0x1;
	_ =	swait.ge [sflag:s16], $0x8000  }
.Ltmp0:
0x329: {  	[sflag:s16] =	ssyncset.done $0x0;
	(pc) =	sbr.rel @p0 .LBB2_1-.Ltmp0, $4  }
0x32a: {  	[sflag:s16] =	ssyncadd.s32 $0xFFFF8000  }
0x32b: {  	_ =	swait.ge [sflag:s14], $0x8000  }
0x32c: {  	[sflag:s14] =	ssyncset.done $0x0  }
0x32d: {  	s4 =	sadd.s32 $0xFFFFFFFF, s4;
	[sflag:s14] =	ssyncadd.s32 $0xFFFF8000  }
0x32e: {  	_ =	sfence.sel $0x180000  }
0x32f: {  	[bflag:$0x0] =	sbarrier.arrive $0xFFFF  }
0x330: {  	_ =	strace $0x90000047  }
0x331: {  	s0 =	stileid.u32;
	[bflag:$0x2] =	sbarrier.arrive $0xFFFF  }
0x332: {  	p0 =	sne.s32 s0, $0x0;
	s0 =	rddreg [dreg:$0x2]  }
0x333: {  	s0 =	sadd.s32 @!p0 $0x100000, s0  }
0x334: {  	[sflag:s0] =	ssyncadd.tile.s32 @!p0 $0x1;
	_ =	shalt  }
.Lfunc_end2:
_tile_overlayer_lowered:
.L_overlay_start_2:
0x335: {  	(tag) =	ssettag $0x2  }
0x336: {  	s0 =	rddreg [dreg:$0x0];
	s2 =	stileid.u32  }
0x337: {  	s1 =	rddreg [dreg:$0x1];
	p0 =	sne.s32 s2, $0x0  }
0x338: {  	s3 =	rddreg [dreg:$0x2];
	[bflag:$0x3] =	sbarrier.arrive $0xFFFF;
	s2 =	simm.s32 @!p0 $0x1C05  }
0x339: {  	[timem:s3], [sflag:s2] =	dma.local @!p0 [hbm:s0], s1  }
0x33a: {  	s0 =	simm.s32 @!p0 $0x5  }
0x33b: {  	_ =	swait.ge @!p0 [sflag:s0], s1  }
0x33c: {  	s1 =	ssub.s32 @!p0 $0x0, s1;
	[sflag:s0] =	ssyncset.done @!p0 $0x0  }
0x33d: {  	[sflag:s0] =	ssyncadd.s32 @!p0 s1  }
0x33e: {  	[bflag:$0x3] =	sbarrier.arrive $0xFFFF  }
0x33f: {  	_ =	shalt  }

</sc_bundles>
